<compile_context>
chip_gen: v7x
topology: tpu7x:2x2x1
jax: 0.10.2.dev20260603
libtpu: 0.0.44.dev20260713+nightly
codegen_flags: <defaults>
</compile_context>

<pallas_src>
import functools

import jax
import jax.numpy as jnp
from jax import lax
from jax.experimental import pallas as pl
from jax.experimental.pallas import tpu as pltpu
from jax.experimental.pallas import tpu_sc as plsc

NC, NS, LANES = 2, 16, 16
NW = NC * NS
CD = 4
NB = 4
CUNROLL = 8
TC_FRAC_NUM, TC_FRAC_DEN = 1, 2
TC_BB = 128


def _sc_add_call(tok_flat, pos_flat, Bs, P, row0):
    n_rows = Bs // NW
    CH = P // CD
    SCK = n_rows * CD
    G = SCK // NB
    mesh = plsc.VectorSubcoreMesh(core_axis_name="c", subcore_axis_name="s")

    @functools.partial(
        pl.kernel,
        out_type=jax.ShapeDtypeStruct(((row0 + Bs) * P,), jnp.float32),
        mesh=mesh,
        scratch_types=[
            pltpu.VMEM((P,), jnp.float32),
            *[pltpu.VMEM((CH,), jnp.float32) for _ in range(2 * NB)],
            *[pltpu.SemaphoreType.DMA for _ in range(2 * NB)],
        ],
    )
    def sc_add(tok_hbm, pos_hbm, out_hbm, pos_v, *bufs_and_sems):
        ibs = list(bufs_and_sems[0:NB])
        obs = list(bufs_and_sems[NB:2 * NB])
        sis = list(bufs_and_sems[2 * NB:3 * NB])
        sos = list(bufs_and_sems[3 * NB:4 * NB])
        wid = lax.axis_index("s") * NC + lax.axis_index("c")
        base = (row0 + wid * n_rows) * P
        pltpu.sync_copy(pos_hbm, pos_v)

        def start_in(idx, s):
            pltpu.make_async_copy(
                tok_hbm.at[pl.ds(base + idx * CH, CH)], ibs[s], sis[s]
            ).start()

        def wait_in(s):
            pltpu.make_async_copy(
                tok_hbm.at[pl.ds(0, CH)], ibs[s], sis[s]
            ).wait()

        def start_out(idx, s):
            pltpu.make_async_copy(
                obs[s], out_hbm.at[pl.ds(base + idx * CH, CH)], sos[s]
            ).start()

        def wait_out(s):
            pltpu.make_async_copy(
                obs[s], out_hbm.at[pl.ds(0, CH)], sos[s]
            ).wait()

        def compute(s):
            col = (s % CD) * CH
            ib, ob = ibs[s], obs[s]

            def jbody(j, carry):
                o = j * (LANES * CUNROLL)
                for u in range(CUNROLL):
                    oo = o + u * LANES
                    ob[pl.ds(oo, LANES)] = (
                        ib[pl.ds(oo, LANES)] + pos_v[pl.ds(col + oo, LANES)]
                    )
                return carry

            lax.fori_loop(0, CH // (LANES * CUNROLL), jbody, 0)

        for s in range(NB):
            start_in(s, s)
        for s in range(NB):
            wait_in(s)
            compute(s)
            start_out(s, s)
            start_in(s + NB, s)

        def gbody(g, carry):
            for s in range(NB):
                idx = g * NB + s
                wait_in(s)
                wait_out(s)
                compute(s)
                start_out(idx, s)
                start_in(idx + NB, s)
            return carry

        lax.fori_loop(1, G - 1, gbody, 0)

        for s in range(NB):
            idx = (G - 1) * NB + s
            wait_in(s)
            wait_out(s)
            compute(s)
            start_out(idx, s)
        for s in range(NB):
            wait_out(s)

    return sc_add(tok_flat, pos_flat)


def _tc_body(tok_ref, pos_ref, acc_ref, out_ref):
    del acc_ref
    out_ref[...] = tok_ref[...] + pos_ref[...]


def _tc_add_call(tok, pos, sc_out, Bt):
    B, S, D = tok.shape
    return pl.pallas_call(
        _tc_body,
        grid=(Bt // TC_BB, 5),
        in_specs=[
            pl.BlockSpec((TC_BB, S // 5, D), lambda i, j: (i, j, 0)),
            pl.BlockSpec((S // 5, D), lambda i, j: (j, 0)),
            pl.BlockSpec(memory_space=pl.ANY),
        ],
        out_specs=pl.BlockSpec((TC_BB, S // 5, D), lambda i, j: (i, j, 0)),
        out_shape=jax.ShapeDtypeStruct((B, S, D), tok.dtype),
        input_output_aliases={2: 0},
    )(tok, pos, sc_out)


def kernel(encoded_tokens, pos_table):
    B, S, D = encoded_tokens.shape
    P = S * D
    Bt = (B * TC_FRAC_NUM // TC_FRAC_DEN) // NW * NW
    Bs = B - Bt
    out_sc = _sc_add_call(
        encoded_tokens.reshape(B * P), pos_table.reshape(P), Bs, P, Bt
    )
    return _tc_add_call(encoded_tokens, pos_table, out_sc.reshape(B, S, D), Bt)

# --- scband reference (transcript-rebuilt; emitter-appended) ---
"""Pipeline reference for scband-positional-encoder-21715354648758 (READ-ONLY COPY).

The authoritative reference and input builder live on the scoring server;
editing this copy changes nothing except your own understanding.
"""

import jax, jax.numpy as jnp
import numpy as np

BATCH = 4096
SEQ = 200
EMBED_DIM = 128

def setup_inputs(seed: int = 0) -> dict:
    key = jax.random.key(seed)
    k1, k2 = jax.random.split(key)
    encoded_tokens = jax.random.normal(k1, (BATCH, SEQ, EMBED_DIM), dtype=jnp.float32)
    # learned position embedding table, lazily created as nn.Embedding(SEQ, EMBED_DIM) in torch
    pos_table = jax.random.normal(k2, (SEQ, EMBED_DIM), dtype=jnp.float32)
    return {"encoded_tokens": encoded_tokens, "pos_table": pos_table}

def reference(encoded_tokens, pos_table):
    # positions = arange(num_tokens); encoded_positions = embedding(positions)
    positions = jnp.arange(encoded_tokens.shape[1], dtype=jnp.int32)
    encoded_positions = jnp.take(pos_table, positions, axis=0)  # [SEQ, EMBED_DIM]
    # broadcast add over batch dim, matching torch: encoded_tokens + encoded_positions
    return encoded_tokens + encoded_positions[None, :, :]

if __name__ == "__main__":
    import jax
    _d = setup_inputs()
    print(jax.jit(kernel)(*tuple(_d.values())))

</pallas_src>

<mosaic_0001>
#map = affine_map<(d0, d1) -> (0)>
module attributes {stable_mosaic.version = 14 : i64} {
  func.func @sc_add(%arg0: i32, %arg1: i32, %arg2: memref<104857600xf32, #tpu.memory_space<hbm>>, %arg3: memref<25600xf32, #tpu.memory_space<hbm>>, %arg4: memref<104857600xf32, #tpu.memory_space<hbm>>, %arg5: memref<25600xf32, #tpu.memory_space<vmem>>, %arg6: memref<6400xf32, #tpu.memory_space<vmem>>, %arg7: memref<6400xf32, #tpu.memory_space<vmem>>, %arg8: memref<6400xf32, #tpu.memory_space<vmem>>, %arg9: memref<6400xf32, #tpu.memory_space<vmem>>, %arg10: memref<6400xf32, #tpu.memory_space<vmem>>, %arg11: memref<6400xf32, #tpu.memory_space<vmem>>, %arg12: memref<6400xf32, #tpu.memory_space<vmem>>, %arg13: memref<6400xf32, #tpu.memory_space<vmem>>, %arg14: memref<!tpu.dma_semaphore, #tpu.memory_space<semaphore_mem>>, %arg15: memref<!tpu.dma_semaphore, #tpu.memory_space<semaphore_mem>>, %arg16: memref<!tpu.dma_semaphore, #tpu.memory_space<semaphore_mem>>, %arg17: memref<!tpu.dma_semaphore, #tpu.memory_space<semaphore_mem>>, %arg18: memref<!tpu.dma_semaphore, #tpu.memory_space<semaphore_mem>>, %arg19: memref<!tpu.dma_semaphore, #tpu.memory_space<semaphore_mem>>, %arg20: memref<!tpu.dma_semaphore, #tpu.memory_space<semaphore_mem>>, %arg21: memref<!tpu.dma_semaphore, #tpu.memory_space<semaphore_mem>>) attributes {dimension_semantics = [#tpu.dimension_semantics<core_parallel>, #tpu.dimension_semantics<subcore_parallel>], iteration_bounds = array<i64: 2, 16>, scalar_prefetch = 0 : i64, scratch_operands = 17 : i64, tpu.core_type = #tpu.core_type<sc_vector_subcore>, window_params = [{transform_indices = #map}, {transform_indices = #map}, {transform_indices = #map}]} {
    %mul3A = arith.constant 2 : i32
    %mul3A_0 = arith.muli %arg1, %mul3A : i32
    %add3A = arith.addi %mul3A_0, %arg0 : i32
    %mul3A_1 = arith.constant 64 : i32
    %mul3A_2 = arith.muli %add3A, %mul3A_1 : i32
    %add3A_3 = arith.constant 2048 : i32
    %add3A_4 = arith.addi %add3A_3, %mul3A_2 : i32
    %mul3A_5 = arith.constant 25600 : i32
    %mul3A_6 = arith.muli %add3A_4, %mul3A_5 : i32
    "tpu.region"() ({
      %run_scoped3A = tpu.sem_alloc : memref<!tpu.dma_semaphore, #tpu.memory_space<semaphore_mem>>
      tpu.enqueue_dma source(%arg3 : memref<25600xf32, #tpu.memory_space<hbm>>) target(%arg5 : memref<25600xf32, #tpu.memory_space<vmem>>) target_semaphore(%run_scoped3A : memref<!tpu.dma_semaphore, #tpu.memory_space<semaphore_mem>>)
      tpu.wait_dma2 semaphore(%run_scoped3A : memref<!tpu.dma_semaphore, #tpu.memory_space<semaphore_mem>>) src(%arg3 : memref<25600xf32, #tpu.memory_space<hbm>>) dst(%arg5 : memref<25600xf32, #tpu.memory_space<vmem>>)
      tpu.yield
    }) : () -> ()
    %add3A_7 = arith.constant 0 : i32
    %add3A_8 = arith.addi %mul3A_6, %add3A_7 : i32
    %dma_start3A = tpu.memref_slice %arg2[%add3A_8] : memref<104857600xf32, #tpu.memory_space<hbm>> -> memref<6400xf32, #tpu.memory_space<hbm>>
    %dma_start3A_9 = tpu.memref_slice %arg2[%add3A_8] : memref<104857600xf32, #tpu.memory_space<hbm>> -> memref<6400xf32, #tpu.memory_space<hbm>>
    tpu.enqueue_dma source(%dma_start3A_9 : memref<6400xf32, #tpu.memory_space<hbm>>) target(%arg6 : memref<6400xf32, #tpu.memory_space<vmem>>) target_semaphore(%arg14 : memref<!tpu.dma_semaphore, #tpu.memory_space<semaphore_mem>>)
    %add3A_10 = arith.constant 6400 : i32
    %add3A_11 = arith.addi %mul3A_6, %add3A_10 : i32
    %dma_start3A_12 = tpu.memref_slice %arg2[%add3A_11] : memref<104857600xf32, #tpu.memory_space<hbm>> -> memref<6400xf32, #tpu.memory_space<hbm>>
    %dma_start3A_13 = tpu.memref_slice %arg2[%add3A_11] : memref<104857600xf32, #tpu.memory_space<hbm>> -> memref<6400xf32, #tpu.memory_space<hbm>>
    tpu.enqueue_dma source(%dma_start3A_13 : memref<6400xf32, #tpu.memory_space<hbm>>) target(%arg7 : memref<6400xf32, #tpu.memory_space<vmem>>) target_semaphore(%arg15 : memref<!tpu.dma_semaphore, #tpu.memory_space<semaphore_mem>>)
    %add3A_14 = arith.constant 12800 : i32
    %add3A_15 = arith.addi %mul3A_6, %add3A_14 : i32
    %dma_start3A_16 = tpu.memref_slice %arg2[%add3A_15] : memref<104857600xf32, #tpu.memory_space<hbm>> -> memref<6400xf32, #tpu.memory_space<hbm>>
    %dma_start3A_17 = tpu.memref_slice %arg2[%add3A_15] : memref<104857600xf32, #tpu.memory_space<hbm>> -> memref<6400xf32, #tpu.memory_space<hbm>>
    tpu.enqueue_dma source(%dma_start3A_17 : memref<6400xf32, #tpu.memory_space<hbm>>) target(%arg8 : memref<6400xf32, #tpu.memory_space<vmem>>) target_semaphore(%arg16 : memref<!tpu.dma_semaphore, #tpu.memory_space<semaphore_mem>>)
    %add3A_18 = arith.constant 19200 : i32
    %add3A_19 = arith.addi %mul3A_6, %add3A_18 : i32
    %dma_start3A_20 = tpu.memref_slice %arg2[%add3A_19] : memref<104857600xf32, #tpu.memory_space<hbm>> -> memref<6400xf32, #tpu.memory_space<hbm>>
    %dma_start3A_21 = tpu.memref_slice %arg2[%add3A_19] : memref<104857600xf32, #tpu.memory_space<hbm>> -> memref<6400xf32, #tpu.memory_space<hbm>>
    tpu.enqueue_dma source(%dma_start3A_21 : memref<6400xf32, #tpu.memory_space<hbm>>) target(%arg9 : memref<6400xf32, #tpu.memory_space<vmem>>) target_semaphore(%arg17 : memref<!tpu.dma_semaphore, #tpu.memory_space<semaphore_mem>>)
    %dma_wait3A = arith.constant 0 : i32
    %dma_wait3A_22 = tpu.memref_slice %arg2[%dma_wait3A] : memref<104857600xf32, #tpu.memory_space<hbm>> -> memref<6400xf32, #tpu.memory_space<hbm>>
    %dma_wait3A_23 = arith.constant 0 : i32
    %dma_wait3A_24 = tpu.memref_slice %arg2[%dma_wait3A_23] : memref<104857600xf32, #tpu.memory_space<hbm>> -> memref<6400xf32, #tpu.memory_space<hbm>>
    tpu.wait_dma2 semaphore(%arg14 : memref<!tpu.dma_semaphore, #tpu.memory_space<semaphore_mem>>) src(%dma_wait3A_24 : memref<6400xf32, #tpu.memory_space<hbm>>) dst(%arg6 : memref<6400xf32, #tpu.memory_space<vmem>>)
    %scan3A = arith.constant 0 : i32
    %scan3A_25 = arith.constant 0 : i32
    %scan3A_26 = arith.constant 50 : i32
    %scan3A_27 = arith.addi %scan3A_25, %scan3A_26 : i32
    %scan3A_28 = arith.constant 1 : i32
    scf.for %scan3A_186 = %scan3A_25 to %scan3A_27 step %scan3A_28  : i32 {
      %mul3A_187 = arith.constant 128 : i32
      %mul3A_188 = arith.muli %scan3A_186, %mul3A_187 : i32
      %add3A_189 = arith.constant 0 : i32
      %add3A_190 = arith.addi %mul3A_188, %add3A_189 : i32
      %get3A = arith.index_cast %add3A_190 : i32 to index
      %get3A_191 = tpu.vector_load %arg6[%get3A] {strides = array<i32>} : memref<6400xf32, #tpu.memory_space<vmem>>, vector<16xf32>,
      %get3A_192 = vector.shape_cast %get3A_191 : vector<16xf32> to vector<16xf32>
      %add3A_193 = arith.constant 0 : i32
      %add3A_194 = arith.addi %add3A_193, %add3A_190 : i32
      %get3A_195 = arith.index_cast %add3A_194 : i32 to index
      %get3A_196 = tpu.vector_load %arg5[%get3A_195] {strides = array<i32>} : memref<25600xf32, #tpu.memory_space<vmem>>, vector<16xf32>,
      %get3A_197 = vector.shape_cast %get3A_196 : vector<16xf32> to vector<16xf32>
      %add3A_198 = arith.addf %get3A_192, %get3A_197 : vector<16xf32>
      %swap3A = arith.index_cast %add3A_190 : i32 to index
      %swap3A_199 = tpu.vector_load %arg10[%swap3A] {strides = array<i32>} : memref<6400xf32, #tpu.memory_space<vmem>>, vector<16xf32>,
      %swap3A_200 = vector.shape_cast %swap3A_199 : vector<16xf32> to vector<16xf32>
      %swap3A_201 = vector.shape_cast %add3A_198 : vector<16xf32> to vector<16xf32>
      tpu.vector_store %arg10[%swap3A], %swap3A_201 {strides = array<i32>} : memref<6400xf32, #tpu.memory_space<vmem>>, vector<16xf32>,
      %add3A_202 = arith.constant 16 : i32
      %add3A_203 = arith.addi %mul3A_188, %add3A_202 : i32
      %get3A_204 = arith.index_cast %add3A_203 : i32 to index
      %get3A_205 = tpu.vector_load %arg6[%get3A_204] {strides = array<i32>} : memref<6400xf32, #tpu.memory_space<vmem>>, vector<16xf32>,
      %get3A_206 = vector.shape_cast %get3A_205 : vector<16xf32> to vector<16xf32>
      %add3A_207 = arith.constant 0 : i32
      %add3A_208 = arith.addi %add3A_207, %add3A_203 : i32
      %get3A_209 = arith.index_cast %add3A_208 : i32 to index
      %get3A_210 = tpu.vector_load %arg5[%get3A_209] {strides = array<i32>} : memref<25600xf32, #tpu.memory_space<vmem>>, vector<16xf32>,
      %get3A_211 = vector.shape_cast %get3A_210 : vector<16xf32> to vector<16xf32>
      %add3A_212 = arith.addf %get3A_206, %get3A_211 : vector<16xf32>
      %swap3A_213 = arith.index_cast %add3A_203 : i32 to index
      %swap3A_214 = tpu.vector_load %arg10[%swap3A_213] {strides = array<i32>} : memref<6400xf32, #tpu.memory_space<vmem>>, vector<16xf32>,
      %swap3A_215 = vector.shape_cast %swap3A_214 : vector<16xf32> to vector<16xf32>
      %swap3A_216 = vector.shape_cast %add3A_212 : vector<16xf32> to vector<16xf32>
      tpu.vector_store %arg10[%swap3A_213], %swap3A_216 {strides = array<i32>} : memref<6400xf32, #tpu.memory_space<vmem>>, vector<16xf32>,
      %add3A_217 = arith.constant 32 : i32
      %add3A_218 = arith.addi %mul3A_188, %add3A_217 : i32
      %get3A_219 = arith.index_cast %add3A_218 : i32 to index
      %get3A_220 = tpu.vector_load %arg6[%get3A_219] {strides = array<i32>} : memref<6400xf32, #tpu.memory_space<vmem>>, vector<16xf32>,
      %get3A_221 = vector.shape_cast %get3A_220 : vector<16xf32> to vector<16xf32>
      %add3A_222 = arith.constant 0 : i32
      %add3A_223 = arith.addi %add3A_222, %add3A_218 : i32
      %get3A_224 = arith.index_cast %add3A_223 : i32 to index
      %get3A_225 = tpu.vector_load %arg5[%get3A_224] {strides = array<i32>} : memref<25600xf32, #tpu.memory_space<vmem>>, vector<16xf32>,
      %get3A_226 = vector.shape_cast %get3A_225 : vector<16xf32> to vector<16xf32>
      %add3A_227 = arith.addf %get3A_221, %get3A_226 : vector<16xf32>
      %swap3A_228 = arith.index_cast %add3A_218 : i32 to index
      %swap3A_229 = tpu.vector_load %arg10[%swap3A_228] {strides = array<i32>} : memref<6400xf32, #tpu.memory_space<vmem>>, vector<16xf32>,
      %swap3A_230 = vector.shape_cast %swap3A_229 : vector<16xf32> to vector<16xf32>
      %swap3A_231 = vector.shape_cast %add3A_227 : vector<16xf32> to vector<16xf32>
      tpu.vector_store %arg10[%swap3A_228], %swap3A_231 {strides = array<i32>} : memref<6400xf32, #tpu.memory_space<vmem>>, vector<16xf32>,
      %add3A_232 = arith.constant 48 : i32
      %add3A_233 = arith.addi %mul3A_188, %add3A_232 : i32
      %get3A_234 = arith.index_cast %add3A_233 : i32 to index
      %get3A_235 = tpu.vector_load %arg6[%get3A_234] {strides = array<i32>} : memref<6400xf32, #tpu.memory_space<vmem>>, vector<16xf32>,
      %get3A_236 = vector.shape_cast %get3A_235 : vector<16xf32> to vector<16xf32>
      %add3A_237 = arith.constant 0 : i32
      %add3A_238 = arith.addi %add3A_237, %add3A_233 : i32
      %get3A_239 = arith.index_cast %add3A_238 : i32 to index
      %get3A_240 = tpu.vector_load %arg5[%get3A_239] {strides = array<i32>} : memref<25600xf32, #tpu.memory_space<vmem>>, vector<16xf32>,
      %get3A_241 = vector.shape_cast %get3A_240 : vector<16xf32> to vector<16xf32>
      %add3A_242 = arith.addf %get3A_236, %get3A_241 : vector<16xf32>
      %swap3A_243 = arith.index_cast %add3A_233 : i32 to index
      %swap3A_244 = tpu.vector_load %arg10[%swap3A_243] {strides = array<i32>} : memref<6400xf32, #tpu.memory_space<vmem>>, vector<16xf32>,
      %swap3A_245 = vector.shape_cast %swap3A_244 : vector<16xf32> to vector<16xf32>
      %swap3A_246 = vector.shape_cast %add3A_242 : vector<16xf32> to vector<16xf32>
      tpu.vector_store %arg10[%swap3A_243], %swap3A_246 {strides = array<i32>} : memref<6400xf32, #tpu.memory_space<vmem>>, vector<16xf32>,
      %add3A_247 = arith.constant 64 : i32
      %add3A_248 = arith.addi %mul3A_188, %add3A_247 : i32
      %get3A_249 = arith.index_cast %add3A_248 : i32 to index
      %get3A_250 = tpu.vector_load %arg6[%get3A_249] {strides = array<i32>} : memref<6400xf32, #tpu.memory_space<vmem>>, vector<16xf32>,
      %get3A_251 = vector.shape_cast %get3A_250 : vector<16xf32> to vector<16xf32>
      %add3A_252 = arith.constant 0 : i32
      %add3A_253 = arith.addi %add3A_252, %add3A_248 : i32
      %get3A_254 = arith.index_cast %add3A_253 : i32 to index
      %get3A_255 = tpu.vector_load %arg5[%get3A_254] {strides = array<i32>} : memref<25600xf32, #tpu.memory_space<vmem>>, vector<16xf32>,
      %get3A_256 = vector.shape_cast %get3A_255 : vector<16xf32> to vector<16xf32>
      %add3A_257 = arith.addf %get3A_251, %get3A_256 : vector<16xf32>
      %swap3A_258 = arith.index_cast %add3A_248 : i32 to index
      %swap3A_259 = tpu.vector_load %arg10[%swap3A_258] {strides = array<i32>} : memref<6400xf32, #tpu.memory_space<vmem>>, vector<16xf32>,
      %swap3A_260 = vector.shape_cast %swap3A_259 : vector<16xf32> to vector<16xf32>
      %swap3A_261 = vector.shape_cast %add3A_257 : vector<16xf32> to vector<16xf32>
      tpu.vector_store %arg10[%swap3A_258], %swap3A_261 {strides = array<i32>} : memref<6400xf32, #tpu.memory_space<vmem>>, vector<16xf32>,
      %add3A_262 = arith.constant 80 : i32
      %add3A_263 = arith.addi %mul3A_188, %add3A_262 : i32
      %get3A_264 = arith.index_cast %add3A_263 : i32 to index
      %get3A_265 = tpu.vector_load %arg6[%get3A_264] {strides = array<i32>} : memref<6400xf32, #tpu.memory_space<vmem>>, vector<16xf32>,
      %get3A_266 = vector.shape_cast %get3A_265 : vector<16xf32> to vector<16xf32>
      %add3A_267 = arith.constant 0 : i32
      %add3A_268 = arith.addi %add3A_267, %add3A_263 : i32
      %get3A_269 = arith.index_cast %add3A_268 : i32 to index
      %get3A_270 = tpu.vector_load %arg5[%get3A_269] {strides = array<i32>} : memref<25600xf32, #tpu.memory_space<vmem>>, vector<16xf32>,
      %get3A_271 = vector.shape_cast %get3A_270 : vector<16xf32> to vector<16xf32>
      %add3A_272 = arith.addf %get3A_266, %get3A_271 : vector<16xf32>
      %swap3A_273 = arith.index_cast %add3A_263 : i32 to index
      %swap3A_274 = tpu.vector_load %arg10[%swap3A_273] {strides = array<i32>} : memref<6400xf32, #tpu.memory_space<vmem>>, vector<16xf32>,
      %swap3A_275 = vector.shape_cast %swap3A_274 : vector<16xf32> to vector<16xf32>
      %swap3A_276 = vector.shape_cast %add3A_272 : vector<16xf32> to vector<16xf32>
      tpu.vector_store %arg10[%swap3A_273], %swap3A_276 {strides = array<i32>} : memref<6400xf32, #tpu.memory_space<vmem>>, vector<16xf32>,
      %add3A_277 = arith.constant 96 : i32
      %add3A_278 = arith.addi %mul3A_188, %add3A_277 : i32
      %get3A_279 = arith.index_cast %add3A_278 : i32 to index
      %get3A_280 = tpu.vector_load %arg6[%get3A_279] {strides = array<i32>} : memref<6400xf32, #tpu.memory_space<vmem>>, vector<16xf32>,
      %get3A_281 = vector.shape_cast %get3A_280 : vector<16xf32> to vector<16xf32>
      %add3A_282 = arith.constant 0 : i32
      %add3A_283 = arith.addi %add3A_282, %add3A_278 : i32
      %get3A_284 = arith.index_cast %add3A_283 : i32 to index
      %get3A_285 = tpu.vector_load %arg5[%get3A_284] {strides = array<i32>} : memref<25600xf32, #tpu.memory_space<vmem>>, vector<16xf32>,
      %get3A_286 = vector.shape_cast %get3A_285 : vector<16xf32> to vector<16xf32>
      %add3A_287 = arith.addf %get3A_281, %get3A_286 : vector<16xf32>
      %swap3A_288 = arith.index_cast %add3A_278 : i32 to index
      %swap3A_289 = tpu.vector_load %arg10[%swap3A_288] {strides = array<i32>} : memref<6400xf32, #tpu.memory_space<vmem>>, vector<16xf32>,
      %swap3A_290 = vector.shape_cast %swap3A_289 : vector<16xf32> to vector<16xf32>
      %swap3A_291 = vector.shape_cast %add3A_287 : vector<16xf32> to vector<16xf32>
      tpu.vector_store %arg10[%swap3A_288], %swap3A_291 {strides = array<i32>} : memref<6400xf32, #tpu.memory_space<vmem>>, vector<16xf32>,
      %add3A_292 = arith.constant 112 : i32
      %add3A_293 = arith.addi %mul3A_188, %add3A_292 : i32
      %get3A_294 = arith.index_cast %add3A_293 : i32 to index
      %get3A_295 = tpu.vector_load %arg6[%get3A_294] {strides = array<i32>} : memref<6400xf32, #tpu.memory_space<vmem>>, vector<16xf32>,
      %get3A_296 = vector.shape_cast %get3A_295 : vector<16xf32> to vector<16xf32>
      %add3A_297 = arith.constant 0 : i32
      %add3A_298 = arith.addi %add3A_297, %add3A_293 : i32
      %get3A_299 = arith.index_cast %add3A_298 : i32 to index
      %get3A_300 = tpu.vector_load %arg5[%get3A_299] {strides = array<i32>} : memref<25600xf32, #tpu.memory_space<vmem>>, vector<16xf32>,
      %get3A_301 = vector.shape_cast %get3A_300 : vector<16xf32> to vector<16xf32>
      %add3A_302 = arith.addf %get3A_296, %get3A_301 : vector<16xf32>
      %swap3A_303 = arith.index_cast %add3A_293 : i32 to index
      %swap3A_304 = tpu.vector_load %arg10[%swap3A_303] {strides = array<i32>} : memref<6400xf32, #tpu.memory_space<vmem>>, vector<16xf32>,
      %swap3A_305 = vector.shape_cast %swap3A_304 : vector<16xf32> to vector<16xf32>
      %swap3A_306 = vector.shape_cast %add3A_302 : vector<16xf32> to vector<16xf32>
      tpu.vector_store %arg10[%swap3A_303], %swap3A_306 {strides = array<i32>} : memref<6400xf32, #tpu.memory_space<vmem>>, vector<16xf32>,
    }
    %scan3A_29 = arith.constant 50 : i32
    %add3A_30 = arith.constant 0 : i32
    %add3A_31 = arith.addi %mul3A_6, %add3A_30 : i32
    %dma_start3A_32 = tpu.memref_slice %arg4[%add3A_31] : memref<104857600xf32, #tpu.memory_space<hbm>> -> memref<6400xf32, #tpu.memory_space<hbm>>
    %dma_start3A_33 = tpu.memref_slice %arg4[%add3A_31] : memref<104857600xf32, #tpu.memory_space<hbm>> -> memref<6400xf32, #tpu.memory_space<hbm>>
    tpu.enqueue_dma source(%arg10 : memref<6400xf32, #tpu.memory_space<vmem>>) target(%dma_start3A_33 : memref<6400xf32, #tpu.memory_space<hbm>>) target_semaphore(%arg18 : memref<!tpu.dma_semaphore, #tpu.memory_space<semaphore_mem>>)
    %add3A_34 = arith.constant 25600 : i32
    %add3A_35 = arith.addi %mul3A_6, %add3A_34 : i32
    %dma_start3A_36 = tpu.memref_slice %arg2[%add3A_35] : memref<104857600xf32, #tpu.memory_space<hbm>> -> memref<6400xf32, #tpu.memory_space<hbm>>
    %dma_start3A_37 = tpu.memref_slice %arg2[%add3A_35] : memref<104857600xf32, #tpu.memory_space<hbm>> -> memref<6400xf32, #tpu.memory_space<hbm>>
    tpu.enqueue_dma source(%dma_start3A_37 : memref<6400xf32, #tpu.memory_space<hbm>>) target(%arg6 : memref<6400xf32, #tpu.memory_space<vmem>>) target_semaphore(%arg14 : memref<!tpu.dma_semaphore, #tpu.memory_space<semaphore_mem>>)
    %dma_wait3A_38 = arith.constant 0 : i32
    %dma_wait3A_39 = tpu.memref_slice %arg2[%dma_wait3A_38] : memref<104857600xf32, #tpu.memory_space<hbm>> -> memref<6400xf32, #tpu.memory_space<hbm>>
    %dma_wait3A_40 = arith.constant 0 : i32
    %dma_wait3A_41 = tpu.memref_slice %arg2[%dma_wait3A_40] : memref<104857600xf32, #tpu.memory_space<hbm>> -> memref<6400xf32, #tpu.memory_space<hbm>>
    tpu.wait_dma2 semaphore(%arg15 : memref<!tpu.dma_semaphore, #tpu.memory_space<semaphore_mem>>) src(%dma_wait3A_41 : memref<6400xf32, #tpu.memory_space<hbm>>) dst(%arg7 : memref<6400xf32, #tpu.memory_space<vmem>>)
    %scan3A_42 = arith.constant 0 : i32
    %scan3A_43 = arith.constant 0 : i32
    %scan3A_44 = arith.constant 50 : i32
    %scan3A_45 = arith.addi %scan3A_43, %scan3A_44 : i32
    %scan3A_46 = arith.constant 1 : i32
    scf.for %scan3A_186 = %scan3A_43 to %scan3A_45 step %scan3A_46  : i32 {
      %mul3A_187 = arith.constant 128 : i32
      %mul3A_188 = arith.muli %scan3A_186, %mul3A_187 : i32
      %add3A_189 = arith.constant 0 : i32
      %add3A_190 = arith.addi %mul3A_188, %add3A_189 : i32
      %get3A = arith.index_cast %add3A_190 : i32 to index
      %get3A_191 = tpu.vector_load %arg7[%get3A] {strides = array<i32>} : memref<6400xf32, #tpu.memory_space<vmem>>, vector<16xf32>,
      %get3A_192 = vector.shape_cast %get3A_191 : vector<16xf32> to vector<16xf32>
      %add3A_193 = arith.constant 6400 : i32
      %add3A_194 = arith.addi %add3A_193, %add3A_190 : i32
      %get3A_195 = arith.index_cast %add3A_194 : i32 to index
      %get3A_196 = tpu.vector_load %arg5[%get3A_195] {strides = array<i32>} : memref<25600xf32, #tpu.memory_space<vmem>>, vector<16xf32>,
      %get3A_197 = vector.shape_cast %get3A_196 : vector<16xf32> to vector<16xf32>
      %add3A_198 = arith.addf %get3A_192, %get3A_197 : vector<16xf32>
      %swap3A = arith.index_cast %add3A_190 : i32 to index
      %swap3A_199 = tpu.vector_load %arg11[%swap3A] {strides = array<i32>} : memref<6400xf32, #tpu.memory_space<vmem>>, vector<16xf32>,
      %swap3A_200 = vector.shape_cast %swap3A_199 : vector<16xf32> to vector<16xf32>
      %swap3A_201 = vector.shape_cast %add3A_198 : vector<16xf32> to vector<16xf32>
      tpu.vector_store %arg11[%swap3A], %swap3A_201 {strides = array<i32>} : memref<6400xf32, #tpu.memory_space<vmem>>, vector<16xf32>,
      %add3A_202 = arith.constant 16 : i32
      %add3A_203 = arith.addi %mul3A_188, %add3A_202 : i32
      %get3A_204 = arith.index_cast %add3A_203 : i32 to index
      %get3A_205 = tpu.vector_load %arg7[%get3A_204] {strides = array<i32>} : memref<6400xf32, #tpu.memory_space<vmem>>, vector<16xf32>,
      %get3A_206 = vector.shape_cast %get3A_205 : vector<16xf32> to vector<16xf32>
      %add3A_207 = arith.constant 6400 : i32
      %add3A_208 = arith.addi %add3A_207, %add3A_203 : i32
      %get3A_209 = arith.index_cast %add3A_208 : i32 to index
      %get3A_210 = tpu.vector_load %arg5[%get3A_209] {strides = array<i32>} : memref<25600xf32, #tpu.memory_space<vmem>>, vector<16xf32>,
      %get3A_211 = vector.shape_cast %get3A_210 : vector<16xf32> to vector<16xf32>
      %add3A_212 = arith.addf %get3A_206, %get3A_211 : vector<16xf32>
      %swap3A_213 = arith.index_cast %add3A_203 : i32 to index
      %swap3A_214 = tpu.vector_load %arg11[%swap3A_213] {strides = array<i32>} : memref<6400xf32, #tpu.memory_space<vmem>>, vector<16xf32>,
      %swap3A_215 = vector.shape_cast %swap3A_214 : vector<16xf32> to vector<16xf32>
      %swap3A_216 = vector.shape_cast %add3A_212 : vector<16xf32> to vector<16xf32>
      tpu.vector_store %arg11[%swap3A_213], %swap3A_216 {strides = array<i32>} : memref<6400xf32, #tpu.memory_space<vmem>>, vector<16xf32>,
      %add3A_217 = arith.constant 32 : i32
      %add3A_218 = arith.addi %mul3A_188, %add3A_217 : i32
      %get3A_219 = arith.index_cast %add3A_218 : i32 to index
      %get3A_220 = tpu.vector_load %arg7[%get3A_219] {strides = array<i32>} : memref<6400xf32, #tpu.memory_space<vmem>>, vector<16xf32>,
      %get3A_221 = vector.shape_cast %get3A_220 : vector<16xf32> to vector<16xf32>
      %add3A_222 = arith.constant 6400 : i32
      %add3A_223 = arith.addi %add3A_222, %add3A_218 : i32
      %get3A_224 = arith.index_cast %add3A_223 : i32 to index
      %get3A_225 = tpu.vector_load %arg5[%get3A_224] {strides = array<i32>} : memref<25600xf32, #tpu.memory_space<vmem>>, vector<16xf32>,
      %get3A_226 = vector.shape_cast %get3A_225 : vector<16xf32> to vector<16xf32>
      %add3A_227 = arith.addf %get3A_221, %get3A_226 : vector<16xf32>
      %swap3A_228 = arith.index_cast %add3A_218 : i32 to index
      %swap3A_229 = tpu.vector_load %arg11[%swap3A_228] {strides = array<i32>} : memref<6400xf32, #tpu.memory_space<vmem>>, vector<16xf32>,
      %swap3A_230 = vector.shape_cast %swap3A_229 : vector<16xf32> to vector<16xf32>
      %swap3A_231 = vector.shape_cast %add3A_227 : vector<16xf32> to vector<16xf32>
      tpu.vector_store %arg11[%swap3A_228], %swap3A_231 {strides = array<i32>} : memref<6400xf32, #tpu.memory_space<vmem>>, vector<16xf32>,
      %add3A_232 = arith.constant 48 : i32
      %add3A_233 = arith.addi %mul3A_188, %add3A_232 : i32
      %get3A_234 = arith.index_cast %add3A_233 : i32 to index
      %get3A_235 = tpu.vector_load %arg7[%get3A_234] {strides = array<i32>} : memref<6400xf32, #tpu.memory_space<vmem>>, vector<16xf32>,
      %get3A_236 = vector.shape_cast %get3A_235 : vector<16xf32> to vector<16xf32>
      %add3A_237 = arith.constant 6400 : i32
      %add3A_238 = arith.addi %add3A_237, %add3A_233 : i32
      %get3A_239 = arith.index_cast %add3A_238 : i32 to index
      %get3A_240 = tpu.vector_load %arg5[%get3A_239] {strides = array<i32>} : memref<25600xf32, #tpu.memory_space<vmem>>, vector<16xf32>,
      %get3A_241 = vector.shape_cast %get3A_240 : vector<16xf32> to vector<16xf32>
      %add3A_242 = arith.addf %get3A_236, %get3A_241 : vector<16xf32>
      %swap3A_243 = arith.index_cast %add3A_233 : i32 to index
      %swap3A_244 = tpu.vector_load %arg11[%swap3A_243] {strides = array<i32>} : memref<6400xf32, #tpu.memory_space<vmem>>, vector<16xf32>,
      %swap3A_245 = vector.shape_cast %swap3A_244 : vector<16xf32> to vector<16xf32>
      %swap3A_246 = vector.shape_cast %add3A_242 : vector<16xf32> to vector<16xf32>
      tpu.vector_store %arg11[%swap3A_243], %swap3A_246 {strides = array<i32>} : memref<6400xf32, #tpu.memory_space<vmem>>, vector<16xf32>,
      %add3A_247 = arith.constant 64 : i32
      %add3A_248 = arith.addi %mul3A_188, %add3A_247 : i32
      %get3A_249 = arith.index_cast %add3A_248 : i32 to index
      %get3A_250 = tpu.vector_load %arg7[%get3A_249] {strides = array<i32>} : memref<6400xf32, #tpu.memory_space<vmem>>, vector<16xf32>,
      %get3A_251 = vector.shape_cast %get3A_250 : vector<16xf32> to vector<16xf32>
      %add3A_252 = arith.constant 6400 : i32
      %add3A_253 = arith.addi %add3A_252, %add3A_248 : i32
      %get3A_254 = arith.index_cast %add3A_253 : i32 to index
      %get3A_255 = tpu.vector_load %arg5[%get3A_254] {strides = array<i32>} : memref<25600xf32, #tpu.memory_space<vmem>>, vector<16xf32>,
      %get3A_256 = vector.shape_cast %get3A_255 : vector<16xf32> to vector<16xf32>
      %add3A_257 = arith.addf %get3A_251, %get3A_256 : vector<16xf32>
      %swap3A_258 = arith.index_cast %add3A_248 : i32 to index
      %swap3A_259 = tpu.vector_load %arg11[%swap3A_258] {strides = array<i32>} : memref<6400xf32, #tpu.memory_space<vmem>>, vector<16xf32>,
      %swap3A_260 = vector.shape_cast %swap3A_259 : vector<16xf32> to vector<16xf32>
      %swap3A_261 = vector.shape_cast %add3A_257 : vector<16xf32> to vector<16xf32>
      tpu.vector_store %arg11[%swap3A_258], %swap3A_261 {strides = array<i32>} : memref<6400xf32, #tpu.memory_space<vmem>>, vector<16xf32>,
      %add3A_262 = arith.constant 80 : i32
      %add3A_263 = arith.addi %mul3A_188, %add3A_262 : i32
      %get3A_264 = arith.index_cast %add3A_263 : i32 to index
      %get3A_265 = tpu.vector_load %arg7[%get3A_264] {strides = array<i32>} : memref<6400xf32, #tpu.memory_space<vmem>>, vector<16xf32>,
      %get3A_266 = vector.shape_cast %get3A_265 : vector<16xf32> to vector<16xf32>
      %add3A_267 = arith.constant 6400 : i32
      %add3A_268 = arith.addi %add3A_267, %add3A_263 : i32
      %get3A_269 = arith.index_cast %add3A_268 : i32 to index
      %get3A_270 = tpu.vector_load %arg5[%get3A_269] {strides = array<i32>} : memref<25600xf32, #tpu.memory_space<vmem>>, vector<16xf32>,
      %get3A_271 = vector.shape_cast %get3A_270 : vector<16xf32> to vector<16xf32>
      %add3A_272 = arith.addf %get3A_266, %get3A_271 : vector<16xf32>
      %swap3A_273 = arith.index_cast %add3A_263 : i32 to index
      %swap3A_274 = tpu.vector_load %arg11[%swap3A_273] {strides = array<i32>} : memref<6400xf32, #tpu.memory_space<vmem>>, vector<16xf32>,
      %swap3A_275 = vector.shape_cast %swap3A_274 : vector<16xf32> to vector<16xf32>
      %swap3A_276 = vector.shape_cast %add3A_272 : vector<16xf32> to vector<16xf32>
      tpu.vector_store %arg11[%swap3A_273], %swap3A_276 {strides = array<i32>} : memref<6400xf32, #tpu.memory_space<vmem>>, vector<16xf32>,
      %add3A_277 = arith.constant 96 : i32
      %add3A_278 = arith.addi %mul3A_188, %add3A_277 : i32
      %get3A_279 = arith.index_cast %add3A_278 : i32 to index
      %get3A_280 = tpu.vector_load %arg7[%get3A_279] {strides = array<i32>} : memref<6400xf32, #tpu.memory_space<vmem>>, vector<16xf32>,
      %get3A_281 = vector.shape_cast %get3A_280 : vector<16xf32> to vector<16xf32>
      %add3A_282 = arith.constant 6400 : i32
      %add3A_283 = arith.addi %add3A_282, %add3A_278 : i32
      %get3A_284 = arith.index_cast %add3A_283 : i32 to index
      %get3A_285 = tpu.vector_load %arg5[%get3A_284] {strides = array<i32>} : memref<25600xf32, #tpu.memory_space<vmem>>, vector<16xf32>,
      %get3A_286 = vector.shape_cast %get3A_285 : vector<16xf32> to vector<16xf32>
      %add3A_287 = arith.addf %get3A_281, %get3A_286 : vector<16xf32>
      %swap3A_288 = arith.index_cast %add3A_278 : i32 to index
      %swap3A_289 = tpu.vector_load %arg11[%swap3A_288] {strides = array<i32>} : memref<6400xf32, #tpu.memory_space<vmem>>, vector<16xf32>,
      %swap3A_290 = vector.shape_cast %swap3A_289 : vector<16xf32> to vector<16xf32>
      %swap3A_291 = vector.shape_cast %add3A_287 : vector<16xf32> to vector<16xf32>
      tpu.vector_store %arg11[%swap3A_288], %swap3A_291 {strides = array<i32>} : memref<6400xf32, #tpu.memory_space<vmem>>, vector<16xf32>,
      %add3A_292 = arith.constant 112 : i32
      %add3A_293 = arith.addi %mul3A_188, %add3A_292 : i32
      %get3A_294 = arith.index_cast %add3A_293 : i32 to index
      %get3A_295 = tpu.vector_load %arg7[%get3A_294] {strides = array<i32>} : memref<6400xf32, #tpu.memory_space<vmem>>, vector<16xf32>,
      %get3A_296 = vector.shape_cast %get3A_295 : vector<16xf32> to vector<16xf32>
      %add3A_297 = arith.constant 6400 : i32
      %add3A_298 = arith.addi %add3A_297, %add3A_293 : i32
      %get3A_299 = arith.index_cast %add3A_298 : i32 to index
      %get3A_300 = tpu.vector_load %arg5[%get3A_299] {strides = array<i32>} : memref<25600xf32, #tpu.memory_space<vmem>>, vector<16xf32>,
      %get3A_301 = vector.shape_cast %get3A_300 : vector<16xf32> to vector<16xf32>
      %add3A_302 = arith.addf %get3A_296, %get3A_301 : vector<16xf32>
      %swap3A_303 = arith.index_cast %add3A_293 : i32 to index
      %swap3A_304 = tpu.vector_load %arg11[%swap3A_303] {strides = array<i32>} : memref<6400xf32, #tpu.memory_space<vmem>>, vector<16xf32>,
      %swap3A_305 = vector.shape_cast %swap3A_304 : vector<16xf32> to vector<16xf32>
      %swap3A_306 = vector.shape_cast %add3A_302 : vector<16xf32> to vector<16xf32>
      tpu.vector_store %arg11[%swap3A_303], %swap3A_306 {strides = array<i32>} : memref<6400xf32, #tpu.memory_space<vmem>>, vector<16xf32>,
    }
    %scan3A_47 = arith.constant 50 : i32
    %add3A_48 = arith.constant 6400 : i32
    %add3A_49 = arith.addi %mul3A_6, %add3A_48 : i32
    %dma_start3A_50 = tpu.memref_slice %arg4[%add3A_49] : memref<104857600xf32, #tpu.memory_space<hbm>> -> memref<6400xf32, #tpu.memory_space<hbm>>
    %dma_start3A_51 = tpu.memref_slice %arg4[%add3A_49] : memref<104857600xf32, #tpu.memory_space<hbm>> -> memref<6400xf32, #tpu.memory_space<hbm>>
    tpu.enqueue_dma source(%arg11 : memref<6400xf32, #tpu.memory_space<vmem>>) target(%dma_start3A_51 : memref<6400xf32, #tpu.memory_space<hbm>>) target_semaphore(%arg19 : memref<!tpu.dma_semaphore, #tpu.memory_space<semaphore_mem>>)
    %add3A_52 = arith.constant 32000 : i32
    %add3A_53 = arith.addi %mul3A_6, %add3A_52 : i32
    %dma_start3A_54 = tpu.memref_slice %arg2[%add3A_53] : memref<104857600xf32, #tpu.memory_space<hbm>> -> memref<6400xf32, #tpu.memory_space<hbm>>
    %dma_start3A_55 = tpu.memref_slice %arg2[%add3A_53] : memref<104857600xf32, #tpu.memory_space<hbm>> -> memref<6400xf32, #tpu.memory_space<hbm>>
    tpu.enqueue_dma source(%dma_start3A_55 : memref<6400xf32, #tpu.memory_space<hbm>>) target(%arg7 : memref<6400xf32, #tpu.memory_space<vmem>>) target_semaphore(%arg15 : memref<!tpu.dma_semaphore, #tpu.memory_space<semaphore_mem>>)
    %dma_wait3A_56 = arith.constant 0 : i32
    %dma_wait3A_57 = tpu.memref_slice %arg2[%dma_wait3A_56] : memref<104857600xf32, #tpu.memory_space<hbm>> -> memref<6400xf32, #tpu.memory_space<hbm>>
    %dma_wait3A_58 = arith.constant 0 : i32
    %dma_wait3A_59 = tpu.memref_slice %arg2[%dma_wait3A_58] : memref<104857600xf32, #tpu.memory_space<hbm>> -> memref<6400xf32, #tpu.memory_space<hbm>>
    tpu.wait_dma2 semaphore(%arg16 : memref<!tpu.dma_semaphore, #tpu.memory_space<semaphore_mem>>) src(%dma_wait3A_59 : memref<6400xf32, #tpu.memory_space<hbm>>) dst(%arg8 : memref<6400xf32, #tpu.memory_space<vmem>>)
    %scan3A_60 = arith.constant 0 : i32
    %scan3A_61 = arith.constant 0 : i32
    %scan3A_62 = arith.constant 50 : i32
    %scan3A_63 = arith.addi %scan3A_61, %scan3A_62 : i32
    %scan3A_64 = arith.constant 1 : i32
    scf.for %scan3A_186 = %scan3A_61 to %scan3A_63 step %scan3A_64  : i32 {
      %mul3A_187 = arith.constant 128 : i32
      %mul3A_188 = arith.muli %scan3A_186, %mul3A_187 : i32
      %add3A_189 = arith.constant 0 : i32
      %add3A_190 = arith.addi %mul3A_188, %add3A_189 : i32
      %get3A = arith.index_cast %add3A_190 : i32 to index
      %get3A_191 = tpu.vector_load %arg8[%get3A] {strides = array<i32>} : memref<6400xf32, #tpu.memory_space<vmem>>, vector<16xf32>,
      %get3A_192 = vector.shape_cast %get3A_191 : vector<16xf32> to vector<16xf32>
      %add3A_193 = arith.constant 12800 : i32
      %add3A_194 = arith.addi %add3A_193, %add3A_190 : i32
      %get3A_195 = arith.index_cast %add3A_194 : i32 to index
      %get3A_196 = tpu.vector_load %arg5[%get3A_195] {strides = array<i32>} : memref<25600xf32, #tpu.memory_space<vmem>>, vector<16xf32>,
      %get3A_197 = vector.shape_cast %get3A_196 : vector<16xf32> to vector<16xf32>
      %add3A_198 = arith.addf %get3A_192, %get3A_197 : vector<16xf32>
      %swap3A = arith.index_cast %add3A_190 : i32 to index
      %swap3A_199 = tpu.vector_load %arg12[%swap3A] {strides = array<i32>} : memref<6400xf32, #tpu.memory_space<vmem>>, vector<16xf32>,
      %swap3A_200 = vector.shape_cast %swap3A_199 : vector<16xf32> to vector<16xf32>
      %swap3A_201 = vector.shape_cast %add3A_198 : vector<16xf32> to vector<16xf32>
      tpu.vector_store %arg12[%swap3A], %swap3A_201 {strides = array<i32>} : memref<6400xf32, #tpu.memory_space<vmem>>, vector<16xf32>,
      %add3A_202 = arith.constant 16 : i32
      %add3A_203 = arith.addi %mul3A_188, %add3A_202 : i32
      %get3A_204 = arith.index_cast %add3A_203 : i32 to index
      %get3A_205 = tpu.vector_load %arg8[%get3A_204] {strides = array<i32>} : memref<6400xf32, #tpu.memory_space<vmem>>, vector<16xf32>,
      %get3A_206 = vector.shape_cast %get3A_205 : vector<16xf32> to vector<16xf32>
      %add3A_207 = arith.constant 12800 : i32
      %add3A_208 = arith.addi %add3A_207, %add3A_203 : i32
      %get3A_209 = arith.index_cast %add3A_208 : i32 to index
      %get3A_210 = tpu.vector_load %arg5[%get3A_209] {strides = array<i32>} : memref<25600xf32, #tpu.memory_space<vmem>>, vector<16xf32>,
      %get3A_211 = vector.shape_cast %get3A_210 : vector<16xf32> to vector<16xf32>
      %add3A_212 = arith.addf %get3A_206, %get3A_211 : vector<16xf32>
      %swap3A_213 = arith.index_cast %add3A_203 : i32 to index
      %swap3A_214 = tpu.vector_load %arg12[%swap3A_213] {strides = array<i32>} : memref<6400xf32, #tpu.memory_space<vmem>>, vector<16xf32>,
      %swap3A_215 = vector.shape_cast %swap3A_214 : vector<16xf32> to vector<16xf32>
      %swap3A_216 = vector.shape_cast %add3A_212 : vector<16xf32> to vector<16xf32>
      tpu.vector_store %arg12[%swap3A_213], %swap3A_216 {strides = array<i32>} : memref<6400xf32, #tpu.memory_space<vmem>>, vector<16xf32>,
      %add3A_217 = arith.constant 32 : i32
      %add3A_218 = arith.addi %mul3A_188, %add3A_217 : i32
      %get3A_219 = arith.index_cast %add3A_218 : i32 to index
      %get3A_220 = tpu.vector_load %arg8[%get3A_219] {strides = array<i32>} : memref<6400xf32, #tpu.memory_space<vmem>>, vector<16xf32>,
      %get3A_221 = vector.shape_cast %get3A_220 : vector<16xf32> to vector<16xf32>
      %add3A_222 = arith.constant 12800 : i32
      %add3A_223 = arith.addi %add3A_222, %add3A_218 : i32
      %get3A_224 = arith.index_cast %add3A_223 : i32 to index
      %get3A_225 = tpu.vector_load %arg5[%get3A_224] {strides = array<i32>} : memref<25600xf32, #tpu.memory_space<vmem>>, vector<16xf32>,
      %get3A_226 = vector.shape_cast %get3A_225 : vector<16xf32> to vector<16xf32>
      %add3A_227 = arith.addf %get3A_221, %get3A_226 : vector<16xf32>
      %swap3A_228 = arith.index_cast %add3A_218 : i32 to index
      %swap3A_229 = tpu.vector_load %arg12[%swap3A_228] {strides = array<i32>} : memref<6400xf32, #tpu.memory_space<vmem>>, vector<16xf32>,
      %swap3A_230 = vector.shape_cast %swap3A_229 : vector<16xf32> to vector<16xf32>
      %swap3A_231 = vector.shape_cast %add3A_227 : vector<16xf32> to vector<16xf32>
      tpu.vector_store %arg12[%swap3A_228], %swap3A_231 {strides = array<i32>} : memref<6400xf32, #tpu.memory_space<vmem>>, vector<16xf32>,
      %add3A_232 = arith.constant 48 : i32
      %add3A_233 = arith.addi %mul3A_188, %add3A_232 : i32
      %get3A_234 = arith.index_cast %add3A_233 : i32 to index
      %get3A_235 = tpu.vector_load %arg8[%get3A_234] {strides = array<i32>} : memref<6400xf32, #tpu.memory_space<vmem>>, vector<16xf32>,
      %get3A_236 = vector.shape_cast %get3A_235 : vector<16xf32> to vector<16xf32>
      %add3A_237 = arith.constant 12800 : i32
      %add3A_238 = arith.addi %add3A_237, %add3A_233 : i32
      %get3A_239 = arith.index_cast %add3A_238 : i32 to index
      %get3A_240 = tpu.vector_load %arg5[%get3A_239] {strides = array<i32>} : memref<25600xf32, #tpu.memory_space<vmem>>, vector<16xf32>,
      %get3A_241 = vector.shape_cast %get3A_240 : vector<16xf32> to vector<16xf32>
      %add3A_242 = arith.addf %get3A_236, %get3A_241 : vector<16xf32>
      %swap3A_243 = arith.index_cast %add3A_233 : i32 to index
      %swap3A_244 = tpu.vector_load %arg12[%swap3A_243] {strides = array<i32>} : memref<6400xf32, #tpu.memory_space<vmem>>, vector<16xf32>,
      %swap3A_245 = vector.shape_cast %swap3A_244 : vector<16xf32> to vector<16xf32>
      %swap3A_246 = vector.shape_cast %add3A_242 : vector<16xf32> to vector<16xf32>
      tpu.vector_store %arg12[%swap3A_243], %swap3A_246 {strides = array<i32>} : memref<6400xf32, #tpu.memory_space<vmem>>, vector<16xf32>,
      %add3A_247 = arith.constant 64 : i32
      %add3A_248 = arith.addi %mul3A_188, %add3A_247 : i32
      %get3A_249 = arith.index_cast %add3A_248 : i32 to index
      %get3A_250 = tpu.vector_load %arg8[%get3A_249] {strides = array<i32>} : memref<6400xf32, #tpu.memory_space<vmem>>, vector<16xf32>,
      %get3A_251 = vector.shape_cast %get3A_250 : vector<16xf32> to vector<16xf32>
      %add3A_252 = arith.constant 12800 : i32
      %add3A_253 = arith.addi %add3A_252, %add3A_248 : i32
      %get3A_254 = arith.index_cast %add3A_253 : i32 to index
      %get3A_255 = tpu.vector_load %arg5[%get3A_254] {strides = array<i32>} : memref<25600xf32, #tpu.memory_space<vmem>>, vector<16xf32>,
      %get3A_256 = vector.shape_cast %get3A_255 : vector<16xf32> to vector<16xf32>
      %add3A_257 = arith.addf %get3A_251, %get3A_256 : vector<16xf32>
      %swap3A_258 = arith.index_cast %add3A_248 : i32 to index
      %swap3A_259 = tpu.vector_load %arg12[%swap3A_258] {strides = array<i32>} : memref<6400xf32, #tpu.memory_space<vmem>>, vector<16xf32>,
      %swap3A_260 = vector.shape_cast %swap3A_259 : vector<16xf32> to vector<16xf32>
      %swap3A_261 = vector.shape_cast %add3A_257 : vector<16xf32> to vector<16xf32>
      tpu.vector_store %arg12[%swap3A_258], %swap3A_261 {strides = array<i32>} : memref<6400xf32, #tpu.memory_space<vmem>>, vector<16xf32>,
      %add3A_262 = arith.constant 80 : i32
      %add3A_263 = arith.addi %mul3A_188, %add3A_262 : i32
      %get3A_264 = arith.index_cast %add3A_263 : i32 to index
      %get3A_265 = tpu.vector_load %arg8[%get3A_264] {strides = array<i32>} : memref<6400xf32, #tpu.memory_space<vmem>>, vector<16xf32>,
      %get3A_266 = vector.shape_cast %get3A_265 : vector<16xf32> to vector<16xf32>
      %add3A_267 = arith.constant 12800 : i32
      %add3A_268 = arith.addi %add3A_267, %add3A_263 : i32
      %get3A_269 = arith.index_cast %add3A_268 : i32 to index
      %get3A_270 = tpu.vector_load %arg5[%get3A_269] {strides = array<i32>} : memref<25600xf32, #tpu.memory_space<vmem>>, vector<16xf32>,
      %get3A_271 = vector.shape_cast %get3A_270 : vector<16xf32> to vector<16xf32>
      %add3A_272 = arith.addf %get3A_266, %get3A_271 : vector<16xf32>
      %swap3A_273 = arith.index_cast %add3A_263 : i32 to index
      %swap3A_274 = tpu.vector_load %arg12[%swap3A_273] {strides = array<i32>} : memref<6400xf32, #tpu.memory_space<vmem>>, vector<16xf32>,
      %swap3A_275 = vector.shape_cast %swap3A_274 : vector<16xf32> to vector<16xf32>
      %swap3A_276 = vector.shape_cast %add3A_272 : vector<16xf32> to vector<16xf32>
      tpu.vector_store %arg12[%swap3A_273], %swap3A_276 {strides = array<i32>} : memref<6400xf32, #tpu.memory_space<vmem>>, vector<16xf32>,
      %add3A_277 = arith.constant 96 : i32
      %add3A_278 = arith.addi %mul3A_188, %add3A_277 : i32
      %get3A_279 = arith.index_cast %add3A_278 : i32 to index
      %get3A_280 = tpu.vector_load %arg8[%get3A_279] {strides = array<i32>} : memref<6400xf32, #tpu.memory_space<vmem>>, vector<16xf32>,
      %get3A_281 = vector.shape_cast %get3A_280 : vector<16xf32> to vector<16xf32>
      %add3A_282 = arith.constant 12800 : i32
      %add3A_283 = arith.addi %add3A_282, %add3A_278 : i32
      %get3A_284 = arith.index_cast %add3A_283 : i32 to index
      %get3A_285 = tpu.vector_load %arg5[%get3A_284] {strides = array<i32>} : memref<25600xf32, #tpu.memory_space<vmem>>, vector<16xf32>,
      %get3A_286 = vector.shape_cast %get3A_285 : vector<16xf32> to vector<16xf32>
      %add3A_287 = arith.addf %get3A_281, %get3A_286 : vector<16xf32>
      %swap3A_288 = arith.index_cast %add3A_278 : i32 to index
      %swap3A_289 = tpu.vector_load %arg12[%swap3A_288] {strides = array<i32>} : memref<6400xf32, #tpu.memory_space<vmem>>, vector<16xf32>,
      %swap3A_290 = vector.shape_cast %swap3A_289 : vector<16xf32> to vector<16xf32>
      %swap3A_291 = vector.shape_cast %add3A_287 : vector<16xf32> to vector<16xf32>
      tpu.vector_store %arg12[%swap3A_288], %swap3A_291 {strides = array<i32>} : memref<6400xf32, #tpu.memory_space<vmem>>, vector<16xf32>,
      %add3A_292 = arith.constant 112 : i32
      %add3A_293 = arith.addi %mul3A_188, %add3A_292 : i32
      %get3A_294 = arith.index_cast %add3A_293 : i32 to index
      %get3A_295 = tpu.vector_load %arg8[%get3A_294] {strides = array<i32>} : memref<6400xf32, #tpu.memory_space<vmem>>, vector<16xf32>,
      %get3A_296 = vector.shape_cast %get3A_295 : vector<16xf32> to vector<16xf32>
      %add3A_297 = arith.constant 12800 : i32
      %add3A_298 = arith.addi %add3A_297, %add3A_293 : i32
      %get3A_299 = arith.index_cast %add3A_298 : i32 to index
      %get3A_300 = tpu.vector_load %arg5[%get3A_299] {strides = array<i32>} : memref<25600xf32, #tpu.memory_space<vmem>>, vector<16xf32>,
      %get3A_301 = vector.shape_cast %get3A_300 : vector<16xf32> to vector<16xf32>
      %add3A_302 = arith.addf %get3A_296, %get3A_301 : vector<16xf32>
      %swap3A_303 = arith.index_cast %add3A_293 : i32 to index
      %swap3A_304 = tpu.vector_load %arg12[%swap3A_303] {strides = array<i32>} : memref<6400xf32, #tpu.memory_space<vmem>>, vector<16xf32>,
      %swap3A_305 = vector.shape_cast %swap3A_304 : vector<16xf32> to vector<16xf32>
      %swap3A_306 = vector.shape_cast %add3A_302 : vector<16xf32> to vector<16xf32>
      tpu.vector_store %arg12[%swap3A_303], %swap3A_306 {strides = array<i32>} : memref<6400xf32, #tpu.memory_space<vmem>>, vector<16xf32>,
    }
    %scan3A_65 = arith.constant 50 : i32
    %add3A_66 = arith.constant 12800 : i32
    %add3A_67 = arith.addi %mul3A_6, %add3A_66 : i32
    %dma_start3A_68 = tpu.memref_slice %arg4[%add3A_67] : memref<104857600xf32, #tpu.memory_space<hbm>> -> memref<6400xf32, #tpu.memory_space<hbm>>
    %dma_start3A_69 = tpu.memref_slice %arg4[%add3A_67] : memref<104857600xf32, #tpu.memory_space<hbm>> -> memref<6400xf32, #tpu.memory_space<hbm>>
    tpu.enqueue_dma source(%arg12 : memref<6400xf32, #tpu.memory_space<vmem>>) target(%dma_start3A_69 : memref<6400xf32, #tpu.memory_space<hbm>>) target_semaphore(%arg20 : memref<!tpu.dma_semaphore, #tpu.memory_space<semaphore_mem>>)
    %add3A_70 = arith.constant 38400 : i32
    %add3A_71 = arith.addi %mul3A_6, %add3A_70 : i32
    %dma_start3A_72 = tpu.memref_slice %arg2[%add3A_71] : memref<104857600xf32, #tpu.memory_space<hbm>> -> memref<6400xf32, #tpu.memory_space<hbm>>
    %dma_start3A_73 = tpu.memref_slice %arg2[%add3A_71] : memref<104857600xf32, #tpu.memory_space<hbm>> -> memref<6400xf32, #tpu.memory_space<hbm>>
    tpu.enqueue_dma source(%dma_start3A_73 : memref<6400xf32, #tpu.memory_space<hbm>>) target(%arg8 : memref<6400xf32, #tpu.memory_space<vmem>>) target_semaphore(%arg16 : memref<!tpu.dma_semaphore, #tpu.memory_space<semaphore_mem>>)
    %dma_wait3A_74 = arith.constant 0 : i32
    %dma_wait3A_75 = tpu.memref_slice %arg2[%dma_wait3A_74] : memref<104857600xf32, #tpu.memory_space<hbm>> -> memref<6400xf32, #tpu.memory_space<hbm>>
    %dma_wait3A_76 = arith.constant 0 : i32
    %dma_wait3A_77 = tpu.memref_slice %arg2[%dma_wait3A_76] : memref<104857600xf32, #tpu.memory_space<hbm>> -> memref<6400xf32, #tpu.memory_space<hbm>>
    tpu.wait_dma2 semaphore(%arg17 : memref<!tpu.dma_semaphore, #tpu.memory_space<semaphore_mem>>) src(%dma_wait3A_77 : memref<6400xf32, #tpu.memory_space<hbm>>) dst(%arg9 : memref<6400xf32, #tpu.memory_space<vmem>>)
    %scan3A_78 = arith.constant 0 : i32
    %scan3A_79 = arith.constant 0 : i32
    %scan3A_80 = arith.constant 50 : i32
    %scan3A_81 = arith.addi %scan3A_79, %scan3A_80 : i32
    %scan3A_82 = arith.constant 1 : i32
    scf.for %scan3A_186 = %scan3A_79 to %scan3A_81 step %scan3A_82  : i32 {
      %mul3A_187 = arith.constant 128 : i32
      %mul3A_188 = arith.muli %scan3A_186, %mul3A_187 : i32
      %add3A_189 = arith.constant 0 : i32
      %add3A_190 = arith.addi %mul3A_188, %add3A_189 : i32
      %get3A = arith.index_cast %add3A_190 : i32 to index
      %get3A_191 = tpu.vector_load %arg9[%get3A] {strides = array<i32>} : memref<6400xf32, #tpu.memory_space<vmem>>, vector<16xf32>,
      %get3A_192 = vector.shape_cast %get3A_191 : vector<16xf32> to vector<16xf32>
      %add3A_193 = arith.constant 19200 : i32
      %add3A_194 = arith.addi %add3A_193, %add3A_190 : i32
      %get3A_195 = arith.index_cast %add3A_194 : i32 to index
      %get3A_196 = tpu.vector_load %arg5[%get3A_195] {strides = array<i32>} : memref<25600xf32, #tpu.memory_space<vmem>>, vector<16xf32>,
      %get3A_197 = vector.shape_cast %get3A_196 : vector<16xf32> to vector<16xf32>
      %add3A_198 = arith.addf %get3A_192, %get3A_197 : vector<16xf32>
      %swap3A = arith.index_cast %add3A_190 : i32 to index
      %swap3A_199 = tpu.vector_load %arg13[%swap3A] {strides = array<i32>} : memref<6400xf32, #tpu.memory_space<vmem>>, vector<16xf32>,
      %swap3A_200 = vector.shape_cast %swap3A_199 : vector<16xf32> to vector<16xf32>
      %swap3A_201 = vector.shape_cast %add3A_198 : vector<16xf32> to vector<16xf32>
      tpu.vector_store %arg13[%swap3A], %swap3A_201 {strides = array<i32>} : memref<6400xf32, #tpu.memory_space<vmem>>, vector<16xf32>,
      %add3A_202 = arith.constant 16 : i32
      %add3A_203 = arith.addi %mul3A_188, %add3A_202 : i32
      %get3A_204 = arith.index_cast %add3A_203 : i32 to index
      %get3A_205 = tpu.vector_load %arg9[%get3A_204] {strides = array<i32>} : memref<6400xf32, #tpu.memory_space<vmem>>, vector<16xf32>,
      %get3A_206 = vector.shape_cast %get3A_205 : vector<16xf32> to vector<16xf32>
      %add3A_207 = arith.constant 19200 : i32
      %add3A_208 = arith.addi %add3A_207, %add3A_203 : i32
      %get3A_209 = arith.index_cast %add3A_208 : i32 to index
      %get3A_210 = tpu.vector_load %arg5[%get3A_209] {strides = array<i32>} : memref<25600xf32, #tpu.memory_space<vmem>>, vector<16xf32>,
      %get3A_211 = vector.shape_cast %get3A_210 : vector<16xf32> to vector<16xf32>
      %add3A_212 = arith.addf %get3A_206, %get3A_211 : vector<16xf32>
      %swap3A_213 = arith.index_cast %add3A_203 : i32 to index
      %swap3A_214 = tpu.vector_load %arg13[%swap3A_213] {strides = array<i32>} : memref<6400xf32, #tpu.memory_space<vmem>>, vector<16xf32>,
      %swap3A_215 = vector.shape_cast %swap3A_214 : vector<16xf32> to vector<16xf32>
      %swap3A_216 = vector.shape_cast %add3A_212 : vector<16xf32> to vector<16xf32>
      tpu.vector_store %arg13[%swap3A_213], %swap3A_216 {strides = array<i32>} : memref<6400xf32, #tpu.memory_space<vmem>>, vector<16xf32>,
      %add3A_217 = arith.constant 32 : i32
      %add3A_218 = arith.addi %mul3A_188, %add3A_217 : i32
      %get3A_219 = arith.index_cast %add3A_218 : i32 to index
      %get3A_220 = tpu.vector_load %arg9[%get3A_219] {strides = array<i32>} : memref<6400xf32, #tpu.memory_space<vmem>>, vector<16xf32>,
      %get3A_221 = vector.shape_cast %get3A_220 : vector<16xf32> to vector<16xf32>
      %add3A_222 = arith.constant 19200 : i32
      %add3A_223 = arith.addi %add3A_222, %add3A_218 : i32
      %get3A_224 = arith.index_cast %add3A_223 : i32 to index
      %get3A_225 = tpu.vector_load %arg5[%get3A_224] {strides = array<i32>} : memref<25600xf32, #tpu.memory_space<vmem>>, vector<16xf32>,
      %get3A_226 = vector.shape_cast %get3A_225 : vector<16xf32> to vector<16xf32>
      %add3A_227 = arith.addf %get3A_221, %get3A_226 : vector<16xf32>
      %swap3A_228 = arith.index_cast %add3A_218 : i32 to index
      %swap3A_229 = tpu.vector_load %arg13[%swap3A_228] {strides = array<i32>} : memref<6400xf32, #tpu.memory_space<vmem>>, vector<16xf32>,
      %swap3A_230 = vector.shape_cast %swap3A_229 : vector<16xf32> to vector<16xf32>
      %swap3A_231 = vector.shape_cast %add3A_227 : vector<16xf32> to vector<16xf32>
      tpu.vector_store %arg13[%swap3A_228], %swap3A_231 {strides = array<i32>} : memref<6400xf32, #tpu.memory_space<vmem>>, vector<16xf32>,
      %add3A_232 = arith.constant 48 : i32
      %add3A_233 = arith.addi %mul3A_188, %add3A_232 : i32
      %get3A_234 = arith.index_cast %add3A_233 : i32 to index
      %get3A_235 = tpu.vector_load %arg9[%get3A_234] {strides = array<i32>} : memref<6400xf32, #tpu.memory_space<vmem>>, vector<16xf32>,
      %get3A_236 = vector.shape_cast %get3A_235 : vector<16xf32> to vector<16xf32>
      %add3A_237 = arith.constant 19200 : i32
      %add3A_238 = arith.addi %add3A_237, %add3A_233 : i32
      %get3A_239 = arith.index_cast %add3A_238 : i32 to index
      %get3A_240 = tpu.vector_load %arg5[%get3A_239] {strides = array<i32>} : memref<25600xf32, #tpu.memory_space<vmem>>, vector<16xf32>,
      %get3A_241 = vector.shape_cast %get3A_240 : vector<16xf32> to vector<16xf32>
      %add3A_242 = arith.addf %get3A_236, %get3A_241 : vector<16xf32>
      %swap3A_243 = arith.index_cast %add3A_233 : i32 to index
      %swap3A_244 = tpu.vector_load %arg13[%swap3A_243] {strides = array<i32>} : memref<6400xf32, #tpu.memory_space<vmem>>, vector<16xf32>,
      %swap3A_245 = vector.shape_cast %swap3A_244 : vector<16xf32> to vector<16xf32>
      %swap3A_246 = vector.shape_cast %add3A_242 : vector<16xf32> to vector<16xf32>
      tpu.vector_store %arg13[%swap3A_243], %swap3A_246 {strides = array<i32>} : memref<6400xf32, #tpu.memory_space<vmem>>, vector<16xf32>,
      %add3A_247 = arith.constant 64 : i32
      %add3A_248 = arith.addi %mul3A_188, %add3A_247 : i32
      %get3A_249 = arith.index_cast %add3A_248 : i32 to index
      %get3A_250 = tpu.vector_load %arg9[%get3A_249] {strides = array<i32>} : memref<6400xf32, #tpu.memory_space<vmem>>, vector<16xf32>,
      %get3A_251 = vector.shape_cast %get3A_250 : vector<16xf32> to vector<16xf32>
      %add3A_252 = arith.constant 19200 : i32
      %add3A_253 = arith.addi %add3A_252, %add3A_248 : i32
      %get3A_254 = arith.index_cast %add3A_253 : i32 to index
      %get3A_255 = tpu.vector_load %arg5[%get3A_254] {strides = array<i32>} : memref<25600xf32, #tpu.memory_space<vmem>>, vector<16xf32>,
      %get3A_256 = vector.shape_cast %get3A_255 : vector<16xf32> to vector<16xf32>
      %add3A_257 = arith.addf %get3A_251, %get3A_256 : vector<16xf32>
      %swap3A_258 = arith.index_cast %add3A_248 : i32 to index
      %swap3A_259 = tpu.vector_load %arg13[%swap3A_258] {strides = array<i32>} : memref<6400xf32, #tpu.memory_space<vmem>>, vector<16xf32>,
      %swap3A_260 = vector.shape_cast %swap3A_259 : vector<16xf32> to vector<16xf32>
      %swap3A_261 = vector.shape_cast %add3A_257 : vector<16xf32> to vector<16xf32>
      tpu.vector_store %arg13[%swap3A_258], %swap3A_261 {strides = array<i32>} : memref<6400xf32, #tpu.memory_space<vmem>>, vector<16xf32>,
      %add3A_262 = arith.constant 80 : i32
      %add3A_263 = arith.addi %mul3A_188, %add3A_262 : i32
      %get3A_264 = arith.index_cast %add3A_263 : i32 to index
      %get3A_265 = tpu.vector_load %arg9[%get3A_264] {strides = array<i32>} : memref<6400xf32, #tpu.memory_space<vmem>>, vector<16xf32>,
      %get3A_266 = vector.shape_cast %get3A_265 : vector<16xf32> to vector<16xf32>
      %add3A_267 = arith.constant 19200 : i32
      %add3A_268 = arith.addi %add3A_267, %add3A_263 : i32
      %get3A_269 = arith.index_cast %add3A_268 : i32 to index
      %get3A_270 = tpu.vector_load %arg5[%get3A_269] {strides = array<i32>} : memref<25600xf32, #tpu.memory_space<vmem>>, vector<16xf32>,
      %get3A_271 = vector.shape_cast %get3A_270 : vector<16xf32> to vector<16xf32>
      %add3A_272 = arith.addf %get3A_266, %get3A_271 : vector<16xf32>
      %swap3A_273 = arith.index_cast %add3A_263 : i32 to index
      %swap3A_274 = tpu.vector_load %arg13[%swap3A_273] {strides = array<i32>} : memref<6400xf32, #tpu.memory_space<vmem>>, vector<16xf32>,
      %swap3A_275 = vector.shape_cast %swap3A_274 : vector<16xf32> to vector<16xf32>
      %swap3A_276 = vector.shape_cast %add3A_272 : vector<16xf32> to vector<16xf32>
      tpu.vector_store %arg13[%swap3A_273], %swap3A_276 {strides = array<i32>} : memref<6400xf32, #tpu.memory_space<vmem>>, vector<16xf32>,
      %add3A_277 = arith.constant 96 : i32
      %add3A_278 = arith.addi %mul3A_188, %add3A_277 : i32
      %get3A_279 = arith.index_cast %add3A_278 : i32 to index
      %get3A_280 = tpu.vector_load %arg9[%get3A_279] {strides = array<i32>} : memref<6400xf32, #tpu.memory_space<vmem>>, vector<16xf32>,
      %get3A_281 = vector.shape_cast %get3A_280 : vector<16xf32> to vector<16xf32>
      %add3A_282 = arith.constant 19200 : i32
      %add3A_283 = arith.addi %add3A_282, %add3A_278 : i32
      %get3A_284 = arith.index_cast %add3A_283 : i32 to index
      %get3A_285 = tpu.vector_load %arg5[%get3A_284] {strides = array<i32>} : memref<25600xf32, #tpu.memory_space<vmem>>, vector<16xf32>,
      %get3A_286 = vector.shape_cast %get3A_285 : vector<16xf32> to vector<16xf32>
      %add3A_287 = arith.addf %get3A_281, %get3A_286 : vector<16xf32>
      %swap3A_288 = arith.index_cast %add3A_278 : i32 to index
      %swap3A_289 = tpu.vector_load %arg13[%swap3A_288] {strides = array<i32>} : memref<6400xf32, #tpu.memory_space<vmem>>, vector<16xf32>,
      %swap3A_290 = vector.shape_cast %swap3A_289 : vector<16xf32> to vector<16xf32>
      %swap3A_291 = vector.shape_cast %add3A_287 : vector<16xf32> to vector<16xf32>
      tpu.vector_store %arg13[%swap3A_288], %swap3A_291 {strides = array<i32>} : memref<6400xf32, #tpu.memory_space<vmem>>, vector<16xf32>,
      %add3A_292 = arith.constant 112 : i32
      %add3A_293 = arith.addi %mul3A_188, %add3A_292 : i32
      %get3A_294 = arith.index_cast %add3A_293 : i32 to index
      %get3A_295 = tpu.vector_load %arg9[%get3A_294] {strides = array<i32>} : memref<6400xf32, #tpu.memory_space<vmem>>, vector<16xf32>,
      %get3A_296 = vector.shape_cast %get3A_295 : vector<16xf32> to vector<16xf32>
      %add3A_297 = arith.constant 19200 : i32
      %add3A_298 = arith.addi %add3A_297, %add3A_293 : i32
      %get3A_299 = arith.index_cast %add3A_298 : i32 to index
      %get3A_300 = tpu.vector_load %arg5[%get3A_299] {strides = array<i32>} : memref<25600xf32, #tpu.memory_space<vmem>>, vector<16xf32>,
      %get3A_301 = vector.shape_cast %get3A_300 : vector<16xf32> to vector<16xf32>
      %add3A_302 = arith.addf %get3A_296, %get3A_301 : vector<16xf32>
      %swap3A_303 = arith.index_cast %add3A_293 : i32 to index
      %swap3A_304 = tpu.vector_load %arg13[%swap3A_303] {strides = array<i32>} : memref<6400xf32, #tpu.memory_space<vmem>>, vector<16xf32>,
      %swap3A_305 = vector.shape_cast %swap3A_304 : vector<16xf32> to vector<16xf32>
      %swap3A_306 = vector.shape_cast %add3A_302 : vector<16xf32> to vector<16xf32>
      tpu.vector_store %arg13[%swap3A_303], %swap3A_306 {strides = array<i32>} : memref<6400xf32, #tpu.memory_space<vmem>>, vector<16xf32>,
    }
    %scan3A_83 = arith.constant 50 : i32
    %add3A_84 = arith.constant 19200 : i32
    %add3A_85 = arith.addi %mul3A_6, %add3A_84 : i32
    %dma_start3A_86 = tpu.memref_slice %arg4[%add3A_85] : memref<104857600xf32, #tpu.memory_space<hbm>> -> memref<6400xf32, #tpu.memory_space<hbm>>
    %dma_start3A_87 = tpu.memref_slice %arg4[%add3A_85] : memref<104857600xf32, #tpu.memory_space<hbm>> -> memref<6400xf32, #tpu.memory_space<hbm>>
    tpu.enqueue_dma source(%arg13 : memref<6400xf32, #tpu.memory_space<vmem>>) target(%dma_start3A_87 : memref<6400xf32, #tpu.memory_space<hbm>>) target_semaphore(%arg21 : memref<!tpu.dma_semaphore, #tpu.memory_space<semaphore_mem>>)
    %add3A_88 = arith.constant 44800 : i32
    %add3A_89 = arith.addi %mul3A_6, %add3A_88 : i32
    %dma_start3A_90 = tpu.memref_slice %arg2[%add3A_89] : memref<104857600xf32, #tpu.memory_space<hbm>> -> memref<6400xf32, #tpu.memory_space<hbm>>
    %dma_start3A_91 = tpu.memref_slice %arg2[%add3A_89] : memref<104857600xf32, #tpu.memory_space<hbm>> -> memref<6400xf32, #tpu.memory_space<hbm>>
    tpu.enqueue_dma source(%dma_start3A_91 : memref<6400xf32, #tpu.memory_space<hbm>>) target(%arg9 : memref<6400xf32, #tpu.memory_space<vmem>>) target_semaphore(%arg17 : memref<!tpu.dma_semaphore, #tpu.memory_space<semaphore_mem>>)
    %scan3A_92 = arith.constant 0 : i32
    %scan3A_93 = arith.constant 1 : i32
    %scan3A_94 = arith.constant 62 : i32
    %scan3A_95 = arith.addi %scan3A_93, %scan3A_94 : i32
    %scan3A_96 = arith.constant 1 : i32
    scf.for %scan3A_186 = %scan3A_93 to %scan3A_95 step %scan3A_96  : i32 {
      %mul3A_187 = arith.constant 4 : i32
      %mul3A_188 = arith.muli %scan3A_186, %mul3A_187 : i32
      %add3A_189 = arith.constant 0 : i32
      %add3A_190 = arith.addi %mul3A_188, %add3A_189 : i32
      %dma_wait3A_191 = arith.constant 0 : i32
      %dma_wait3A_192 = tpu.memref_slice %arg2[%dma_wait3A_191] : memref<104857600xf32, #tpu.memory_space<hbm>> -> memref<6400xf32, #tpu.memory_space<hbm>>
      %dma_wait3A_193 = arith.constant 0 : i32
      %dma_wait3A_194 = tpu.memref_slice %arg2[%dma_wait3A_193] : memref<104857600xf32, #tpu.memory_space<hbm>> -> memref<6400xf32, #tpu.memory_space<hbm>>
      tpu.wait_dma2 semaphore(%arg14 : memref<!tpu.dma_semaphore, #tpu.memory_space<semaphore_mem>>) src(%dma_wait3A_194 : memref<6400xf32, #tpu.memory_space<hbm>>) dst(%arg6 : memref<6400xf32, #tpu.memory_space<vmem>>)
      %dma_wait3A_195 = arith.constant 0 : i32
      %dma_wait3A_196 = tpu.memref_slice %arg4[%dma_wait3A_195] : memref<104857600xf32, #tpu.memory_space<hbm>> -> memref<6400xf32, #tpu.memory_space<hbm>>
      %dma_wait3A_197 = arith.constant 0 : i32
      %dma_wait3A_198 = tpu.memref_slice %arg4[%dma_wait3A_197] : memref<104857600xf32, #tpu.memory_space<hbm>> -> memref<6400xf32, #tpu.memory_space<hbm>>
      tpu.wait_dma2 semaphore(%arg18 : memref<!tpu.dma_semaphore, #tpu.memory_space<semaphore_mem>>) src(%arg10 : memref<6400xf32, #tpu.memory_space<vmem>>) dst(%dma_wait3A_198 : memref<6400xf32, #tpu.memory_space<hbm>>)
      %scan3A_199 = arith.constant 0 : i32
      %scan3A_200 = arith.constant 0 : i32
      %scan3A_201 = arith.constant 50 : i32
      %scan3A_202 = arith.addi %scan3A_200, %scan3A_201 : i32
      %scan3A_203 = arith.constant 1 : i32
      scf.for %scan3A_307 = %scan3A_200 to %scan3A_202 step %scan3A_203  : i32 {
        %mul3A_308 = arith.constant 128 : i32
        %mul3A_309 = arith.muli %scan3A_307, %mul3A_308 : i32
        %add3A_310 = arith.constant 0 : i32
        %add3A_311 = arith.addi %mul3A_309, %add3A_310 : i32
        %get3A = arith.index_cast %add3A_311 : i32 to index
        %get3A_312 = tpu.vector_load %arg6[%get3A] {strides = array<i32>} : memref<6400xf32, #tpu.memory_space<vmem>>, vector<16xf32>,
        %get3A_313 = vector.shape_cast %get3A_312 : vector<16xf32> to vector<16xf32>
        %add3A_314 = arith.constant 0 : i32
        %add3A_315 = arith.addi %add3A_314, %add3A_311 : i32
        %get3A_316 = arith.index_cast %add3A_315 : i32 to index
        %get3A_317 = tpu.vector_load %arg5[%get3A_316] {strides = array<i32>} : memref<25600xf32, #tpu.memory_space<vmem>>, vector<16xf32>,
        %get3A_318 = vector.shape_cast %get3A_317 : vector<16xf32> to vector<16xf32>
        %add3A_319 = arith.addf %get3A_313, %get3A_318 : vector<16xf32>
        %swap3A = arith.index_cast %add3A_311 : i32 to index
        %swap3A_320 = tpu.vector_load %arg10[%swap3A] {strides = array<i32>} : memref<6400xf32, #tpu.memory_space<vmem>>, vector<16xf32>,
        %swap3A_321 = vector.shape_cast %swap3A_320 : vector<16xf32> to vector<16xf32>
        %swap3A_322 = vector.shape_cast %add3A_319 : vector<16xf32> to vector<16xf32>
        tpu.vector_store %arg10[%swap3A], %swap3A_322 {strides = array<i32>} : memref<6400xf32, #tpu.memory_space<vmem>>, vector<16xf32>,
        %add3A_323 = arith.constant 16 : i32
        %add3A_324 = arith.addi %mul3A_309, %add3A_323 : i32
        %get3A_325 = arith.index_cast %add3A_324 : i32 to index
        %get3A_326 = tpu.vector_load %arg6[%get3A_325] {strides = array<i32>} : memref<6400xf32, #tpu.memory_space<vmem>>, vector<16xf32>,
        %get3A_327 = vector.shape_cast %get3A_326 : vector<16xf32> to vector<16xf32>
        %add3A_328 = arith.constant 0 : i32
        %add3A_329 = arith.addi %add3A_328, %add3A_324 : i32
        %get3A_330 = arith.index_cast %add3A_329 : i32 to index
        %get3A_331 = tpu.vector_load %arg5[%get3A_330] {strides = array<i32>} : memref<25600xf32, #tpu.memory_space<vmem>>, vector<16xf32>,
        %get3A_332 = vector.shape_cast %get3A_331 : vector<16xf32> to vector<16xf32>
        %add3A_333 = arith.addf %get3A_327, %get3A_332 : vector<16xf32>
        %swap3A_334 = arith.index_cast %add3A_324 : i32 to index
        %swap3A_335 = tpu.vector_load %arg10[%swap3A_334] {strides = array<i32>} : memref<6400xf32, #tpu.memory_space<vmem>>, vector<16xf32>,
        %swap3A_336 = vector.shape_cast %swap3A_335 : vector<16xf32> to vector<16xf32>
        %swap3A_337 = vector.shape_cast %add3A_333 : vector<16xf32> to vector<16xf32>
        tpu.vector_store %arg10[%swap3A_334], %swap3A_337 {strides = array<i32>} : memref<6400xf32, #tpu.memory_space<vmem>>, vector<16xf32>,
        %add3A_338 = arith.constant 32 : i32
        %add3A_339 = arith.addi %mul3A_309, %add3A_338 : i32
        %get3A_340 = arith.index_cast %add3A_339 : i32 to index
        %get3A_341 = tpu.vector_load %arg6[%get3A_340] {strides = array<i32>} : memref<6400xf32, #tpu.memory_space<vmem>>, vector<16xf32>,
        %get3A_342 = vector.shape_cast %get3A_341 : vector<16xf32> to vector<16xf32>
        %add3A_343 = arith.constant 0 : i32
        %add3A_344 = arith.addi %add3A_343, %add3A_339 : i32
        %get3A_345 = arith.index_cast %add3A_344 : i32 to index
        %get3A_346 = tpu.vector_load %arg5[%get3A_345] {strides = array<i32>} : memref<25600xf32, #tpu.memory_space<vmem>>, vector<16xf32>,
        %get3A_347 = vector.shape_cast %get3A_346 : vector<16xf32> to vector<16xf32>
        %add3A_348 = arith.addf %get3A_342, %get3A_347 : vector<16xf32>
        %swap3A_349 = arith.index_cast %add3A_339 : i32 to index
        %swap3A_350 = tpu.vector_load %arg10[%swap3A_349] {strides = array<i32>} : memref<6400xf32, #tpu.memory_space<vmem>>, vector<16xf32>,
        %swap3A_351 = vector.shape_cast %swap3A_350 : vector<16xf32> to vector<16xf32>
        %swap3A_352 = vector.shape_cast %add3A_348 : vector<16xf32> to vector<16xf32>
        tpu.vector_store %arg10[%swap3A_349], %swap3A_352 {strides = array<i32>} : memref<6400xf32, #tpu.memory_space<vmem>>, vector<16xf32>,
        %add3A_353 = arith.constant 48 : i32
        %add3A_354 = arith.addi %mul3A_309, %add3A_353 : i32
        %get3A_355 = arith.index_cast %add3A_354 : i32 to index
        %get3A_356 = tpu.vector_load %arg6[%get3A_355] {strides = array<i32>} : memref<6400xf32, #tpu.memory_space<vmem>>, vector<16xf32>,
        %get3A_357 = vector.shape_cast %get3A_356 : vector<16xf32> to vector<16xf32>
        %add3A_358 = arith.constant 0 : i32
        %add3A_359 = arith.addi %add3A_358, %add3A_354 : i32
        %get3A_360 = arith.index_cast %add3A_359 : i32 to index
        %get3A_361 = tpu.vector_load %arg5[%get3A_360] {strides = array<i32>} : memref<25600xf32, #tpu.memory_space<vmem>>, vector<16xf32>,
        %get3A_362 = vector.shape_cast %get3A_361 : vector<16xf32> to vector<16xf32>
        %add3A_363 = arith.addf %get3A_357, %get3A_362 : vector<16xf32>
        %swap3A_364 = arith.index_cast %add3A_354 : i32 to index
        %swap3A_365 = tpu.vector_load %arg10[%swap3A_364] {strides = array<i32>} : memref<6400xf32, #tpu.memory_space<vmem>>, vector<16xf32>,
        %swap3A_366 = vector.shape_cast %swap3A_365 : vector<16xf32> to vector<16xf32>
        %swap3A_367 = vector.shape_cast %add3A_363 : vector<16xf32> to vector<16xf32>
        tpu.vector_store %arg10[%swap3A_364], %swap3A_367 {strides = array<i32>} : memref<6400xf32, #tpu.memory_space<vmem>>, vector<16xf32>,
        %add3A_368 = arith.constant 64 : i32
        %add3A_369 = arith.addi %mul3A_309, %add3A_368 : i32
        %get3A_370 = arith.index_cast %add3A_369 : i32 to index
        %get3A_371 = tpu.vector_load %arg6[%get3A_370] {strides = array<i32>} : memref<6400xf32, #tpu.memory_space<vmem>>, vector<16xf32>,
        %get3A_372 = vector.shape_cast %get3A_371 : vector<16xf32> to vector<16xf32>
        %add3A_373 = arith.constant 0 : i32
        %add3A_374 = arith.addi %add3A_373, %add3A_369 : i32
        %get3A_375 = arith.index_cast %add3A_374 : i32 to index
        %get3A_376 = tpu.vector_load %arg5[%get3A_375] {strides = array<i32>} : memref<25600xf32, #tpu.memory_space<vmem>>, vector<16xf32>,
        %get3A_377 = vector.shape_cast %get3A_376 : vector<16xf32> to vector<16xf32>
        %add3A_378 = arith.addf %get3A_372, %get3A_377 : vector<16xf32>
        %swap3A_379 = arith.index_cast %add3A_369 : i32 to index
        %swap3A_380 = tpu.vector_load %arg10[%swap3A_379] {strides = array<i32>} : memref<6400xf32, #tpu.memory_space<vmem>>, vector<16xf32>,
        %swap3A_381 = vector.shape_cast %swap3A_380 : vector<16xf32> to vector<16xf32>
        %swap3A_382 = vector.shape_cast %add3A_378 : vector<16xf32> to vector<16xf32>
        tpu.vector_store %arg10[%swap3A_379], %swap3A_382 {strides = array<i32>} : memref<6400xf32, #tpu.memory_space<vmem>>, vector<16xf32>,
        %add3A_383 = arith.constant 80 : i32
        %add3A_384 = arith.addi %mul3A_309, %add3A_383 : i32
        %get3A_385 = arith.index_cast %add3A_384 : i32 to index
        %get3A_386 = tpu.vector_load %arg6[%get3A_385] {strides = array<i32>} : memref<6400xf32, #tpu.memory_space<vmem>>, vector<16xf32>,
        %get3A_387 = vector.shape_cast %get3A_386 : vector<16xf32> to vector<16xf32>
        %add3A_388 = arith.constant 0 : i32
        %add3A_389 = arith.addi %add3A_388, %add3A_384 : i32
        %get3A_390 = arith.index_cast %add3A_389 : i32 to index
        %get3A_391 = tpu.vector_load %arg5[%get3A_390] {strides = array<i32>} : memref<25600xf32, #tpu.memory_space<vmem>>, vector<16xf32>,
        %get3A_392 = vector.shape_cast %get3A_391 : vector<16xf32> to vector<16xf32>
        %add3A_393 = arith.addf %get3A_387, %get3A_392 : vector<16xf32>
        %swap3A_394 = arith.index_cast %add3A_384 : i32 to index
        %swap3A_395 = tpu.vector_load %arg10[%swap3A_394] {strides = array<i32>} : memref<6400xf32, #tpu.memory_space<vmem>>, vector<16xf32>,
        %swap3A_396 = vector.shape_cast %swap3A_395 : vector<16xf32> to vector<16xf32>
        %swap3A_397 = vector.shape_cast %add3A_393 : vector<16xf32> to vector<16xf32>
        tpu.vector_store %arg10[%swap3A_394], %swap3A_397 {strides = array<i32>} : memref<6400xf32, #tpu.memory_space<vmem>>, vector<16xf32>,
        %add3A_398 = arith.constant 96 : i32
        %add3A_399 = arith.addi %mul3A_309, %add3A_398 : i32
        %get3A_400 = arith.index_cast %add3A_399 : i32 to index
        %get3A_401 = tpu.vector_load %arg6[%get3A_400] {strides = array<i32>} : memref<6400xf32, #tpu.memory_space<vmem>>, vector<16xf32>,
        %get3A_402 = vector.shape_cast %get3A_401 : vector<16xf32> to vector<16xf32>
        %add3A_403 = arith.constant 0 : i32
        %add3A_404 = arith.addi %add3A_403, %add3A_399 : i32
        %get3A_405 = arith.index_cast %add3A_404 : i32 to index
        %get3A_406 = tpu.vector_load %arg5[%get3A_405] {strides = array<i32>} : memref<25600xf32, #tpu.memory_space<vmem>>, vector<16xf32>,
        %get3A_407 = vector.shape_cast %get3A_406 : vector<16xf32> to vector<16xf32>
        %add3A_408 = arith.addf %get3A_402, %get3A_407 : vector<16xf32>
        %swap3A_409 = arith.index_cast %add3A_399 : i32 to index
        %swap3A_410 = tpu.vector_load %arg10[%swap3A_409] {strides = array<i32>} : memref<6400xf32, #tpu.memory_space<vmem>>, vector<16xf32>,
        %swap3A_411 = vector.shape_cast %swap3A_410 : vector<16xf32> to vector<16xf32>
        %swap3A_412 = vector.shape_cast %add3A_408 : vector<16xf32> to vector<16xf32>
        tpu.vector_store %arg10[%swap3A_409], %swap3A_412 {strides = array<i32>} : memref<6400xf32, #tpu.memory_space<vmem>>, vector<16xf32>,
        %add3A_413 = arith.constant 112 : i32
        %add3A_414 = arith.addi %mul3A_309, %add3A_413 : i32
        %get3A_415 = arith.index_cast %add3A_414 : i32 to index
        %get3A_416 = tpu.vector_load %arg6[%get3A_415] {strides = array<i32>} : memref<6400xf32, #tpu.memory_space<vmem>>, vector<16xf32>,
        %get3A_417 = vector.shape_cast %get3A_416 : vector<16xf32> to vector<16xf32>
        %add3A_418 = arith.constant 0 : i32
        %add3A_419 = arith.addi %add3A_418, %add3A_414 : i32
        %get3A_420 = arith.index_cast %add3A_419 : i32 to index
        %get3A_421 = tpu.vector_load %arg5[%get3A_420] {strides = array<i32>} : memref<25600xf32, #tpu.memory_space<vmem>>, vector<16xf32>,
        %get3A_422 = vector.shape_cast %get3A_421 : vector<16xf32> to vector<16xf32>
        %add3A_423 = arith.addf %get3A_417, %get3A_422 : vector<16xf32>
        %swap3A_424 = arith.index_cast %add3A_414 : i32 to index
        %swap3A_425 = tpu.vector_load %arg10[%swap3A_424] {strides = array<i32>} : memref<6400xf32, #tpu.memory_space<vmem>>, vector<16xf32>,
        %swap3A_426 = vector.shape_cast %swap3A_425 : vector<16xf32> to vector<16xf32>
        %swap3A_427 = vector.shape_cast %add3A_423 : vector<16xf32> to vector<16xf32>
        tpu.vector_store %arg10[%swap3A_424], %swap3A_427 {strides = array<i32>} : memref<6400xf32, #tpu.memory_space<vmem>>, vector<16xf32>,
      }
      %scan3A_204 = arith.constant 50 : i32
      %mul3A_205 = arith.constant 6400 : i32
      %mul3A_206 = arith.muli %add3A_190, %mul3A_205 : i32
      %add3A_207 = arith.addi %mul3A_6, %mul3A_206 : i32
      %dma_start3A_208 = tpu.memref_slice %arg4[%add3A_207] : memref<104857600xf32, #tpu.memory_space<hbm>> -> memref<6400xf32, #tpu.memory_space<hbm>>
      %dma_start3A_209 = tpu.memref_slice %arg4[%add3A_207] : memref<104857600xf32, #tpu.memory_space<hbm>> -> memref<6400xf32, #tpu.memory_space<hbm>>
      tpu.enqueue_dma source(%arg10 : memref<6400xf32, #tpu.memory_space<vmem>>) target(%dma_start3A_209 : memref<6400xf32, #tpu.memory_space<hbm>>) target_semaphore(%arg18 : memref<!tpu.dma_semaphore, #tpu.memory_space<semaphore_mem>>)
      %add3A_210 = arith.constant 4 : i32
      %add3A_211 = arith.addi %add3A_190, %add3A_210 : i32
      %mul3A_212 = arith.constant 6400 : i32
      %mul3A_213 = arith.muli %add3A_211, %mul3A_212 : i32
      %add3A_214 = arith.addi %mul3A_6, %mul3A_213 : i32
      %dma_start3A_215 = tpu.memref_slice %arg2[%add3A_214] : memref<104857600xf32, #tpu.memory_space<hbm>> -> memref<6400xf32, #tpu.memory_space<hbm>>
      %dma_start3A_216 = tpu.memref_slice %arg2[%add3A_214] : memref<104857600xf32, #tpu.memory_space<hbm>> -> memref<6400xf32, #tpu.memory_space<hbm>>
      tpu.enqueue_dma source(%dma_start3A_216 : memref<6400xf32, #tpu.memory_space<hbm>>) target(%arg6 : memref<6400xf32, #tpu.memory_space<vmem>>) target_semaphore(%arg14 : memref<!tpu.dma_semaphore, #tpu.memory_space<semaphore_mem>>)
      %mul3A_217 = arith.constant 4 : i32
      %mul3A_218 = arith.muli %scan3A_186, %mul3A_217 : i32
      %add3A_219 = arith.constant 1 : i32
      %add3A_220 = arith.addi %mul3A_218, %add3A_219 : i32
      %dma_wait3A_221 = arith.constant 0 : i32
      %dma_wait3A_222 = tpu.memref_slice %arg2[%dma_wait3A_221] : memref<104857600xf32, #tpu.memory_space<hbm>> -> memref<6400xf32, #tpu.memory_space<hbm>>
      %dma_wait3A_223 = arith.constant 0 : i32
      %dma_wait3A_224 = tpu.memref_slice %arg2[%dma_wait3A_223] : memref<104857600xf32, #tpu.memory_space<hbm>> -> memref<6400xf32, #tpu.memory_space<hbm>>
      tpu.wait_dma2 semaphore(%arg15 : memref<!tpu.dma_semaphore, #tpu.memory_space<semaphore_mem>>) src(%dma_wait3A_224 : memref<6400xf32, #tpu.memory_space<hbm>>) dst(%arg7 : memref<6400xf32, #tpu.memory_space<vmem>>)
      %dma_wait3A_225 = arith.constant 0 : i32
      %dma_wait3A_226 = tpu.memref_slice %arg4[%dma_wait3A_225] : memref<104857600xf32, #tpu.memory_space<hbm>> -> memref<6400xf32, #tpu.memory_space<hbm>>
      %dma_wait3A_227 = arith.constant 0 : i32
      %dma_wait3A_228 = tpu.memref_slice %arg4[%dma_wait3A_227] : memref<104857600xf32, #tpu.memory_space<hbm>> -> memref<6400xf32, #tpu.memory_space<hbm>>
      tpu.wait_dma2 semaphore(%arg19 : memref<!tpu.dma_semaphore, #tpu.memory_space<semaphore_mem>>) src(%arg11 : memref<6400xf32, #tpu.memory_space<vmem>>) dst(%dma_wait3A_228 : memref<6400xf32, #tpu.memory_space<hbm>>)
      %scan3A_229 = arith.constant 0 : i32
      %scan3A_230 = arith.constant 0 : i32
      %scan3A_231 = arith.constant 50 : i32
      %scan3A_232 = arith.addi %scan3A_230, %scan3A_231 : i32
      %scan3A_233 = arith.constant 1 : i32
      scf.for %scan3A_307 = %scan3A_230 to %scan3A_232 step %scan3A_233  : i32 {
        %mul3A_308 = arith.constant 128 : i32
        %mul3A_309 = arith.muli %scan3A_307, %mul3A_308 : i32
        %add3A_310 = arith.constant 0 : i32
        %add3A_311 = arith.addi %mul3A_309, %add3A_310 : i32
        %get3A = arith.index_cast %add3A_311 : i32 to index
        %get3A_312 = tpu.vector_load %arg7[%get3A] {strides = array<i32>} : memref<6400xf32, #tpu.memory_space<vmem>>, vector<16xf32>,
        %get3A_313 = vector.shape_cast %get3A_312 : vector<16xf32> to vector<16xf32>
        %add3A_314 = arith.constant 6400 : i32
        %add3A_315 = arith.addi %add3A_314, %add3A_311 : i32
        %get3A_316 = arith.index_cast %add3A_315 : i32 to index
        %get3A_317 = tpu.vector_load %arg5[%get3A_316] {strides = array<i32>} : memref<25600xf32, #tpu.memory_space<vmem>>, vector<16xf32>,
        %get3A_318 = vector.shape_cast %get3A_317 : vector<16xf32> to vector<16xf32>
        %add3A_319 = arith.addf %get3A_313, %get3A_318 : vector<16xf32>
        %swap3A = arith.index_cast %add3A_311 : i32 to index
        %swap3A_320 = tpu.vector_load %arg11[%swap3A] {strides = array<i32>} : memref<6400xf32, #tpu.memory_space<vmem>>, vector<16xf32>,
        %swap3A_321 = vector.shape_cast %swap3A_320 : vector<16xf32> to vector<16xf32>
        %swap3A_322 = vector.shape_cast %add3A_319 : vector<16xf32> to vector<16xf32>
        tpu.vector_store %arg11[%swap3A], %swap3A_322 {strides = array<i32>} : memref<6400xf32, #tpu.memory_space<vmem>>, vector<16xf32>,
        %add3A_323 = arith.constant 16 : i32
        %add3A_324 = arith.addi %mul3A_309, %add3A_323 : i32
        %get3A_325 = arith.index_cast %add3A_324 : i32 to index
        %get3A_326 = tpu.vector_load %arg7[%get3A_325] {strides = array<i32>} : memref<6400xf32, #tpu.memory_space<vmem>>, vector<16xf32>,
        %get3A_327 = vector.shape_cast %get3A_326 : vector<16xf32> to vector<16xf32>
        %add3A_328 = arith.constant 6400 : i32
        %add3A_329 = arith.addi %add3A_328, %add3A_324 : i32
        %get3A_330 = arith.index_cast %add3A_329 : i32 to index
        %get3A_331 = tpu.vector_load %arg5[%get3A_330] {strides = array<i32>} : memref<25600xf32, #tpu.memory_space<vmem>>, vector<16xf32>,
        %get3A_332 = vector.shape_cast %get3A_331 : vector<16xf32> to vector<16xf32>
        %add3A_333 = arith.addf %get3A_327, %get3A_332 : vector<16xf32>
        %swap3A_334 = arith.index_cast %add3A_324 : i32 to index
        %swap3A_335 = tpu.vector_load %arg11[%swap3A_334] {strides = array<i32>} : memref<6400xf32, #tpu.memory_space<vmem>>, vector<16xf32>,
        %swap3A_336 = vector.shape_cast %swap3A_335 : vector<16xf32> to vector<16xf32>
        %swap3A_337 = vector.shape_cast %add3A_333 : vector<16xf32> to vector<16xf32>
        tpu.vector_store %arg11[%swap3A_334], %swap3A_337 {strides = array<i32>} : memref<6400xf32, #tpu.memory_space<vmem>>, vector<16xf32>,
        %add3A_338 = arith.constant 32 : i32
        %add3A_339 = arith.addi %mul3A_309, %add3A_338 : i32
        %get3A_340 = arith.index_cast %add3A_339 : i32 to index
        %get3A_341 = tpu.vector_load %arg7[%get3A_340] {strides = array<i32>} : memref<6400xf32, #tpu.memory_space<vmem>>, vector<16xf32>,
        %get3A_342 = vector.shape_cast %get3A_341 : vector<16xf32> to vector<16xf32>
        %add3A_343 = arith.constant 6400 : i32
        %add3A_344 = arith.addi %add3A_343, %add3A_339 : i32
        %get3A_345 = arith.index_cast %add3A_344 : i32 to index
        %get3A_346 = tpu.vector_load %arg5[%get3A_345] {strides = array<i32>} : memref<25600xf32, #tpu.memory_space<vmem>>, vector<16xf32>,
        %get3A_347 = vector.shape_cast %get3A_346 : vector<16xf32> to vector<16xf32>
        %add3A_348 = arith.addf %get3A_342, %get3A_347 : vector<16xf32>
        %swap3A_349 = arith.index_cast %add3A_339 : i32 to index
        %swap3A_350 = tpu.vector_load %arg11[%swap3A_349] {strides = array<i32>} : memref<6400xf32, #tpu.memory_space<vmem>>, vector<16xf32>,
        %swap3A_351 = vector.shape_cast %swap3A_350 : vector<16xf32> to vector<16xf32>
        %swap3A_352 = vector.shape_cast %add3A_348 : vector<16xf32> to vector<16xf32>
        tpu.vector_store %arg11[%swap3A_349], %swap3A_352 {strides = array<i32>} : memref<6400xf32, #tpu.memory_space<vmem>>, vector<16xf32>,
        %add3A_353 = arith.constant 48 : i32
        %add3A_354 = arith.addi %mul3A_309, %add3A_353 : i32
        %get3A_355 = arith.index_cast %add3A_354 : i32 to index
        %get3A_356 = tpu.vector_load %arg7[%get3A_355] {strides = array<i32>} : memref<6400xf32, #tpu.memory_space<vmem>>, vector<16xf32>,
        %get3A_357 = vector.shape_cast %get3A_356 : vector<16xf32> to vector<16xf32>
        %add3A_358 = arith.constant 6400 : i32
        %add3A_359 = arith.addi %add3A_358, %add3A_354 : i32
        %get3A_360 = arith.index_cast %add3A_359 : i32 to index
        %get3A_361 = tpu.vector_load %arg5[%get3A_360] {strides = array<i32>} : memref<25600xf32, #tpu.memory_space<vmem>>, vector<16xf32>,
        %get3A_362 = vector.shape_cast %get3A_361 : vector<16xf32> to vector<16xf32>
        %add3A_363 = arith.addf %get3A_357, %get3A_362 : vector<16xf32>
        %swap3A_364 = arith.index_cast %add3A_354 : i32 to index
        %swap3A_365 = tpu.vector_load %arg11[%swap3A_364] {strides = array<i32>} : memref<6400xf32, #tpu.memory_space<vmem>>, vector<16xf32>,
        %swap3A_366 = vector.shape_cast %swap3A_365 : vector<16xf32> to vector<16xf32>
        %swap3A_367 = vector.shape_cast %add3A_363 : vector<16xf32> to vector<16xf32>
        tpu.vector_store %arg11[%swap3A_364], %swap3A_367 {strides = array<i32>} : memref<6400xf32, #tpu.memory_space<vmem>>, vector<16xf32>,
        %add3A_368 = arith.constant 64 : i32
        %add3A_369 = arith.addi %mul3A_309, %add3A_368 : i32
        %get3A_370 = arith.index_cast %add3A_369 : i32 to index
        %get3A_371 = tpu.vector_load %arg7[%get3A_370] {strides = array<i32>} : memref<6400xf32, #tpu.memory_space<vmem>>, vector<16xf32>,
        %get3A_372 = vector.shape_cast %get3A_371 : vector<16xf32> to vector<16xf32>
        %add3A_373 = arith.constant 6400 : i32
        %add3A_374 = arith.addi %add3A_373, %add3A_369 : i32
        %get3A_375 = arith.index_cast %add3A_374 : i32 to index
        %get3A_376 = tpu.vector_load %arg5[%get3A_375] {strides = array<i32>} : memref<25600xf32, #tpu.memory_space<vmem>>, vector<16xf32>,
        %get3A_377 = vector.shape_cast %get3A_376 : vector<16xf32> to vector<16xf32>
        %add3A_378 = arith.addf %get3A_372, %get3A_377 : vector<16xf32>
        %swap3A_379 = arith.index_cast %add3A_369 : i32 to index
        %swap3A_380 = tpu.vector_load %arg11[%swap3A_379] {strides = array<i32>} : memref<6400xf32, #tpu.memory_space<vmem>>, vector<16xf32>,
        %swap3A_381 = vector.shape_cast %swap3A_380 : vector<16xf32> to vector<16xf32>
        %swap3A_382 = vector.shape_cast %add3A_378 : vector<16xf32> to vector<16xf32>
        tpu.vector_store %arg11[%swap3A_379], %swap3A_382 {strides = array<i32>} : memref<6400xf32, #tpu.memory_space<vmem>>, vector<16xf32>,
        %add3A_383 = arith.constant 80 : i32
        %add3A_384 = arith.addi %mul3A_309, %add3A_383 : i32
        %get3A_385 = arith.index_cast %add3A_384 : i32 to index
        %get3A_386 = tpu.vector_load %arg7[%get3A_385] {strides = array<i32>} : memref<6400xf32, #tpu.memory_space<vmem>>, vector<16xf32>,
        %get3A_387 = vector.shape_cast %get3A_386 : vector<16xf32> to vector<16xf32>
        %add3A_388 = arith.constant 6400 : i32
        %add3A_389 = arith.addi %add3A_388, %add3A_384 : i32
        %get3A_390 = arith.index_cast %add3A_389 : i32 to index
        %get3A_391 = tpu.vector_load %arg5[%get3A_390] {strides = array<i32>} : memref<25600xf32, #tpu.memory_space<vmem>>, vector<16xf32>,
        %get3A_392 = vector.shape_cast %get3A_391 : vector<16xf32> to vector<16xf32>
        %add3A_393 = arith.addf %get3A_387, %get3A_392 : vector<16xf32>
        %swap3A_394 = arith.index_cast %add3A_384 : i32 to index
        %swap3A_395 = tpu.vector_load %arg11[%swap3A_394] {strides = array<i32>} : memref<6400xf32, #tpu.memory_space<vmem>>, vector<16xf32>,
        %swap3A_396 = vector.shape_cast %swap3A_395 : vector<16xf32> to vector<16xf32>
        %swap3A_397 = vector.shape_cast %add3A_393 : vector<16xf32> to vector<16xf32>
        tpu.vector_store %arg11[%swap3A_394], %swap3A_397 {strides = array<i32>} : memref<6400xf32, #tpu.memory_space<vmem>>, vector<16xf32>,
        %add3A_398 = arith.constant 96 : i32
        %add3A_399 = arith.addi %mul3A_309, %add3A_398 : i32
        %get3A_400 = arith.index_cast %add3A_399 : i32 to index
        %get3A_401 = tpu.vector_load %arg7[%get3A_400] {strides = array<i32>} : memref<6400xf32, #tpu.memory_space<vmem>>, vector<16xf32>,
        %get3A_402 = vector.shape_cast %get3A_401 : vector<16xf32> to vector<16xf32>
        %add3A_403 = arith.constant 6400 : i32
        %add3A_404 = arith.addi %add3A_403, %add3A_399 : i32
        %get3A_405 = arith.index_cast %add3A_404 : i32 to index
        %get3A_406 = tpu.vector_load %arg5[%get3A_405] {strides = array<i32>} : memref<25600xf32, #tpu.memory_space<vmem>>, vector<16xf32>,
        %get3A_407 = vector.shape_cast %get3A_406 : vector<16xf32> to vector<16xf32>
        %add3A_408 = arith.addf %get3A_402, %get3A_407 : vector<16xf32>
        %swap3A_409 = arith.index_cast %add3A_399 : i32 to index
        %swap3A_410 = tpu.vector_load %arg11[%swap3A_409] {strides = array<i32>} : memref<6400xf32, #tpu.memory_space<vmem>>, vector<16xf32>,
        %swap3A_411 = vector.shape_cast %swap3A_410 : vector<16xf32> to vector<16xf32>
        %swap3A_412 = vector.shape_cast %add3A_408 : vector<16xf32> to vector<16xf32>
        tpu.vector_store %arg11[%swap3A_409], %swap3A_412 {strides = array<i32>} : memref<6400xf32, #tpu.memory_space<vmem>>, vector<16xf32>,
        %add3A_413 = arith.constant 112 : i32
        %add3A_414 = arith.addi %mul3A_309, %add3A_413 : i32
        %get3A_415 = arith.index_cast %add3A_414 : i32 to index
        %get3A_416 = tpu.vector_load %arg7[%get3A_415] {strides = array<i32>} : memref<6400xf32, #tpu.memory_space<vmem>>, vector<16xf32>,
        %get3A_417 = vector.shape_cast %get3A_416 : vector<16xf32> to vector<16xf32>
        %add3A_418 = arith.constant 6400 : i32
        %add3A_419 = arith.addi %add3A_418, %add3A_414 : i32
        %get3A_420 = arith.index_cast %add3A_419 : i32 to index
        %get3A_421 = tpu.vector_load %arg5[%get3A_420] {strides = array<i32>} : memref<25600xf32, #tpu.memory_space<vmem>>, vector<16xf32>,
        %get3A_422 = vector.shape_cast %get3A_421 : vector<16xf32> to vector<16xf32>
        %add3A_423 = arith.addf %get3A_417, %get3A_422 : vector<16xf32>
        %swap3A_424 = arith.index_cast %add3A_414 : i32 to index
        %swap3A_425 = tpu.vector_load %arg11[%swap3A_424] {strides = array<i32>} : memref<6400xf32, #tpu.memory_space<vmem>>, vector<16xf32>,
        %swap3A_426 = vector.shape_cast %swap3A_425 : vector<16xf32> to vector<16xf32>
        %swap3A_427 = vector.shape_cast %add3A_423 : vector<16xf32> to vector<16xf32>
        tpu.vector_store %arg11[%swap3A_424], %swap3A_427 {strides = array<i32>} : memref<6400xf32, #tpu.memory_space<vmem>>, vector<16xf32>,
      }
      %scan3A_234 = arith.constant 50 : i32
      %mul3A_235 = arith.constant 6400 : i32
      %mul3A_236 = arith.muli %add3A_220, %mul3A_235 : i32
      %add3A_237 = arith.addi %mul3A_6, %mul3A_236 : i32
      %dma_start3A_238 = tpu.memref_slice %arg4[%add3A_237] : memref<104857600xf32, #tpu.memory_space<hbm>> -> memref<6400xf32, #tpu.memory_space<hbm>>
      %dma_start3A_239 = tpu.memref_slice %arg4[%add3A_237] : memref<104857600xf32, #tpu.memory_space<hbm>> -> memref<6400xf32, #tpu.memory_space<hbm>>
      tpu.enqueue_dma source(%arg11 : memref<6400xf32, #tpu.memory_space<vmem>>) target(%dma_start3A_239 : memref<6400xf32, #tpu.memory_space<hbm>>) target_semaphore(%arg19 : memref<!tpu.dma_semaphore, #tpu.memory_space<semaphore_mem>>)
      %add3A_240 = arith.constant 4 : i32
      %add3A_241 = arith.addi %add3A_220, %add3A_240 : i32
      %mul3A_242 = arith.constant 6400 : i32
      %mul3A_243 = arith.muli %add3A_241, %mul3A_242 : i32
      %add3A_244 = arith.addi %mul3A_6, %mul3A_243 : i32
      %dma_start3A_245 = tpu.memref_slice %arg2[%add3A_244] : memref<104857600xf32, #tpu.memory_space<hbm>> -> memref<6400xf32, #tpu.memory_space<hbm>>
      %dma_start3A_246 = tpu.memref_slice %arg2[%add3A_244] : memref<104857600xf32, #tpu.memory_space<hbm>> -> memref<6400xf32, #tpu.memory_space<hbm>>
      tpu.enqueue_dma source(%dma_start3A_246 : memref<6400xf32, #tpu.memory_space<hbm>>) target(%arg7 : memref<6400xf32, #tpu.memory_space<vmem>>) target_semaphore(%arg15 : memref<!tpu.dma_semaphore, #tpu.memory_space<semaphore_mem>>)
      %mul3A_247 = arith.constant 4 : i32
      %mul3A_248 = arith.muli %scan3A_186, %mul3A_247 : i32
      %add3A_249 = arith.constant 2 : i32
      %add3A_250 = arith.addi %mul3A_248, %add3A_249 : i32
      %dma_wait3A_251 = arith.constant 0 : i32
      %dma_wait3A_252 = tpu.memref_slice %arg2[%dma_wait3A_251] : memref<104857600xf32, #tpu.memory_space<hbm>> -> memref<6400xf32, #tpu.memory_space<hbm>>
      %dma_wait3A_253 = arith.constant 0 : i32
      %dma_wait3A_254 = tpu.memref_slice %arg2[%dma_wait3A_253] : memref<104857600xf32, #tpu.memory_space<hbm>> -> memref<6400xf32, #tpu.memory_space<hbm>>
      tpu.wait_dma2 semaphore(%arg16 : memref<!tpu.dma_semaphore, #tpu.memory_space<semaphore_mem>>) src(%dma_wait3A_254 : memref<6400xf32, #tpu.memory_space<hbm>>) dst(%arg8 : memref<6400xf32, #tpu.memory_space<vmem>>)
      %dma_wait3A_255 = arith.constant 0 : i32
      %dma_wait3A_256 = tpu.memref_slice %arg4[%dma_wait3A_255] : memref<104857600xf32, #tpu.memory_space<hbm>> -> memref<6400xf32, #tpu.memory_space<hbm>>
      %dma_wait3A_257 = arith.constant 0 : i32
      %dma_wait3A_258 = tpu.memref_slice %arg4[%dma_wait3A_257] : memref<104857600xf32, #tpu.memory_space<hbm>> -> memref<6400xf32, #tpu.memory_space<hbm>>
      tpu.wait_dma2 semaphore(%arg20 : memref<!tpu.dma_semaphore, #tpu.memory_space<semaphore_mem>>) src(%arg12 : memref<6400xf32, #tpu.memory_space<vmem>>) dst(%dma_wait3A_258 : memref<6400xf32, #tpu.memory_space<hbm>>)
      %scan3A_259 = arith.constant 0 : i32
      %scan3A_260 = arith.constant 0 : i32
      %scan3A_261 = arith.constant 50 : i32
      %scan3A_262 = arith.addi %scan3A_260, %scan3A_261 : i32
      %scan3A_263 = arith.constant 1 : i32
      scf.for %scan3A_307 = %scan3A_260 to %scan3A_262 step %scan3A_263  : i32 {
        %mul3A_308 = arith.constant 128 : i32
        %mul3A_309 = arith.muli %scan3A_307, %mul3A_308 : i32
        %add3A_310 = arith.constant 0 : i32
        %add3A_311 = arith.addi %mul3A_309, %add3A_310 : i32
        %get3A = arith.index_cast %add3A_311 : i32 to index
        %get3A_312 = tpu.vector_load %arg8[%get3A] {strides = array<i32>} : memref<6400xf32, #tpu.memory_space<vmem>>, vector<16xf32>,
        %get3A_313 = vector.shape_cast %get3A_312 : vector<16xf32> to vector<16xf32>
        %add3A_314 = arith.constant 12800 : i32
        %add3A_315 = arith.addi %add3A_314, %add3A_311 : i32
        %get3A_316 = arith.index_cast %add3A_315 : i32 to index
        %get3A_317 = tpu.vector_load %arg5[%get3A_316] {strides = array<i32>} : memref<25600xf32, #tpu.memory_space<vmem>>, vector<16xf32>,
        %get3A_318 = vector.shape_cast %get3A_317 : vector<16xf32> to vector<16xf32>
        %add3A_319 = arith.addf %get3A_313, %get3A_318 : vector<16xf32>
        %swap3A = arith.index_cast %add3A_311 : i32 to index
        %swap3A_320 = tpu.vector_load %arg12[%swap3A] {strides = array<i32>} : memref<6400xf32, #tpu.memory_space<vmem>>, vector<16xf32>,
        %swap3A_321 = vector.shape_cast %swap3A_320 : vector<16xf32> to vector<16xf32>
        %swap3A_322 = vector.shape_cast %add3A_319 : vector<16xf32> to vector<16xf32>
        tpu.vector_store %arg12[%swap3A], %swap3A_322 {strides = array<i32>} : memref<6400xf32, #tpu.memory_space<vmem>>, vector<16xf32>,
        %add3A_323 = arith.constant 16 : i32
        %add3A_324 = arith.addi %mul3A_309, %add3A_323 : i32
        %get3A_325 = arith.index_cast %add3A_324 : i32 to index
        %get3A_326 = tpu.vector_load %arg8[%get3A_325] {strides = array<i32>} : memref<6400xf32, #tpu.memory_space<vmem>>, vector<16xf32>,
        %get3A_327 = vector.shape_cast %get3A_326 : vector<16xf32> to vector<16xf32>
        %add3A_328 = arith.constant 12800 : i32
        %add3A_329 = arith.addi %add3A_328, %add3A_324 : i32
        %get3A_330 = arith.index_cast %add3A_329 : i32 to index
        %get3A_331 = tpu.vector_load %arg5[%get3A_330] {strides = array<i32>} : memref<25600xf32, #tpu.memory_space<vmem>>, vector<16xf32>,
        %get3A_332 = vector.shape_cast %get3A_331 : vector<16xf32> to vector<16xf32>
        %add3A_333 = arith.addf %get3A_327, %get3A_332 : vector<16xf32>
        %swap3A_334 = arith.index_cast %add3A_324 : i32 to index
        %swap3A_335 = tpu.vector_load %arg12[%swap3A_334] {strides = array<i32>} : memref<6400xf32, #tpu.memory_space<vmem>>, vector<16xf32>,
        %swap3A_336 = vector.shape_cast %swap3A_335 : vector<16xf32> to vector<16xf32>
        %swap3A_337 = vector.shape_cast %add3A_333 : vector<16xf32> to vector<16xf32>
        tpu.vector_store %arg12[%swap3A_334], %swap3A_337 {strides = array<i32>} : memref<6400xf32, #tpu.memory_space<vmem>>, vector<16xf32>,
        %add3A_338 = arith.constant 32 : i32
        %add3A_339 = arith.addi %mul3A_309, %add3A_338 : i32
        %get3A_340 = arith.index_cast %add3A_339 : i32 to index
        %get3A_341 = tpu.vector_load %arg8[%get3A_340] {strides = array<i32>} : memref<6400xf32, #tpu.memory_space<vmem>>, vector<16xf32>,
        %get3A_342 = vector.shape_cast %get3A_341 : vector<16xf32> to vector<16xf32>
        %add3A_343 = arith.constant 12800 : i32
        %add3A_344 = arith.addi %add3A_343, %add3A_339 : i32
        %get3A_345 = arith.index_cast %add3A_344 : i32 to index
        %get3A_346 = tpu.vector_load %arg5[%get3A_345] {strides = array<i32>} : memref<25600xf32, #tpu.memory_space<vmem>>, vector<16xf32>,
        %get3A_347 = vector.shape_cast %get3A_346 : vector<16xf32> to vector<16xf32>
        %add3A_348 = arith.addf %get3A_342, %get3A_347 : vector<16xf32>
        %swap3A_349 = arith.index_cast %add3A_339 : i32 to index
        %swap3A_350 = tpu.vector_load %arg12[%swap3A_349] {strides = array<i32>} : memref<6400xf32, #tpu.memory_space<vmem>>, vector<16xf32>,
        %swap3A_351 = vector.shape_cast %swap3A_350 : vector<16xf32> to vector<16xf32>
        %swap3A_352 = vector.shape_cast %add3A_348 : vector<16xf32> to vector<16xf32>
        tpu.vector_store %arg12[%swap3A_349], %swap3A_352 {strides = array<i32>} : memref<6400xf32, #tpu.memory_space<vmem>>, vector<16xf32>,
        %add3A_353 = arith.constant 48 : i32
        %add3A_354 = arith.addi %mul3A_309, %add3A_353 : i32
        %get3A_355 = arith.index_cast %add3A_354 : i32 to index
        %get3A_356 = tpu.vector_load %arg8[%get3A_355] {strides = array<i32>} : memref<6400xf32, #tpu.memory_space<vmem>>, vector<16xf32>,
        %get3A_357 = vector.shape_cast %get3A_356 : vector<16xf32> to vector<16xf32>
        %add3A_358 = arith.constant 12800 : i32
        %add3A_359 = arith.addi %add3A_358, %add3A_354 : i32
        %get3A_360 = arith.index_cast %add3A_359 : i32 to index
        %get3A_361 = tpu.vector_load %arg5[%get3A_360] {strides = array<i32>} : memref<25600xf32, #tpu.memory_space<vmem>>, vector<16xf32>,
        %get3A_362 = vector.shape_cast %get3A_361 : vector<16xf32> to vector<16xf32>
        %add3A_363 = arith.addf %get3A_357, %get3A_362 : vector<16xf32>
        %swap3A_364 = arith.index_cast %add3A_354 : i32 to index
        %swap3A_365 = tpu.vector_load %arg12[%swap3A_364] {strides = array<i32>} : memref<6400xf32, #tpu.memory_space<vmem>>, vector<16xf32>,
        %swap3A_366 = vector.shape_cast %swap3A_365 : vector<16xf32> to vector<16xf32>
        %swap3A_367 = vector.shape_cast %add3A_363 : vector<16xf32> to vector<16xf32>
        tpu.vector_store %arg12[%swap3A_364], %swap3A_367 {strides = array<i32>} : memref<6400xf32, #tpu.memory_space<vmem>>, vector<16xf32>,
        %add3A_368 = arith.constant 64 : i32
        %add3A_369 = arith.addi %mul3A_309, %add3A_368 : i32
        %get3A_370 = arith.index_cast %add3A_369 : i32 to index
        %get3A_371 = tpu.vector_load %arg8[%get3A_370] {strides = array<i32>} : memref<6400xf32, #tpu.memory_space<vmem>>, vector<16xf32>,
        %get3A_372 = vector.shape_cast %get3A_371 : vector<16xf32> to vector<16xf32>
        %add3A_373 = arith.constant 12800 : i32
        %add3A_374 = arith.addi %add3A_373, %add3A_369 : i32
        %get3A_375 = arith.index_cast %add3A_374 : i32 to index
        %get3A_376 = tpu.vector_load %arg5[%get3A_375] {strides = array<i32>} : memref<25600xf32, #tpu.memory_space<vmem>>, vector<16xf32>,
        %get3A_377 = vector.shape_cast %get3A_376 : vector<16xf32> to vector<16xf32>
        %add3A_378 = arith.addf %get3A_372, %get3A_377 : vector<16xf32>
        %swap3A_379 = arith.index_cast %add3A_369 : i32 to index
        %swap3A_380 = tpu.vector_load %arg12[%swap3A_379] {strides = array<i32>} : memref<6400xf32, #tpu.memory_space<vmem>>, vector<16xf32>,
        %swap3A_381 = vector.shape_cast %swap3A_380 : vector<16xf32> to vector<16xf32>
        %swap3A_382 = vector.shape_cast %add3A_378 : vector<16xf32> to vector<16xf32>
        tpu.vector_store %arg12[%swap3A_379], %swap3A_382 {strides = array<i32>} : memref<6400xf32, #tpu.memory_space<vmem>>, vector<16xf32>,
        %add3A_383 = arith.constant 80 : i32
        %add3A_384 = arith.addi %mul3A_309, %add3A_383 : i32
        %get3A_385 = arith.index_cast %add3A_384 : i32 to index
        %get3A_386 = tpu.vector_load %arg8[%get3A_385] {strides = array<i32>} : memref<6400xf32, #tpu.memory_space<vmem>>, vector<16xf32>,
        %get3A_387 = vector.shape_cast %get3A_386 : vector<16xf32> to vector<16xf32>
        %add3A_388 = arith.constant 12800 : i32
        %add3A_389 = arith.addi %add3A_388, %add3A_384 : i32
        %get3A_390 = arith.index_cast %add3A_389 : i32 to index
        %get3A_391 = tpu.vector_load %arg5[%get3A_390] {strides = array<i32>} : memref<25600xf32, #tpu.memory_space<vmem>>, vector<16xf32>,
        %get3A_392 = vector.shape_cast %get3A_391 : vector<16xf32> to vector<16xf32>
        %add3A_393 = arith.addf %get3A_387, %get3A_392 : vector<16xf32>
        %swap3A_394 = arith.index_cast %add3A_384 : i32 to index
        %swap3A_395 = tpu.vector_load %arg12[%swap3A_394] {strides = array<i32>} : memref<6400xf32, #tpu.memory_space<vmem>>, vector<16xf32>,
        %swap3A_396 = vector.shape_cast %swap3A_395 : vector<16xf32> to vector<16xf32>
        %swap3A_397 = vector.shape_cast %add3A_393 : vector<16xf32> to vector<16xf32>
        tpu.vector_store %arg12[%swap3A_394], %swap3A_397 {strides = array<i32>} : memref<6400xf32, #tpu.memory_space<vmem>>, vector<16xf32>,
        %add3A_398 = arith.constant 96 : i32
        %add3A_399 = arith.addi %mul3A_309, %add3A_398 : i32
        %get3A_400 = arith.index_cast %add3A_399 : i32 to index
        %get3A_401 = tpu.vector_load %arg8[%get3A_400] {strides = array<i32>} : memref<6400xf32, #tpu.memory_space<vmem>>, vector<16xf32>,
        %get3A_402 = vector.shape_cast %get3A_401 : vector<16xf32> to vector<16xf32>
        %add3A_403 = arith.constant 12800 : i32
        %add3A_404 = arith.addi %add3A_403, %add3A_399 : i32
        %get3A_405 = arith.index_cast %add3A_404 : i32 to index
        %get3A_406 = tpu.vector_load %arg5[%get3A_405] {strides = array<i32>} : memref<25600xf32, #tpu.memory_space<vmem>>, vector<16xf32>,
        %get3A_407 = vector.shape_cast %get3A_406 : vector<16xf32> to vector<16xf32>
        %add3A_408 = arith.addf %get3A_402, %get3A_407 : vector<16xf32>
        %swap3A_409 = arith.index_cast %add3A_399 : i32 to index
        %swap3A_410 = tpu.vector_load %arg12[%swap3A_409] {strides = array<i32>} : memref<6400xf32, #tpu.memory_space<vmem>>, vector<16xf32>,
        %swap3A_411 = vector.shape_cast %swap3A_410 : vector<16xf32> to vector<16xf32>
        %swap3A_412 = vector.shape_cast %add3A_408 : vector<16xf32> to vector<16xf32>
        tpu.vector_store %arg12[%swap3A_409], %swap3A_412 {strides = array<i32>} : memref<6400xf32, #tpu.memory_space<vmem>>, vector<16xf32>,
        %add3A_413 = arith.constant 112 : i32
        %add3A_414 = arith.addi %mul3A_309, %add3A_413 : i32
        %get3A_415 = arith.index_cast %add3A_414 : i32 to index
        %get3A_416 = tpu.vector_load %arg8[%get3A_415] {strides = array<i32>} : memref<6400xf32, #tpu.memory_space<vmem>>, vector<16xf32>,
        %get3A_417 = vector.shape_cast %get3A_416 : vector<16xf32> to vector<16xf32>
        %add3A_418 = arith.constant 12800 : i32
        %add3A_419 = arith.addi %add3A_418, %add3A_414 : i32
        %get3A_420 = arith.index_cast %add3A_419 : i32 to index
        %get3A_421 = tpu.vector_load %arg5[%get3A_420] {strides = array<i32>} : memref<25600xf32, #tpu.memory_space<vmem>>, vector<16xf32>,
        %get3A_422 = vector.shape_cast %get3A_421 : vector<16xf32> to vector<16xf32>
        %add3A_423 = arith.addf %get3A_417, %get3A_422 : vector<16xf32>
        %swap3A_424 = arith.index_cast %add3A_414 : i32 to index
        %swap3A_425 = tpu.vector_load %arg12[%swap3A_424] {strides = array<i32>} : memref<6400xf32, #tpu.memory_space<vmem>>, vector<16xf32>,
        %swap3A_426 = vector.shape_cast %swap3A_425 : vector<16xf32> to vector<16xf32>
        %swap3A_427 = vector.shape_cast %add3A_423 : vector<16xf32> to vector<16xf32>
        tpu.vector_store %arg12[%swap3A_424], %swap3A_427 {strides = array<i32>} : memref<6400xf32, #tpu.memory_space<vmem>>, vector<16xf32>,
      }
      %scan3A_264 = arith.constant 50 : i32
      %mul3A_265 = arith.constant 6400 : i32
      %mul3A_266 = arith.muli %add3A_250, %mul3A_265 : i32
      %add3A_267 = arith.addi %mul3A_6, %mul3A_266 : i32
      %dma_start3A_268 = tpu.memref_slice %arg4[%add3A_267] : memref<104857600xf32, #tpu.memory_space<hbm>> -> memref<6400xf32, #tpu.memory_space<hbm>>
      %dma_start3A_269 = tpu.memref_slice %arg4[%add3A_267] : memref<104857600xf32, #tpu.memory_space<hbm>> -> memref<6400xf32, #tpu.memory_space<hbm>>
      tpu.enqueue_dma source(%arg12 : memref<6400xf32, #tpu.memory_space<vmem>>) target(%dma_start3A_269 : memref<6400xf32, #tpu.memory_space<hbm>>) target_semaphore(%arg20 : memref<!tpu.dma_semaphore, #tpu.memory_space<semaphore_mem>>)
      %add3A_270 = arith.constant 4 : i32
      %add3A_271 = arith.addi %add3A_250, %add3A_270 : i32
      %mul3A_272 = arith.constant 6400 : i32
      %mul3A_273 = arith.muli %add3A_271, %mul3A_272 : i32
      %add3A_274 = arith.addi %mul3A_6, %mul3A_273 : i32
      %dma_start3A_275 = tpu.memref_slice %arg2[%add3A_274] : memref<104857600xf32, #tpu.memory_space<hbm>> -> memref<6400xf32, #tpu.memory_space<hbm>>
      %dma_start3A_276 = tpu.memref_slice %arg2[%add3A_274] : memref<104857600xf32, #tpu.memory_space<hbm>> -> memref<6400xf32, #tpu.memory_space<hbm>>
      tpu.enqueue_dma source(%dma_start3A_276 : memref<6400xf32, #tpu.memory_space<hbm>>) target(%arg8 : memref<6400xf32, #tpu.memory_space<vmem>>) target_semaphore(%arg16 : memref<!tpu.dma_semaphore, #tpu.memory_space<semaphore_mem>>)
      %mul3A_277 = arith.constant 4 : i32
      %mul3A_278 = arith.muli %scan3A_186, %mul3A_277 : i32
      %add3A_279 = arith.constant 3 : i32
      %add3A_280 = arith.addi %mul3A_278, %add3A_279 : i32
      %dma_wait3A_281 = arith.constant 0 : i32
      %dma_wait3A_282 = tpu.memref_slice %arg2[%dma_wait3A_281] : memref<104857600xf32, #tpu.memory_space<hbm>> -> memref<6400xf32, #tpu.memory_space<hbm>>
      %dma_wait3A_283 = arith.constant 0 : i32
      %dma_wait3A_284 = tpu.memref_slice %arg2[%dma_wait3A_283] : memref<104857600xf32, #tpu.memory_space<hbm>> -> memref<6400xf32, #tpu.memory_space<hbm>>
      tpu.wait_dma2 semaphore(%arg17 : memref<!tpu.dma_semaphore, #tpu.memory_space<semaphore_mem>>) src(%dma_wait3A_284 : memref<6400xf32, #tpu.memory_space<hbm>>) dst(%arg9 : memref<6400xf32, #tpu.memory_space<vmem>>)
      %dma_wait3A_285 = arith.constant 0 : i32
      %dma_wait3A_286 = tpu.memref_slice %arg4[%dma_wait3A_285] : memref<104857600xf32, #tpu.memory_space<hbm>> -> memref<6400xf32, #tpu.memory_space<hbm>>
      %dma_wait3A_287 = arith.constant 0 : i32
      %dma_wait3A_288 = tpu.memref_slice %arg4[%dma_wait3A_287] : memref<104857600xf32, #tpu.memory_space<hbm>> -> memref<6400xf32, #tpu.memory_space<hbm>>
      tpu.wait_dma2 semaphore(%arg21 : memref<!tpu.dma_semaphore, #tpu.memory_space<semaphore_mem>>) src(%arg13 : memref<6400xf32, #tpu.memory_space<vmem>>) dst(%dma_wait3A_288 : memref<6400xf32, #tpu.memory_space<hbm>>)
      %scan3A_289 = arith.constant 0 : i32
      %scan3A_290 = arith.constant 0 : i32
      %scan3A_291 = arith.constant 50 : i32
      %scan3A_292 = arith.addi %scan3A_290, %scan3A_291 : i32
      %scan3A_293 = arith.constant 1 : i32
      scf.for %scan3A_307 = %scan3A_290 to %scan3A_292 step %scan3A_293  : i32 {
        %mul3A_308 = arith.constant 128 : i32
        %mul3A_309 = arith.muli %scan3A_307, %mul3A_308 : i32
        %add3A_310 = arith.constant 0 : i32
        %add3A_311 = arith.addi %mul3A_309, %add3A_310 : i32
        %get3A = arith.index_cast %add3A_311 : i32 to index
        %get3A_312 = tpu.vector_load %arg9[%get3A] {strides = array<i32>} : memref<6400xf32, #tpu.memory_space<vmem>>, vector<16xf32>,
        %get3A_313 = vector.shape_cast %get3A_312 : vector<16xf32> to vector<16xf32>
        %add3A_314 = arith.constant 19200 : i32
        %add3A_315 = arith.addi %add3A_314, %add3A_311 : i32
        %get3A_316 = arith.index_cast %add3A_315 : i32 to index
        %get3A_317 = tpu.vector_load %arg5[%get3A_316] {strides = array<i32>} : memref<25600xf32, #tpu.memory_space<vmem>>, vector<16xf32>,
        %get3A_318 = vector.shape_cast %get3A_317 : vector<16xf32> to vector<16xf32>
        %add3A_319 = arith.addf %get3A_313, %get3A_318 : vector<16xf32>
        %swap3A = arith.index_cast %add3A_311 : i32 to index
        %swap3A_320 = tpu.vector_load %arg13[%swap3A] {strides = array<i32>} : memref<6400xf32, #tpu.memory_space<vmem>>, vector<16xf32>,
        %swap3A_321 = vector.shape_cast %swap3A_320 : vector<16xf32> to vector<16xf32>
        %swap3A_322 = vector.shape_cast %add3A_319 : vector<16xf32> to vector<16xf32>
        tpu.vector_store %arg13[%swap3A], %swap3A_322 {strides = array<i32>} : memref<6400xf32, #tpu.memory_space<vmem>>, vector<16xf32>,
        %add3A_323 = arith.constant 16 : i32
        %add3A_324 = arith.addi %mul3A_309, %add3A_323 : i32
        %get3A_325 = arith.index_cast %add3A_324 : i32 to index
        %get3A_326 = tpu.vector_load %arg9[%get3A_325] {strides = array<i32>} : memref<6400xf32, #tpu.memory_space<vmem>>, vector<16xf32>,
        %get3A_327 = vector.shape_cast %get3A_326 : vector<16xf32> to vector<16xf32>
        %add3A_328 = arith.constant 19200 : i32
        %add3A_329 = arith.addi %add3A_328, %add3A_324 : i32
        %get3A_330 = arith.index_cast %add3A_329 : i32 to index
        %get3A_331 = tpu.vector_load %arg5[%get3A_330] {strides = array<i32>} : memref<25600xf32, #tpu.memory_space<vmem>>, vector<16xf32>,
        %get3A_332 = vector.shape_cast %get3A_331 : vector<16xf32> to vector<16xf32>
        %add3A_333 = arith.addf %get3A_327, %get3A_332 : vector<16xf32>
        %swap3A_334 = arith.index_cast %add3A_324 : i32 to index
        %swap3A_335 = tpu.vector_load %arg13[%swap3A_334] {strides = array<i32>} : memref<6400xf32, #tpu.memory_space<vmem>>, vector<16xf32>,
        %swap3A_336 = vector.shape_cast %swap3A_335 : vector<16xf32> to vector<16xf32>
        %swap3A_337 = vector.shape_cast %add3A_333 : vector<16xf32> to vector<16xf32>
        tpu.vector_store %arg13[%swap3A_334], %swap3A_337 {strides = array<i32>} : memref<6400xf32, #tpu.memory_space<vmem>>, vector<16xf32>,
        %add3A_338 = arith.constant 32 : i32
        %add3A_339 = arith.addi %mul3A_309, %add3A_338 : i32
        %get3A_340 = arith.index_cast %add3A_339 : i32 to index
        %get3A_341 = tpu.vector_load %arg9[%get3A_340] {strides = array<i32>} : memref<6400xf32, #tpu.memory_space<vmem>>, vector<16xf32>,
        %get3A_342 = vector.shape_cast %get3A_341 : vector<16xf32> to vector<16xf32>
        %add3A_343 = arith.constant 19200 : i32
        %add3A_344 = arith.addi %add3A_343, %add3A_339 : i32
        %get3A_345 = arith.index_cast %add3A_344 : i32 to index
        %get3A_346 = tpu.vector_load %arg5[%get3A_345] {strides = array<i32>} : memref<25600xf32, #tpu.memory_space<vmem>>, vector<16xf32>,
        %get3A_347 = vector.shape_cast %get3A_346 : vector<16xf32> to vector<16xf32>
        %add3A_348 = arith.addf %get3A_342, %get3A_347 : vector<16xf32>
        %swap3A_349 = arith.index_cast %add3A_339 : i32 to index
        %swap3A_350 = tpu.vector_load %arg13[%swap3A_349] {strides = array<i32>} : memref<6400xf32, #tpu.memory_space<vmem>>, vector<16xf32>,
        %swap3A_351 = vector.shape_cast %swap3A_350 : vector<16xf32> to vector<16xf32>
        %swap3A_352 = vector.shape_cast %add3A_348 : vector<16xf32> to vector<16xf32>
        tpu.vector_store %arg13[%swap3A_349], %swap3A_352 {strides = array<i32>} : memref<6400xf32, #tpu.memory_space<vmem>>, vector<16xf32>,
        %add3A_353 = arith.constant 48 : i32
        %add3A_354 = arith.addi %mul3A_309, %add3A_353 : i32
        %get3A_355 = arith.index_cast %add3A_354 : i32 to index
        %get3A_356 = tpu.vector_load %arg9[%get3A_355] {strides = array<i32>} : memref<6400xf32, #tpu.memory_space<vmem>>, vector<16xf32>,
        %get3A_357 = vector.shape_cast %get3A_356 : vector<16xf32> to vector<16xf32>
        %add3A_358 = arith.constant 19200 : i32
        %add3A_359 = arith.addi %add3A_358, %add3A_354 : i32
        %get3A_360 = arith.index_cast %add3A_359 : i32 to index
        %get3A_361 = tpu.vector_load %arg5[%get3A_360] {strides = array<i32>} : memref<25600xf32, #tpu.memory_space<vmem>>, vector<16xf32>,
        %get3A_362 = vector.shape_cast %get3A_361 : vector<16xf32> to vector<16xf32>
        %add3A_363 = arith.addf %get3A_357, %get3A_362 : vector<16xf32>
        %swap3A_364 = arith.index_cast %add3A_354 : i32 to index
        %swap3A_365 = tpu.vector_load %arg13[%swap3A_364] {strides = array<i32>} : memref<6400xf32, #tpu.memory_space<vmem>>, vector<16xf32>,
        %swap3A_366 = vector.shape_cast %swap3A_365 : vector<16xf32> to vector<16xf32>
        %swap3A_367 = vector.shape_cast %add3A_363 : vector<16xf32> to vector<16xf32>
        tpu.vector_store %arg13[%swap3A_364], %swap3A_367 {strides = array<i32>} : memref<6400xf32, #tpu.memory_space<vmem>>, vector<16xf32>,
        %add3A_368 = arith.constant 64 : i32
        %add3A_369 = arith.addi %mul3A_309, %add3A_368 : i32
        %get3A_370 = arith.index_cast %add3A_369 : i32 to index
        %get3A_371 = tpu.vector_load %arg9[%get3A_370] {strides = array<i32>} : memref<6400xf32, #tpu.memory_space<vmem>>, vector<16xf32>,
        %get3A_372 = vector.shape_cast %get3A_371 : vector<16xf32> to vector<16xf32>
        %add3A_373 = arith.constant 19200 : i32
        %add3A_374 = arith.addi %add3A_373, %add3A_369 : i32
        %get3A_375 = arith.index_cast %add3A_374 : i32 to index
        %get3A_376 = tpu.vector_load %arg5[%get3A_375] {strides = array<i32>} : memref<25600xf32, #tpu.memory_space<vmem>>, vector<16xf32>,
        %get3A_377 = vector.shape_cast %get3A_376 : vector<16xf32> to vector<16xf32>
        %add3A_378 = arith.addf %get3A_372, %get3A_377 : vector<16xf32>
        %swap3A_379 = arith.index_cast %add3A_369 : i32 to index
        %swap3A_380 = tpu.vector_load %arg13[%swap3A_379] {strides = array<i32>} : memref<6400xf32, #tpu.memory_space<vmem>>, vector<16xf32>,
        %swap3A_381 = vector.shape_cast %swap3A_380 : vector<16xf32> to vector<16xf32>
        %swap3A_382 = vector.shape_cast %add3A_378 : vector<16xf32> to vector<16xf32>
        tpu.vector_store %arg13[%swap3A_379], %swap3A_382 {strides = array<i32>} : memref<6400xf32, #tpu.memory_space<vmem>>, vector<16xf32>,
        %add3A_383 = arith.constant 80 : i32
        %add3A_384 = arith.addi %mul3A_309, %add3A_383 : i32
        %get3A_385 = arith.index_cast %add3A_384 : i32 to index
        %get3A_386 = tpu.vector_load %arg9[%get3A_385] {strides = array<i32>} : memref<6400xf32, #tpu.memory_space<vmem>>, vector<16xf32>,
        %get3A_387 = vector.shape_cast %get3A_386 : vector<16xf32> to vector<16xf32>
        %add3A_388 = arith.constant 19200 : i32
        %add3A_389 = arith.addi %add3A_388, %add3A_384 : i32
        %get3A_390 = arith.index_cast %add3A_389 : i32 to index
        %get3A_391 = tpu.vector_load %arg5[%get3A_390] {strides = array<i32>} : memref<25600xf32, #tpu.memory_space<vmem>>, vector<16xf32>,
        %get3A_392 = vector.shape_cast %get3A_391 : vector<16xf32> to vector<16xf32>
        %add3A_393 = arith.addf %get3A_387, %get3A_392 : vector<16xf32>
        %swap3A_394 = arith.index_cast %add3A_384 : i32 to index
        %swap3A_395 = tpu.vector_load %arg13[%swap3A_394] {strides = array<i32>} : memref<6400xf32, #tpu.memory_space<vmem>>, vector<16xf32>,
        %swap3A_396 = vector.shape_cast %swap3A_395 : vector<16xf32> to vector<16xf32>
        %swap3A_397 = vector.shape_cast %add3A_393 : vector<16xf32> to vector<16xf32>
        tpu.vector_store %arg13[%swap3A_394], %swap3A_397 {strides = array<i32>} : memref<6400xf32, #tpu.memory_space<vmem>>, vector<16xf32>,
        %add3A_398 = arith.constant 96 : i32
        %add3A_399 = arith.addi %mul3A_309, %add3A_398 : i32
        %get3A_400 = arith.index_cast %add3A_399 : i32 to index
        %get3A_401 = tpu.vector_load %arg9[%get3A_400] {strides = array<i32>} : memref<6400xf32, #tpu.memory_space<vmem>>, vector<16xf32>,
        %get3A_402 = vector.shape_cast %get3A_401 : vector<16xf32> to vector<16xf32>
        %add3A_403 = arith.constant 19200 : i32
        %add3A_404 = arith.addi %add3A_403, %add3A_399 : i32
        %get3A_405 = arith.index_cast %add3A_404 : i32 to index
        %get3A_406 = tpu.vector_load %arg5[%get3A_405] {strides = array<i32>} : memref<25600xf32, #tpu.memory_space<vmem>>, vector<16xf32>,
        %get3A_407 = vector.shape_cast %get3A_406 : vector<16xf32> to vector<16xf32>
        %add3A_408 = arith.addf %get3A_402, %get3A_407 : vector<16xf32>
        %swap3A_409 = arith.index_cast %add3A_399 : i32 to index
        %swap3A_410 = tpu.vector_load %arg13[%swap3A_409] {strides = array<i32>} : memref<6400xf32, #tpu.memory_space<vmem>>, vector<16xf32>,
        %swap3A_411 = vector.shape_cast %swap3A_410 : vector<16xf32> to vector<16xf32>
        %swap3A_412 = vector.shape_cast %add3A_408 : vector<16xf32> to vector<16xf32>
        tpu.vector_store %arg13[%swap3A_409], %swap3A_412 {strides = array<i32>} : memref<6400xf32, #tpu.memory_space<vmem>>, vector<16xf32>,
        %add3A_413 = arith.constant 112 : i32
        %add3A_414 = arith.addi %mul3A_309, %add3A_413 : i32
        %get3A_415 = arith.index_cast %add3A_414 : i32 to index
        %get3A_416 = tpu.vector_load %arg9[%get3A_415] {strides = array<i32>} : memref<6400xf32, #tpu.memory_space<vmem>>, vector<16xf32>,
        %get3A_417 = vector.shape_cast %get3A_416 : vector<16xf32> to vector<16xf32>
        %add3A_418 = arith.constant 19200 : i32
        %add3A_419 = arith.addi %add3A_418, %add3A_414 : i32
        %get3A_420 = arith.index_cast %add3A_419 : i32 to index
        %get3A_421 = tpu.vector_load %arg5[%get3A_420] {strides = array<i32>} : memref<25600xf32, #tpu.memory_space<vmem>>, vector<16xf32>,
        %get3A_422 = vector.shape_cast %get3A_421 : vector<16xf32> to vector<16xf32>
        %add3A_423 = arith.addf %get3A_417, %get3A_422 : vector<16xf32>
        %swap3A_424 = arith.index_cast %add3A_414 : i32 to index
        %swap3A_425 = tpu.vector_load %arg13[%swap3A_424] {strides = array<i32>} : memref<6400xf32, #tpu.memory_space<vmem>>, vector<16xf32>,
        %swap3A_426 = vector.shape_cast %swap3A_425 : vector<16xf32> to vector<16xf32>
        %swap3A_427 = vector.shape_cast %add3A_423 : vector<16xf32> to vector<16xf32>
        tpu.vector_store %arg13[%swap3A_424], %swap3A_427 {strides = array<i32>} : memref<6400xf32, #tpu.memory_space<vmem>>, vector<16xf32>,
      }
      %scan3A_294 = arith.constant 50 : i32
      %mul3A_295 = arith.constant 6400 : i32
      %mul3A_296 = arith.muli %add3A_280, %mul3A_295 : i32
      %add3A_297 = arith.addi %mul3A_6, %mul3A_296 : i32
      %dma_start3A_298 = tpu.memref_slice %arg4[%add3A_297] : memref<104857600xf32, #tpu.memory_space<hbm>> -> memref<6400xf32, #tpu.memory_space<hbm>>
      %dma_start3A_299 = tpu.memref_slice %arg4[%add3A_297] : memref<104857600xf32, #tpu.memory_space<hbm>> -> memref<6400xf32, #tpu.memory_space<hbm>>
      tpu.enqueue_dma source(%arg13 : memref<6400xf32, #tpu.memory_space<vmem>>) target(%dma_start3A_299 : memref<6400xf32, #tpu.memory_space<hbm>>) target_semaphore(%arg21 : memref<!tpu.dma_semaphore, #tpu.memory_space<semaphore_mem>>)
      %add3A_300 = arith.constant 4 : i32
      %add3A_301 = arith.addi %add3A_280, %add3A_300 : i32
      %mul3A_302 = arith.constant 6400 : i32
      %mul3A_303 = arith.muli %add3A_301, %mul3A_302 : i32
      %add3A_304 = arith.addi %mul3A_6, %mul3A_303 : i32
      %dma_start3A_305 = tpu.memref_slice %arg2[%add3A_304] : memref<104857600xf32, #tpu.memory_space<hbm>> -> memref<6400xf32, #tpu.memory_space<hbm>>
      %dma_start3A_306 = tpu.memref_slice %arg2[%add3A_304] : memref<104857600xf32, #tpu.memory_space<hbm>> -> memref<6400xf32, #tpu.memory_space<hbm>>
      tpu.enqueue_dma source(%dma_start3A_306 : memref<6400xf32, #tpu.memory_space<hbm>>) target(%arg9 : memref<6400xf32, #tpu.memory_space<vmem>>) target_semaphore(%arg17 : memref<!tpu.dma_semaphore, #tpu.memory_space<semaphore_mem>>)
    }
    %scan3A_97 = arith.constant 62 : i32
    %dma_wait3A_98 = arith.constant 0 : i32
    %dma_wait3A_99 = tpu.memref_slice %arg2[%dma_wait3A_98] : memref<104857600xf32, #tpu.memory_space<hbm>> -> memref<6400xf32, #tpu.memory_space<hbm>>
    %dma_wait3A_100 = arith.constant 0 : i32
    %dma_wait3A_101 = tpu.memref_slice %arg2[%dma_wait3A_100] : memref<104857600xf32, #tpu.memory_space<hbm>> -> memref<6400xf32, #tpu.memory_space<hbm>>
    tpu.wait_dma2 semaphore(%arg14 : memref<!tpu.dma_semaphore, #tpu.memory_space<semaphore_mem>>) src(%dma_wait3A_101 : memref<6400xf32, #tpu.memory_space<hbm>>) dst(%arg6 : memref<6400xf32, #tpu.memory_space<vmem>>)
    %dma_wait3A_102 = arith.constant 0 : i32
    %dma_wait3A_103 = tpu.memref_slice %arg4[%dma_wait3A_102] : memref<104857600xf32, #tpu.memory_space<hbm>> -> memref<6400xf32, #tpu.memory_space<hbm>>
    %dma_wait3A_104 = arith.constant 0 : i32
    %dma_wait3A_105 = tpu.memref_slice %arg4[%dma_wait3A_104] : memref<104857600xf32, #tpu.memory_space<hbm>> -> memref<6400xf32, #tpu.memory_space<hbm>>
    tpu.wait_dma2 semaphore(%arg18 : memref<!tpu.dma_semaphore, #tpu.memory_space<semaphore_mem>>) src(%arg10 : memref<6400xf32, #tpu.memory_space<vmem>>) dst(%dma_wait3A_105 : memref<6400xf32, #tpu.memory_space<hbm>>)
    %scan3A_106 = arith.constant 0 : i32
    %scan3A_107 = arith.constant 0 : i32
    %scan3A_108 = arith.constant 50 : i32
    %scan3A_109 = arith.addi %scan3A_107, %scan3A_108 : i32
    %scan3A_110 = arith.constant 1 : i32
    scf.for %scan3A_186 = %scan3A_107 to %scan3A_109 step %scan3A_110  : i32 {
      %mul3A_187 = arith.constant 128 : i32
      %mul3A_188 = arith.muli %scan3A_186, %mul3A_187 : i32
      %add3A_189 = arith.constant 0 : i32
      %add3A_190 = arith.addi %mul3A_188, %add3A_189 : i32
      %get3A = arith.index_cast %add3A_190 : i32 to index
      %get3A_191 = tpu.vector_load %arg6[%get3A] {strides = array<i32>} : memref<6400xf32, #tpu.memory_space<vmem>>, vector<16xf32>,
      %get3A_192 = vector.shape_cast %get3A_191 : vector<16xf32> to vector<16xf32>
      %add3A_193 = arith.constant 0 : i32
      %add3A_194 = arith.addi %add3A_193, %add3A_190 : i32
      %get3A_195 = arith.index_cast %add3A_194 : i32 to index
      %get3A_196 = tpu.vector_load %arg5[%get3A_195] {strides = array<i32>} : memref<25600xf32, #tpu.memory_space<vmem>>, vector<16xf32>,
      %get3A_197 = vector.shape_cast %get3A_196 : vector<16xf32> to vector<16xf32>
      %add3A_198 = arith.addf %get3A_192, %get3A_197 : vector<16xf32>
      %swap3A = arith.index_cast %add3A_190 : i32 to index
      %swap3A_199 = tpu.vector_load %arg10[%swap3A] {strides = array<i32>} : memref<6400xf32, #tpu.memory_space<vmem>>, vector<16xf32>,
      %swap3A_200 = vector.shape_cast %swap3A_199 : vector<16xf32> to vector<16xf32>
      %swap3A_201 = vector.shape_cast %add3A_198 : vector<16xf32> to vector<16xf32>
      tpu.vector_store %arg10[%swap3A], %swap3A_201 {strides = array<i32>} : memref<6400xf32, #tpu.memory_space<vmem>>, vector<16xf32>,
      %add3A_202 = arith.constant 16 : i32
      %add3A_203 = arith.addi %mul3A_188, %add3A_202 : i32
      %get3A_204 = arith.index_cast %add3A_203 : i32 to index
      %get3A_205 = tpu.vector_load %arg6[%get3A_204] {strides = array<i32>} : memref<6400xf32, #tpu.memory_space<vmem>>, vector<16xf32>,
      %get3A_206 = vector.shape_cast %get3A_205 : vector<16xf32> to vector<16xf32>
      %add3A_207 = arith.constant 0 : i32
      %add3A_208 = arith.addi %add3A_207, %add3A_203 : i32
      %get3A_209 = arith.index_cast %add3A_208 : i32 to index
      %get3A_210 = tpu.vector_load %arg5[%get3A_209] {strides = array<i32>} : memref<25600xf32, #tpu.memory_space<vmem>>, vector<16xf32>,
      %get3A_211 = vector.shape_cast %get3A_210 : vector<16xf32> to vector<16xf32>
      %add3A_212 = arith.addf %get3A_206, %get3A_211 : vector<16xf32>
      %swap3A_213 = arith.index_cast %add3A_203 : i32 to index
      %swap3A_214 = tpu.vector_load %arg10[%swap3A_213] {strides = array<i32>} : memref<6400xf32, #tpu.memory_space<vmem>>, vector<16xf32>,
      %swap3A_215 = vector.shape_cast %swap3A_214 : vector<16xf32> to vector<16xf32>
      %swap3A_216 = vector.shape_cast %add3A_212 : vector<16xf32> to vector<16xf32>
      tpu.vector_store %arg10[%swap3A_213], %swap3A_216 {strides = array<i32>} : memref<6400xf32, #tpu.memory_space<vmem>>, vector<16xf32>,
      %add3A_217 = arith.constant 32 : i32
      %add3A_218 = arith.addi %mul3A_188, %add3A_217 : i32
      %get3A_219 = arith.index_cast %add3A_218 : i32 to index
      %get3A_220 = tpu.vector_load %arg6[%get3A_219] {strides = array<i32>} : memref<6400xf32, #tpu.memory_space<vmem>>, vector<16xf32>,
      %get3A_221 = vector.shape_cast %get3A_220 : vector<16xf32> to vector<16xf32>
      %add3A_222 = arith.constant 0 : i32
      %add3A_223 = arith.addi %add3A_222, %add3A_218 : i32
      %get3A_224 = arith.index_cast %add3A_223 : i32 to index
      %get3A_225 = tpu.vector_load %arg5[%get3A_224] {strides = array<i32>} : memref<25600xf32, #tpu.memory_space<vmem>>, vector<16xf32>,
      %get3A_226 = vector.shape_cast %get3A_225 : vector<16xf32> to vector<16xf32>
      %add3A_227 = arith.addf %get3A_221, %get3A_226 : vector<16xf32>
      %swap3A_228 = arith.index_cast %add3A_218 : i32 to index
      %swap3A_229 = tpu.vector_load %arg10[%swap3A_228] {strides = array<i32>} : memref<6400xf32, #tpu.memory_space<vmem>>, vector<16xf32>,
      %swap3A_230 = vector.shape_cast %swap3A_229 : vector<16xf32> to vector<16xf32>
      %swap3A_231 = vector.shape_cast %add3A_227 : vector<16xf32> to vector<16xf32>
      tpu.vector_store %arg10[%swap3A_228], %swap3A_231 {strides = array<i32>} : memref<6400xf32, #tpu.memory_space<vmem>>, vector<16xf32>,
      %add3A_232 = arith.constant 48 : i32
      %add3A_233 = arith.addi %mul3A_188, %add3A_232 : i32
      %get3A_234 = arith.index_cast %add3A_233 : i32 to index
      %get3A_235 = tpu.vector_load %arg6[%get3A_234] {strides = array<i32>} : memref<6400xf32, #tpu.memory_space<vmem>>, vector<16xf32>,
      %get3A_236 = vector.shape_cast %get3A_235 : vector<16xf32> to vector<16xf32>
      %add3A_237 = arith.constant 0 : i32
      %add3A_238 = arith.addi %add3A_237, %add3A_233 : i32
      %get3A_239 = arith.index_cast %add3A_238 : i32 to index
      %get3A_240 = tpu.vector_load %arg5[%get3A_239] {strides = array<i32>} : memref<25600xf32, #tpu.memory_space<vmem>>, vector<16xf32>,
      %get3A_241 = vector.shape_cast %get3A_240 : vector<16xf32> to vector<16xf32>
      %add3A_242 = arith.addf %get3A_236, %get3A_241 : vector<16xf32>
      %swap3A_243 = arith.index_cast %add3A_233 : i32 to index
      %swap3A_244 = tpu.vector_load %arg10[%swap3A_243] {strides = array<i32>} : memref<6400xf32, #tpu.memory_space<vmem>>, vector<16xf32>,
      %swap3A_245 = vector.shape_cast %swap3A_244 : vector<16xf32> to vector<16xf32>
      %swap3A_246 = vector.shape_cast %add3A_242 : vector<16xf32> to vector<16xf32>
      tpu.vector_store %arg10[%swap3A_243], %swap3A_246 {strides = array<i32>} : memref<6400xf32, #tpu.memory_space<vmem>>, vector<16xf32>,
      %add3A_247 = arith.constant 64 : i32
      %add3A_248 = arith.addi %mul3A_188, %add3A_247 : i32
      %get3A_249 = arith.index_cast %add3A_248 : i32 to index
      %get3A_250 = tpu.vector_load %arg6[%get3A_249] {strides = array<i32>} : memref<6400xf32, #tpu.memory_space<vmem>>, vector<16xf32>,
      %get3A_251 = vector.shape_cast %get3A_250 : vector<16xf32> to vector<16xf32>
      %add3A_252 = arith.constant 0 : i32
      %add3A_253 = arith.addi %add3A_252, %add3A_248 : i32
      %get3A_254 = arith.index_cast %add3A_253 : i32 to index
      %get3A_255 = tpu.vector_load %arg5[%get3A_254] {strides = array<i32>} : memref<25600xf32, #tpu.memory_space<vmem>>, vector<16xf32>,
      %get3A_256 = vector.shape_cast %get3A_255 : vector<16xf32> to vector<16xf32>
      %add3A_257 = arith.addf %get3A_251, %get3A_256 : vector<16xf32>
      %swap3A_258 = arith.index_cast %add3A_248 : i32 to index
      %swap3A_259 = tpu.vector_load %arg10[%swap3A_258] {strides = array<i32>} : memref<6400xf32, #tpu.memory_space<vmem>>, vector<16xf32>,
      %swap3A_260 = vector.shape_cast %swap3A_259 : vector<16xf32> to vector<16xf32>
      %swap3A_261 = vector.shape_cast %add3A_257 : vector<16xf32> to vector<16xf32>
      tpu.vector_store %arg10[%swap3A_258], %swap3A_261 {strides = array<i32>} : memref<6400xf32, #tpu.memory_space<vmem>>, vector<16xf32>,
      %add3A_262 = arith.constant 80 : i32
      %add3A_263 = arith.addi %mul3A_188, %add3A_262 : i32
      %get3A_264 = arith.index_cast %add3A_263 : i32 to index
      %get3A_265 = tpu.vector_load %arg6[%get3A_264] {strides = array<i32>} : memref<6400xf32, #tpu.memory_space<vmem>>, vector<16xf32>,
      %get3A_266 = vector.shape_cast %get3A_265 : vector<16xf32> to vector<16xf32>
      %add3A_267 = arith.constant 0 : i32
      %add3A_268 = arith.addi %add3A_267, %add3A_263 : i32
      %get3A_269 = arith.index_cast %add3A_268 : i32 to index
      %get3A_270 = tpu.vector_load %arg5[%get3A_269] {strides = array<i32>} : memref<25600xf32, #tpu.memory_space<vmem>>, vector<16xf32>,
      %get3A_271 = vector.shape_cast %get3A_270 : vector<16xf32> to vector<16xf32>
      %add3A_272 = arith.addf %get3A_266, %get3A_271 : vector<16xf32>
      %swap3A_273 = arith.index_cast %add3A_263 : i32 to index
      %swap3A_274 = tpu.vector_load %arg10[%swap3A_273] {strides = array<i32>} : memref<6400xf32, #tpu.memory_space<vmem>>, vector<16xf32>,
      %swap3A_275 = vector.shape_cast %swap3A_274 : vector<16xf32> to vector<16xf32>
      %swap3A_276 = vector.shape_cast %add3A_272 : vector<16xf32> to vector<16xf32>
      tpu.vector_store %arg10[%swap3A_273], %swap3A_276 {strides = array<i32>} : memref<6400xf32, #tpu.memory_space<vmem>>, vector<16xf32>,
      %add3A_277 = arith.constant 96 : i32
      %add3A_278 = arith.addi %mul3A_188, %add3A_277 : i32
      %get3A_279 = arith.index_cast %add3A_278 : i32 to index
      %get3A_280 = tpu.vector_load %arg6[%get3A_279] {strides = array<i32>} : memref<6400xf32, #tpu.memory_space<vmem>>, vector<16xf32>,
      %get3A_281 = vector.shape_cast %get3A_280 : vector<16xf32> to vector<16xf32>
      %add3A_282 = arith.constant 0 : i32
      %add3A_283 = arith.addi %add3A_282, %add3A_278 : i32
      %get3A_284 = arith.index_cast %add3A_283 : i32 to index
      %get3A_285 = tpu.vector_load %arg5[%get3A_284] {strides = array<i32>} : memref<25600xf32, #tpu.memory_space<vmem>>, vector<16xf32>,
      %get3A_286 = vector.shape_cast %get3A_285 : vector<16xf32> to vector<16xf32>
      %add3A_287 = arith.addf %get3A_281, %get3A_286 : vector<16xf32>
      %swap3A_288 = arith.index_cast %add3A_278 : i32 to index
      %swap3A_289 = tpu.vector_load %arg10[%swap3A_288] {strides = array<i32>} : memref<6400xf32, #tpu.memory_space<vmem>>, vector<16xf32>,
      %swap3A_290 = vector.shape_cast %swap3A_289 : vector<16xf32> to vector<16xf32>
      %swap3A_291 = vector.shape_cast %add3A_287 : vector<16xf32> to vector<16xf32>
      tpu.vector_store %arg10[%swap3A_288], %swap3A_291 {strides = array<i32>} : memref<6400xf32, #tpu.memory_space<vmem>>, vector<16xf32>,
      %add3A_292 = arith.constant 112 : i32
      %add3A_293 = arith.addi %mul3A_188, %add3A_292 : i32
      %get3A_294 = arith.index_cast %add3A_293 : i32 to index
      %get3A_295 = tpu.vector_load %arg6[%get3A_294] {strides = array<i32>} : memref<6400xf32, #tpu.memory_space<vmem>>, vector<16xf32>,
      %get3A_296 = vector.shape_cast %get3A_295 : vector<16xf32> to vector<16xf32>
      %add3A_297 = arith.constant 0 : i32
      %add3A_298 = arith.addi %add3A_297, %add3A_293 : i32
      %get3A_299 = arith.index_cast %add3A_298 : i32 to index
      %get3A_300 = tpu.vector_load %arg5[%get3A_299] {strides = array<i32>} : memref<25600xf32, #tpu.memory_space<vmem>>, vector<16xf32>,
      %get3A_301 = vector.shape_cast %get3A_300 : vector<16xf32> to vector<16xf32>
      %add3A_302 = arith.addf %get3A_296, %get3A_301 : vector<16xf32>
      %swap3A_303 = arith.index_cast %add3A_293 : i32 to index
      %swap3A_304 = tpu.vector_load %arg10[%swap3A_303] {strides = array<i32>} : memref<6400xf32, #tpu.memory_space<vmem>>, vector<16xf32>,
      %swap3A_305 = vector.shape_cast %swap3A_304 : vector<16xf32> to vector<16xf32>
      %swap3A_306 = vector.shape_cast %add3A_302 : vector<16xf32> to vector<16xf32>
      tpu.vector_store %arg10[%swap3A_303], %swap3A_306 {strides = array<i32>} : memref<6400xf32, #tpu.memory_space<vmem>>, vector<16xf32>,
    }
    %scan3A_111 = arith.constant 50 : i32
    %add3A_112 = arith.constant 1612800 : i32
    %add3A_113 = arith.addi %mul3A_6, %add3A_112 : i32
    %dma_start3A_114 = tpu.memref_slice %arg4[%add3A_113] : memref<104857600xf32, #tpu.memory_space<hbm>> -> memref<6400xf32, #tpu.memory_space<hbm>>
    %dma_start3A_115 = tpu.memref_slice %arg4[%add3A_113] : memref<104857600xf32, #tpu.memory_space<hbm>> -> memref<6400xf32, #tpu.memory_space<hbm>>
    tpu.enqueue_dma source(%arg10 : memref<6400xf32, #tpu.memory_space<vmem>>) target(%dma_start3A_115 : memref<6400xf32, #tpu.memory_space<hbm>>) target_semaphore(%arg18 : memref<!tpu.dma_semaphore, #tpu.memory_space<semaphore_mem>>)
    %dma_wait3A_116 = arith.constant 0 : i32
    %dma_wait3A_117 = tpu.memref_slice %arg2[%dma_wait3A_116] : memref<104857600xf32, #tpu.memory_space<hbm>> -> memref<6400xf32, #tpu.memory_space<hbm>>
    %dma_wait3A_118 = arith.constant 0 : i32
    %dma_wait3A_119 = tpu.memref_slice %arg2[%dma_wait3A_118] : memref<104857600xf32, #tpu.memory_space<hbm>> -> memref<6400xf32, #tpu.memory_space<hbm>>
    tpu.wait_dma2 semaphore(%arg15 : memref<!tpu.dma_semaphore, #tpu.memory_space<semaphore_mem>>) src(%dma_wait3A_119 : memref<6400xf32, #tpu.memory_space<hbm>>) dst(%arg7 : memref<6400xf32, #tpu.memory_space<vmem>>)
    %dma_wait3A_120 = arith.constant 0 : i32
    %dma_wait3A_121 = tpu.memref_slice %arg4[%dma_wait3A_120] : memref<104857600xf32, #tpu.memory_space<hbm>> -> memref<6400xf32, #tpu.memory_space<hbm>>
    %dma_wait3A_122 = arith.constant 0 : i32
    %dma_wait3A_123 = tpu.memref_slice %arg4[%dma_wait3A_122] : memref<104857600xf32, #tpu.memory_space<hbm>> -> memref<6400xf32, #tpu.memory_space<hbm>>
    tpu.wait_dma2 semaphore(%arg19 : memref<!tpu.dma_semaphore, #tpu.memory_space<semaphore_mem>>) src(%arg11 : memref<6400xf32, #tpu.memory_space<vmem>>) dst(%dma_wait3A_123 : memref<6400xf32, #tpu.memory_space<hbm>>)
    %scan3A_124 = arith.constant 0 : i32
    %scan3A_125 = arith.constant 0 : i32
    %scan3A_126 = arith.constant 50 : i32
    %scan3A_127 = arith.addi %scan3A_125, %scan3A_126 : i32
    %scan3A_128 = arith.constant 1 : i32
    scf.for %scan3A_186 = %scan3A_125 to %scan3A_127 step %scan3A_128  : i32 {
      %mul3A_187 = arith.constant 128 : i32
      %mul3A_188 = arith.muli %scan3A_186, %mul3A_187 : i32
      %add3A_189 = arith.constant 0 : i32
      %add3A_190 = arith.addi %mul3A_188, %add3A_189 : i32
      %get3A = arith.index_cast %add3A_190 : i32 to index
      %get3A_191 = tpu.vector_load %arg7[%get3A] {strides = array<i32>} : memref<6400xf32, #tpu.memory_space<vmem>>, vector<16xf32>,
      %get3A_192 = vector.shape_cast %get3A_191 : vector<16xf32> to vector<16xf32>
      %add3A_193 = arith.constant 6400 : i32
      %add3A_194 = arith.addi %add3A_193, %add3A_190 : i32
      %get3A_195 = arith.index_cast %add3A_194 : i32 to index
      %get3A_196 = tpu.vector_load %arg5[%get3A_195] {strides = array<i32>} : memref<25600xf32, #tpu.memory_space<vmem>>, vector<16xf32>,
      %get3A_197 = vector.shape_cast %get3A_196 : vector<16xf32> to vector<16xf32>
      %add3A_198 = arith.addf %get3A_192, %get3A_197 : vector<16xf32>
      %swap3A = arith.index_cast %add3A_190 : i32 to index
      %swap3A_199 = tpu.vector_load %arg11[%swap3A] {strides = array<i32>} : memref<6400xf32, #tpu.memory_space<vmem>>, vector<16xf32>,
      %swap3A_200 = vector.shape_cast %swap3A_199 : vector<16xf32> to vector<16xf32>
      %swap3A_201 = vector.shape_cast %add3A_198 : vector<16xf32> to vector<16xf32>
      tpu.vector_store %arg11[%swap3A], %swap3A_201 {strides = array<i32>} : memref<6400xf32, #tpu.memory_space<vmem>>, vector<16xf32>,
      %add3A_202 = arith.constant 16 : i32
      %add3A_203 = arith.addi %mul3A_188, %add3A_202 : i32
      %get3A_204 = arith.index_cast %add3A_203 : i32 to index
      %get3A_205 = tpu.vector_load %arg7[%get3A_204] {strides = array<i32>} : memref<6400xf32, #tpu.memory_space<vmem>>, vector<16xf32>,
      %get3A_206 = vector.shape_cast %get3A_205 : vector<16xf32> to vector<16xf32>
      %add3A_207 = arith.constant 6400 : i32
      %add3A_208 = arith.addi %add3A_207, %add3A_203 : i32
      %get3A_209 = arith.index_cast %add3A_208 : i32 to index
      %get3A_210 = tpu.vector_load %arg5[%get3A_209] {strides = array<i32>} : memref<25600xf32, #tpu.memory_space<vmem>>, vector<16xf32>,
      %get3A_211 = vector.shape_cast %get3A_210 : vector<16xf32> to vector<16xf32>
      %add3A_212 = arith.addf %get3A_206, %get3A_211 : vector<16xf32>
      %swap3A_213 = arith.index_cast %add3A_203 : i32 to index
      %swap3A_214 = tpu.vector_load %arg11[%swap3A_213] {strides = array<i32>} : memref<6400xf32, #tpu.memory_space<vmem>>, vector<16xf32>,
      %swap3A_215 = vector.shape_cast %swap3A_214 : vector<16xf32> to vector<16xf32>
      %swap3A_216 = vector.shape_cast %add3A_212 : vector<16xf32> to vector<16xf32>
      tpu.vector_store %arg11[%swap3A_213], %swap3A_216 {strides = array<i32>} : memref<6400xf32, #tpu.memory_space<vmem>>, vector<16xf32>,
      %add3A_217 = arith.constant 32 : i32
      %add3A_218 = arith.addi %mul3A_188, %add3A_217 : i32
      %get3A_219 = arith.index_cast %add3A_218 : i32 to index
      %get3A_220 = tpu.vector_load %arg7[%get3A_219] {strides = array<i32>} : memref<6400xf32, #tpu.memory_space<vmem>>, vector<16xf32>,
      %get3A_221 = vector.shape_cast %get3A_220 : vector<16xf32> to vector<16xf32>
      %add3A_222 = arith.constant 6400 : i32
      %add3A_223 = arith.addi %add3A_222, %add3A_218 : i32
      %get3A_224 = arith.index_cast %add3A_223 : i32 to index
      %get3A_225 = tpu.vector_load %arg5[%get3A_224] {strides = array<i32>} : memref<25600xf32, #tpu.memory_space<vmem>>, vector<16xf32>,
      %get3A_226 = vector.shape_cast %get3A_225 : vector<16xf32> to vector<16xf32>
      %add3A_227 = arith.addf %get3A_221, %get3A_226 : vector<16xf32>
      %swap3A_228 = arith.index_cast %add3A_218 : i32 to index
      %swap3A_229 = tpu.vector_load %arg11[%swap3A_228] {strides = array<i32>} : memref<6400xf32, #tpu.memory_space<vmem>>, vector<16xf32>,
      %swap3A_230 = vector.shape_cast %swap3A_229 : vector<16xf32> to vector<16xf32>
      %swap3A_231 = vector.shape_cast %add3A_227 : vector<16xf32> to vector<16xf32>
      tpu.vector_store %arg11[%swap3A_228], %swap3A_231 {strides = array<i32>} : memref<6400xf32, #tpu.memory_space<vmem>>, vector<16xf32>,
      %add3A_232 = arith.constant 48 : i32
      %add3A_233 = arith.addi %mul3A_188, %add3A_232 : i32
      %get3A_234 = arith.index_cast %add3A_233 : i32 to index
      %get3A_235 = tpu.vector_load %arg7[%get3A_234] {strides = array<i32>} : memref<6400xf32, #tpu.memory_space<vmem>>, vector<16xf32>,
      %get3A_236 = vector.shape_cast %get3A_235 : vector<16xf32> to vector<16xf32>
      %add3A_237 = arith.constant 6400 : i32
      %add3A_238 = arith.addi %add3A_237, %add3A_233 : i32
      %get3A_239 = arith.index_cast %add3A_238 : i32 to index
      %get3A_240 = tpu.vector_load %arg5[%get3A_239] {strides = array<i32>} : memref<25600xf32, #tpu.memory_space<vmem>>, vector<16xf32>,
      %get3A_241 = vector.shape_cast %get3A_240 : vector<16xf32> to vector<16xf32>
      %add3A_242 = arith.addf %get3A_236, %get3A_241 : vector<16xf32>
      %swap3A_243 = arith.index_cast %add3A_233 : i32 to index
      %swap3A_244 = tpu.vector_load %arg11[%swap3A_243] {strides = array<i32>} : memref<6400xf32, #tpu.memory_space<vmem>>, vector<16xf32>,
      %swap3A_245 = vector.shape_cast %swap3A_244 : vector<16xf32> to vector<16xf32>
      %swap3A_246 = vector.shape_cast %add3A_242 : vector<16xf32> to vector<16xf32>
      tpu.vector_store %arg11[%swap3A_243], %swap3A_246 {strides = array<i32>} : memref<6400xf32, #tpu.memory_space<vmem>>, vector<16xf32>,
      %add3A_247 = arith.constant 64 : i32
      %add3A_248 = arith.addi %mul3A_188, %add3A_247 : i32
      %get3A_249 = arith.index_cast %add3A_248 : i32 to index
      %get3A_250 = tpu.vector_load %arg7[%get3A_249] {strides = array<i32>} : memref<6400xf32, #tpu.memory_space<vmem>>, vector<16xf32>,
      %get3A_251 = vector.shape_cast %get3A_250 : vector<16xf32> to vector<16xf32>
      %add3A_252 = arith.constant 6400 : i32
      %add3A_253 = arith.addi %add3A_252, %add3A_248 : i32
      %get3A_254 = arith.index_cast %add3A_253 : i32 to index
      %get3A_255 = tpu.vector_load %arg5[%get3A_254] {strides = array<i32>} : memref<25600xf32, #tpu.memory_space<vmem>>, vector<16xf32>,
      %get3A_256 = vector.shape_cast %get3A_255 : vector<16xf32> to vector<16xf32>
      %add3A_257 = arith.addf %get3A_251, %get3A_256 : vector<16xf32>
      %swap3A_258 = arith.index_cast %add3A_248 : i32 to index
      %swap3A_259 = tpu.vector_load %arg11[%swap3A_258] {strides = array<i32>} : memref<6400xf32, #tpu.memory_space<vmem>>, vector<16xf32>,
      %swap3A_260 = vector.shape_cast %swap3A_259 : vector<16xf32> to vector<16xf32>
      %swap3A_261 = vector.shape_cast %add3A_257 : vector<16xf32> to vector<16xf32>
      tpu.vector_store %arg11[%swap3A_258], %swap3A_261 {strides = array<i32>} : memref<6400xf32, #tpu.memory_space<vmem>>, vector<16xf32>,
      %add3A_262 = arith.constant 80 : i32
      %add3A_263 = arith.addi %mul3A_188, %add3A_262 : i32
      %get3A_264 = arith.index_cast %add3A_263 : i32 to index
      %get3A_265 = tpu.vector_load %arg7[%get3A_264] {strides = array<i32>} : memref<6400xf32, #tpu.memory_space<vmem>>, vector<16xf32>,
      %get3A_266 = vector.shape_cast %get3A_265 : vector<16xf32> to vector<16xf32>
      %add3A_267 = arith.constant 6400 : i32
      %add3A_268 = arith.addi %add3A_267, %add3A_263 : i32
      %get3A_269 = arith.index_cast %add3A_268 : i32 to index
      %get3A_270 = tpu.vector_load %arg5[%get3A_269] {strides = array<i32>} : memref<25600xf32, #tpu.memory_space<vmem>>, vector<16xf32>,
      %get3A_271 = vector.shape_cast %get3A_270 : vector<16xf32> to vector<16xf32>
      %add3A_272 = arith.addf %get3A_266, %get3A_271 : vector<16xf32>
      %swap3A_273 = arith.index_cast %add3A_263 : i32 to index
      %swap3A_274 = tpu.vector_load %arg11[%swap3A_273] {strides = array<i32>} : memref<6400xf32, #tpu.memory_space<vmem>>, vector<16xf32>,
      %swap3A_275 = vector.shape_cast %swap3A_274 : vector<16xf32> to vector<16xf32>
      %swap3A_276 = vector.shape_cast %add3A_272 : vector<16xf32> to vector<16xf32>
      tpu.vector_store %arg11[%swap3A_273], %swap3A_276 {strides = array<i32>} : memref<6400xf32, #tpu.memory_space<vmem>>, vector<16xf32>,
      %add3A_277 = arith.constant 96 : i32
      %add3A_278 = arith.addi %mul3A_188, %add3A_277 : i32
      %get3A_279 = arith.index_cast %add3A_278 : i32 to index
      %get3A_280 = tpu.vector_load %arg7[%get3A_279] {strides = array<i32>} : memref<6400xf32, #tpu.memory_space<vmem>>, vector<16xf32>,
      %get3A_281 = vector.shape_cast %get3A_280 : vector<16xf32> to vector<16xf32>
      %add3A_282 = arith.constant 6400 : i32
      %add3A_283 = arith.addi %add3A_282, %add3A_278 : i32
      %get3A_284 = arith.index_cast %add3A_283 : i32 to index
      %get3A_285 = tpu.vector_load %arg5[%get3A_284] {strides = array<i32>} : memref<25600xf32, #tpu.memory_space<vmem>>, vector<16xf32>,
      %get3A_286 = vector.shape_cast %get3A_285 : vector<16xf32> to vector<16xf32>
      %add3A_287 = arith.addf %get3A_281, %get3A_286 : vector<16xf32>
      %swap3A_288 = arith.index_cast %add3A_278 : i32 to index
      %swap3A_289 = tpu.vector_load %arg11[%swap3A_288] {strides = array<i32>} : memref<6400xf32, #tpu.memory_space<vmem>>, vector<16xf32>,
      %swap3A_290 = vector.shape_cast %swap3A_289 : vector<16xf32> to vector<16xf32>
      %swap3A_291 = vector.shape_cast %add3A_287 : vector<16xf32> to vector<16xf32>
      tpu.vector_store %arg11[%swap3A_288], %swap3A_291 {strides = array<i32>} : memref<6400xf32, #tpu.memory_space<vmem>>, vector<16xf32>,
      %add3A_292 = arith.constant 112 : i32
      %add3A_293 = arith.addi %mul3A_188, %add3A_292 : i32
      %get3A_294 = arith.index_cast %add3A_293 : i32 to index
      %get3A_295 = tpu.vector_load %arg7[%get3A_294] {strides = array<i32>} : memref<6400xf32, #tpu.memory_space<vmem>>, vector<16xf32>,
      %get3A_296 = vector.shape_cast %get3A_295 : vector<16xf32> to vector<16xf32>
      %add3A_297 = arith.constant 6400 : i32
      %add3A_298 = arith.addi %add3A_297, %add3A_293 : i32
      %get3A_299 = arith.index_cast %add3A_298 : i32 to index
      %get3A_300 = tpu.vector_load %arg5[%get3A_299] {strides = array<i32>} : memref<25600xf32, #tpu.memory_space<vmem>>, vector<16xf32>,
      %get3A_301 = vector.shape_cast %get3A_300 : vector<16xf32> to vector<16xf32>
      %add3A_302 = arith.addf %get3A_296, %get3A_301 : vector<16xf32>
      %swap3A_303 = arith.index_cast %add3A_293 : i32 to index
      %swap3A_304 = tpu.vector_load %arg11[%swap3A_303] {strides = array<i32>} : memref<6400xf32, #tpu.memory_space<vmem>>, vector<16xf32>,
      %swap3A_305 = vector.shape_cast %swap3A_304 : vector<16xf32> to vector<16xf32>
      %swap3A_306 = vector.shape_cast %add3A_302 : vector<16xf32> to vector<16xf32>
      tpu.vector_store %arg11[%swap3A_303], %swap3A_306 {strides = array<i32>} : memref<6400xf32, #tpu.memory_space<vmem>>, vector<16xf32>,
    }
    %scan3A_129 = arith.constant 50 : i32
    %add3A_130 = arith.constant 1619200 : i32
    %add3A_131 = arith.addi %mul3A_6, %add3A_130 : i32
    %dma_start3A_132 = tpu.memref_slice %arg4[%add3A_131] : memref<104857600xf32, #tpu.memory_space<hbm>> -> memref<6400xf32, #tpu.memory_space<hbm>>
    %dma_start3A_133 = tpu.memref_slice %arg4[%add3A_131] : memref<104857600xf32, #tpu.memory_space<hbm>> -> memref<6400xf32, #tpu.memory_space<hbm>>
    tpu.enqueue_dma source(%arg11 : memref<6400xf32, #tpu.memory_space<vmem>>) target(%dma_start3A_133 : memref<6400xf32, #tpu.memory_space<hbm>>) target_semaphore(%arg19 : memref<!tpu.dma_semaphore, #tpu.memory_space<semaphore_mem>>)
    %dma_wait3A_134 = arith.constant 0 : i32
    %dma_wait3A_135 = tpu.memref_slice %arg2[%dma_wait3A_134] : memref<104857600xf32, #tpu.memory_space<hbm>> -> memref<6400xf32, #tpu.memory_space<hbm>>
    %dma_wait3A_136 = arith.constant 0 : i32
    %dma_wait3A_137 = tpu.memref_slice %arg2[%dma_wait3A_136] : memref<104857600xf32, #tpu.memory_space<hbm>> -> memref<6400xf32, #tpu.memory_space<hbm>>
    tpu.wait_dma2 semaphore(%arg16 : memref<!tpu.dma_semaphore, #tpu.memory_space<semaphore_mem>>) src(%dma_wait3A_137 : memref<6400xf32, #tpu.memory_space<hbm>>) dst(%arg8 : memref<6400xf32, #tpu.memory_space<vmem>>)
    %dma_wait3A_138 = arith.constant 0 : i32
    %dma_wait3A_139 = tpu.memref_slice %arg4[%dma_wait3A_138] : memref<104857600xf32, #tpu.memory_space<hbm>> -> memref<6400xf32, #tpu.memory_space<hbm>>
    %dma_wait3A_140 = arith.constant 0 : i32
    %dma_wait3A_141 = tpu.memref_slice %arg4[%dma_wait3A_140] : memref<104857600xf32, #tpu.memory_space<hbm>> -> memref<6400xf32, #tpu.memory_space<hbm>>
    tpu.wait_dma2 semaphore(%arg20 : memref<!tpu.dma_semaphore, #tpu.memory_space<semaphore_mem>>) src(%arg12 : memref<6400xf32, #tpu.memory_space<vmem>>) dst(%dma_wait3A_141 : memref<6400xf32, #tpu.memory_space<hbm>>)
    %scan3A_142 = arith.constant 0 : i32
    %scan3A_143 = arith.constant 0 : i32
    %scan3A_144 = arith.constant 50 : i32
    %scan3A_145 = arith.addi %scan3A_143, %scan3A_144 : i32
    %scan3A_146 = arith.constant 1 : i32
    scf.for %scan3A_186 = %scan3A_143 to %scan3A_145 step %scan3A_146  : i32 {
      %mul3A_187 = arith.constant 128 : i32
      %mul3A_188 = arith.muli %scan3A_186, %mul3A_187 : i32
      %add3A_189 = arith.constant 0 : i32
      %add3A_190 = arith.addi %mul3A_188, %add3A_189 : i32
      %get3A = arith.index_cast %add3A_190 : i32 to index
      %get3A_191 = tpu.vector_load %arg8[%get3A] {strides = array<i32>} : memref<6400xf32, #tpu.memory_space<vmem>>, vector<16xf32>,
      %get3A_192 = vector.shape_cast %get3A_191 : vector<16xf32> to vector<16xf32>
      %add3A_193 = arith.constant 12800 : i32
      %add3A_194 = arith.addi %add3A_193, %add3A_190 : i32
      %get3A_195 = arith.index_cast %add3A_194 : i32 to index
      %get3A_196 = tpu.vector_load %arg5[%get3A_195] {strides = array<i32>} : memref<25600xf32, #tpu.memory_space<vmem>>, vector<16xf32>,
      %get3A_197 = vector.shape_cast %get3A_196 : vector<16xf32> to vector<16xf32>
      %add3A_198 = arith.addf %get3A_192, %get3A_197 : vector<16xf32>
      %swap3A = arith.index_cast %add3A_190 : i32 to index
      %swap3A_199 = tpu.vector_load %arg12[%swap3A] {strides = array<i32>} : memref<6400xf32, #tpu.memory_space<vmem>>, vector<16xf32>,
      %swap3A_200 = vector.shape_cast %swap3A_199 : vector<16xf32> to vector<16xf32>
      %swap3A_201 = vector.shape_cast %add3A_198 : vector<16xf32> to vector<16xf32>
      tpu.vector_store %arg12[%swap3A], %swap3A_201 {strides = array<i32>} : memref<6400xf32, #tpu.memory_space<vmem>>, vector<16xf32>,
      %add3A_202 = arith.constant 16 : i32
      %add3A_203 = arith.addi %mul3A_188, %add3A_202 : i32
      %get3A_204 = arith.index_cast %add3A_203 : i32 to index
      %get3A_205 = tpu.vector_load %arg8[%get3A_204] {strides = array<i32>} : memref<6400xf32, #tpu.memory_space<vmem>>, vector<16xf32>,
      %get3A_206 = vector.shape_cast %get3A_205 : vector<16xf32> to vector<16xf32>
      %add3A_207 = arith.constant 12800 : i32
      %add3A_208 = arith.addi %add3A_207, %add3A_203 : i32
      %get3A_209 = arith.index_cast %add3A_208 : i32 to index
      %get3A_210 = tpu.vector_load %arg5[%get3A_209] {strides = array<i32>} : memref<25600xf32, #tpu.memory_space<vmem>>, vector<16xf32>,
      %get3A_211 = vector.shape_cast %get3A_210 : vector<16xf32> to vector<16xf32>
      %add3A_212 = arith.addf %get3A_206, %get3A_211 : vector<16xf32>
      %swap3A_213 = arith.index_cast %add3A_203 : i32 to index
      %swap3A_214 = tpu.vector_load %arg12[%swap3A_213] {strides = array<i32>} : memref<6400xf32, #tpu.memory_space<vmem>>, vector<16xf32>,
      %swap3A_215 = vector.shape_cast %swap3A_214 : vector<16xf32> to vector<16xf32>
      %swap3A_216 = vector.shape_cast %add3A_212 : vector<16xf32> to vector<16xf32>
      tpu.vector_store %arg12[%swap3A_213], %swap3A_216 {strides = array<i32>} : memref<6400xf32, #tpu.memory_space<vmem>>, vector<16xf32>,
      %add3A_217 = arith.constant 32 : i32
      %add3A_218 = arith.addi %mul3A_188, %add3A_217 : i32
      %get3A_219 = arith.index_cast %add3A_218 : i32 to index
      %get3A_220 = tpu.vector_load %arg8[%get3A_219] {strides = array<i32>} : memref<6400xf32, #tpu.memory_space<vmem>>, vector<16xf32>,
      %get3A_221 = vector.shape_cast %get3A_220 : vector<16xf32> to vector<16xf32>
      %add3A_222 = arith.constant 12800 : i32
      %add3A_223 = arith.addi %add3A_222, %add3A_218 : i32
      %get3A_224 = arith.index_cast %add3A_223 : i32 to index
      %get3A_225 = tpu.vector_load %arg5[%get3A_224] {strides = array<i32>} : memref<25600xf32, #tpu.memory_space<vmem>>, vector<16xf32>,
      %get3A_226 = vector.shape_cast %get3A_225 : vector<16xf32> to vector<16xf32>
      %add3A_227 = arith.addf %get3A_221, %get3A_226 : vector<16xf32>
      %swap3A_228 = arith.index_cast %add3A_218 : i32 to index
      %swap3A_229 = tpu.vector_load %arg12[%swap3A_228] {strides = array<i32>} : memref<6400xf32, #tpu.memory_space<vmem>>, vector<16xf32>,
      %swap3A_230 = vector.shape_cast %swap3A_229 : vector<16xf32> to vector<16xf32>
      %swap3A_231 = vector.shape_cast %add3A_227 : vector<16xf32> to vector<16xf32>
      tpu.vector_store %arg12[%swap3A_228], %swap3A_231 {strides = array<i32>} : memref<6400xf32, #tpu.memory_space<vmem>>, vector<16xf32>,
      %add3A_232 = arith.constant 48 : i32
      %add3A_233 = arith.addi %mul3A_188, %add3A_232 : i32
      %get3A_234 = arith.index_cast %add3A_233 : i32 to index
      %get3A_235 = tpu.vector_load %arg8[%get3A_234] {strides = array<i32>} : memref<6400xf32, #tpu.memory_space<vmem>>, vector<16xf32>,
      %get3A_236 = vector.shape_cast %get3A_235 : vector<16xf32> to vector<16xf32>
      %add3A_237 = arith.constant 12800 : i32
      %add3A_238 = arith.addi %add3A_237, %add3A_233 : i32
      %get3A_239 = arith.index_cast %add3A_238 : i32 to index
      %get3A_240 = tpu.vector_load %arg5[%get3A_239] {strides = array<i32>} : memref<25600xf32, #tpu.memory_space<vmem>>, vector<16xf32>,
      %get3A_241 = vector.shape_cast %get3A_240 : vector<16xf32> to vector<16xf32>
      %add3A_242 = arith.addf %get3A_236, %get3A_241 : vector<16xf32>
      %swap3A_243 = arith.index_cast %add3A_233 : i32 to index
      %swap3A_244 = tpu.vector_load %arg12[%swap3A_243] {strides = array<i32>} : memref<6400xf32, #tpu.memory_space<vmem>>, vector<16xf32>,
      %swap3A_245 = vector.shape_cast %swap3A_244 : vector<16xf32> to vector<16xf32>
      %swap3A_246 = vector.shape_cast %add3A_242 : vector<16xf32> to vector<16xf32>
      tpu.vector_store %arg12[%swap3A_243], %swap3A_246 {strides = array<i32>} : memref<6400xf32, #tpu.memory_space<vmem>>, vector<16xf32>,
      %add3A_247 = arith.constant 64 : i32
      %add3A_248 = arith.addi %mul3A_188, %add3A_247 : i32
      %get3A_249 = arith.index_cast %add3A_248 : i32 to index
      %get3A_250 = tpu.vector_load %arg8[%get3A_249] {strides = array<i32>} : memref<6400xf32, #tpu.memory_space<vmem>>, vector<16xf32>,
      %get3A_251 = vector.shape_cast %get3A_250 : vector<16xf32> to vector<16xf32>
      %add3A_252 = arith.constant 12800 : i32
      %add3A_253 = arith.addi %add3A_252, %add3A_248 : i32
      %get3A_254 = arith.index_cast %add3A_253 : i32 to index
      %get3A_255 = tpu.vector_load %arg5[%get3A_254] {strides = array<i32>} : memref<25600xf32, #tpu.memory_space<vmem>>, vector<16xf32>,
      %get3A_256 = vector.shape_cast %get3A_255 : vector<16xf32> to vector<16xf32>
      %add3A_257 = arith.addf %get3A_251, %get3A_256 : vector<16xf32>
      %swap3A_258 = arith.index_cast %add3A_248 : i32 to index
      %swap3A_259 = tpu.vector_load %arg12[%swap3A_258] {strides = array<i32>} : memref<6400xf32, #tpu.memory_space<vmem>>, vector<16xf32>,
      %swap3A_260 = vector.shape_cast %swap3A_259 : vector<16xf32> to vector<16xf32>
      %swap3A_261 = vector.shape_cast %add3A_257 : vector<16xf32> to vector<16xf32>
      tpu.vector_store %arg12[%swap3A_258], %swap3A_261 {strides = array<i32>} : memref<6400xf32, #tpu.memory_space<vmem>>, vector<16xf32>,
      %add3A_262 = arith.constant 80 : i32
      %add3A_263 = arith.addi %mul3A_188, %add3A_262 : i32
      %get3A_264 = arith.index_cast %add3A_263 : i32 to index
      %get3A_265 = tpu.vector_load %arg8[%get3A_264] {strides = array<i32>} : memref<6400xf32, #tpu.memory_space<vmem>>, vector<16xf32>,
      %get3A_266 = vector.shape_cast %get3A_265 : vector<16xf32> to vector<16xf32>
      %add3A_267 = arith.constant 12800 : i32
      %add3A_268 = arith.addi %add3A_267, %add3A_263 : i32
      %get3A_269 = arith.index_cast %add3A_268 : i32 to index
      %get3A_270 = tpu.vector_load %arg5[%get3A_269] {strides = array<i32>} : memref<25600xf32, #tpu.memory_space<vmem>>, vector<16xf32>,
      %get3A_271 = vector.shape_cast %get3A_270 : vector<16xf32> to vector<16xf32>
      %add3A_272 = arith.addf %get3A_266, %get3A_271 : vector<16xf32>
      %swap3A_273 = arith.index_cast %add3A_263 : i32 to index
      %swap3A_274 = tpu.vector_load %arg12[%swap3A_273] {strides = array<i32>} : memref<6400xf32, #tpu.memory_space<vmem>>, vector<16xf32>,
      %swap3A_275 = vector.shape_cast %swap3A_274 : vector<16xf32> to vector<16xf32>
      %swap3A_276 = vector.shape_cast %add3A_272 : vector<16xf32> to vector<16xf32>
      tpu.vector_store %arg12[%swap3A_273], %swap3A_276 {strides = array<i32>} : memref<6400xf32, #tpu.memory_space<vmem>>, vector<16xf32>,
      %add3A_277 = arith.constant 96 : i32
      %add3A_278 = arith.addi %mul3A_188, %add3A_277 : i32
      %get3A_279 = arith.index_cast %add3A_278 : i32 to index
      %get3A_280 = tpu.vector_load %arg8[%get3A_279] {strides = array<i32>} : memref<6400xf32, #tpu.memory_space<vmem>>, vector<16xf32>,
      %get3A_281 = vector.shape_cast %get3A_280 : vector<16xf32> to vector<16xf32>
      %add3A_282 = arith.constant 12800 : i32
      %add3A_283 = arith.addi %add3A_282, %add3A_278 : i32
      %get3A_284 = arith.index_cast %add3A_283 : i32 to index
      %get3A_285 = tpu.vector_load %arg5[%get3A_284] {strides = array<i32>} : memref<25600xf32, #tpu.memory_space<vmem>>, vector<16xf32>,
      %get3A_286 = vector.shape_cast %get3A_285 : vector<16xf32> to vector<16xf32>
      %add3A_287 = arith.addf %get3A_281, %get3A_286 : vector<16xf32>
      %swap3A_288 = arith.index_cast %add3A_278 : i32 to index
      %swap3A_289 = tpu.vector_load %arg12[%swap3A_288] {strides = array<i32>} : memref<6400xf32, #tpu.memory_space<vmem>>, vector<16xf32>,
      %swap3A_290 = vector.shape_cast %swap3A_289 : vector<16xf32> to vector<16xf32>
      %swap3A_291 = vector.shape_cast %add3A_287 : vector<16xf32> to vector<16xf32>
      tpu.vector_store %arg12[%swap3A_288], %swap3A_291 {strides = array<i32>} : memref<6400xf32, #tpu.memory_space<vmem>>, vector<16xf32>,
      %add3A_292 = arith.constant 112 : i32
      %add3A_293 = arith.addi %mul3A_188, %add3A_292 : i32
      %get3A_294 = arith.index_cast %add3A_293 : i32 to index
      %get3A_295 = tpu.vector_load %arg8[%get3A_294] {strides = array<i32>} : memref<6400xf32, #tpu.memory_space<vmem>>, vector<16xf32>,
      %get3A_296 = vector.shape_cast %get3A_295 : vector<16xf32> to vector<16xf32>
      %add3A_297 = arith.constant 12800 : i32
      %add3A_298 = arith.addi %add3A_297, %add3A_293 : i32
      %get3A_299 = arith.index_cast %add3A_298 : i32 to index
      %get3A_300 = tpu.vector_load %arg5[%get3A_299] {strides = array<i32>} : memref<25600xf32, #tpu.memory_space<vmem>>, vector<16xf32>,
      %get3A_301 = vector.shape_cast %get3A_300 : vector<16xf32> to vector<16xf32>
      %add3A_302 = arith.addf %get3A_296, %get3A_301 : vector<16xf32>
      %swap3A_303 = arith.index_cast %add3A_293 : i32 to index
      %swap3A_304 = tpu.vector_load %arg12[%swap3A_303] {strides = array<i32>} : memref<6400xf32, #tpu.memory_space<vmem>>, vector<16xf32>,
      %swap3A_305 = vector.shape_cast %swap3A_304 : vector<16xf32> to vector<16xf32>
      %swap3A_306 = vector.shape_cast %add3A_302 : vector<16xf32> to vector<16xf32>
      tpu.vector_store %arg12[%swap3A_303], %swap3A_306 {strides = array<i32>} : memref<6400xf32, #tpu.memory_space<vmem>>, vector<16xf32>,
    }
    %scan3A_147 = arith.constant 50 : i32
    %add3A_148 = arith.constant 1625600 : i32
    %add3A_149 = arith.addi %mul3A_6, %add3A_148 : i32
    %dma_start3A_150 = tpu.memref_slice %arg4[%add3A_149] : memref<104857600xf32, #tpu.memory_space<hbm>> -> memref<6400xf32, #tpu.memory_space<hbm>>
    %dma_start3A_151 = tpu.memref_slice %arg4[%add3A_149] : memref<104857600xf32, #tpu.memory_space<hbm>> -> memref<6400xf32, #tpu.memory_space<hbm>>
    tpu.enqueue_dma source(%arg12 : memref<6400xf32, #tpu.memory_space<vmem>>) target(%dma_start3A_151 : memref<6400xf32, #tpu.memory_space<hbm>>) target_semaphore(%arg20 : memref<!tpu.dma_semaphore, #tpu.memory_space<semaphore_mem>>)
    %dma_wait3A_152 = arith.constant 0 : i32
    %dma_wait3A_153 = tpu.memref_slice %arg2[%dma_wait3A_152] : memref<104857600xf32, #tpu.memory_space<hbm>> -> memref<6400xf32, #tpu.memory_space<hbm>>
    %dma_wait3A_154 = arith.constant 0 : i32
    %dma_wait3A_155 = tpu.memref_slice %arg2[%dma_wait3A_154] : memref<104857600xf32, #tpu.memory_space<hbm>> -> memref<6400xf32, #tpu.memory_space<hbm>>
    tpu.wait_dma2 semaphore(%arg17 : memref<!tpu.dma_semaphore, #tpu.memory_space<semaphore_mem>>) src(%dma_wait3A_155 : memref<6400xf32, #tpu.memory_space<hbm>>) dst(%arg9 : memref<6400xf32, #tpu.memory_space<vmem>>)
    %dma_wait3A_156 = arith.constant 0 : i32
    %dma_wait3A_157 = tpu.memref_slice %arg4[%dma_wait3A_156] : memref<104857600xf32, #tpu.memory_space<hbm>> -> memref<6400xf32, #tpu.memory_space<hbm>>
    %dma_wait3A_158 = arith.constant 0 : i32
    %dma_wait3A_159 = tpu.memref_slice %arg4[%dma_wait3A_158] : memref<104857600xf32, #tpu.memory_space<hbm>> -> memref<6400xf32, #tpu.memory_space<hbm>>
    tpu.wait_dma2 semaphore(%arg21 : memref<!tpu.dma_semaphore, #tpu.memory_space<semaphore_mem>>) src(%arg13 : memref<6400xf32, #tpu.memory_space<vmem>>) dst(%dma_wait3A_159 : memref<6400xf32, #tpu.memory_space<hbm>>)
    %scan3A_160 = arith.constant 0 : i32
    %scan3A_161 = arith.constant 0 : i32
    %scan3A_162 = arith.constant 50 : i32
    %scan3A_163 = arith.addi %scan3A_161, %scan3A_162 : i32
    %scan3A_164 = arith.constant 1 : i32
    scf.for %scan3A_186 = %scan3A_161 to %scan3A_163 step %scan3A_164  : i32 {
      %mul3A_187 = arith.constant 128 : i32
      %mul3A_188 = arith.muli %scan3A_186, %mul3A_187 : i32
      %add3A_189 = arith.constant 0 : i32
      %add3A_190 = arith.addi %mul3A_188, %add3A_189 : i32
      %get3A = arith.index_cast %add3A_190 : i32 to index
      %get3A_191 = tpu.vector_load %arg9[%get3A] {strides = array<i32>} : memref<6400xf32, #tpu.memory_space<vmem>>, vector<16xf32>,
      %get3A_192 = vector.shape_cast %get3A_191 : vector<16xf32> to vector<16xf32>
      %add3A_193 = arith.constant 19200 : i32
      %add3A_194 = arith.addi %add3A_193, %add3A_190 : i32
      %get3A_195 = arith.index_cast %add3A_194 : i32 to index
      %get3A_196 = tpu.vector_load %arg5[%get3A_195] {strides = array<i32>} : memref<25600xf32, #tpu.memory_space<vmem>>, vector<16xf32>,
      %get3A_197 = vector.shape_cast %get3A_196 : vector<16xf32> to vector<16xf32>
      %add3A_198 = arith.addf %get3A_192, %get3A_197 : vector<16xf32>
      %swap3A = arith.index_cast %add3A_190 : i32 to index
      %swap3A_199 = tpu.vector_load %arg13[%swap3A] {strides = array<i32>} : memref<6400xf32, #tpu.memory_space<vmem>>, vector<16xf32>,
      %swap3A_200 = vector.shape_cast %swap3A_199 : vector<16xf32> to vector<16xf32>
      %swap3A_201 = vector.shape_cast %add3A_198 : vector<16xf32> to vector<16xf32>
      tpu.vector_store %arg13[%swap3A], %swap3A_201 {strides = array<i32>} : memref<6400xf32, #tpu.memory_space<vmem>>, vector<16xf32>,
      %add3A_202 = arith.constant 16 : i32
      %add3A_203 = arith.addi %mul3A_188, %add3A_202 : i32
      %get3A_204 = arith.index_cast %add3A_203 : i32 to index
      %get3A_205 = tpu.vector_load %arg9[%get3A_204] {strides = array<i32>} : memref<6400xf32, #tpu.memory_space<vmem>>, vector<16xf32>,
      %get3A_206 = vector.shape_cast %get3A_205 : vector<16xf32> to vector<16xf32>
      %add3A_207 = arith.constant 19200 : i32
      %add3A_208 = arith.addi %add3A_207, %add3A_203 : i32
      %get3A_209 = arith.index_cast %add3A_208 : i32 to index
      %get3A_210 = tpu.vector_load %arg5[%get3A_209] {strides = array<i32>} : memref<25600xf32, #tpu.memory_space<vmem>>, vector<16xf32>,
      %get3A_211 = vector.shape_cast %get3A_210 : vector<16xf32> to vector<16xf32>
      %add3A_212 = arith.addf %get3A_206, %get3A_211 : vector<16xf32>
      %swap3A_213 = arith.index_cast %add3A_203 : i32 to index
      %swap3A_214 = tpu.vector_load %arg13[%swap3A_213] {strides = array<i32>} : memref<6400xf32, #tpu.memory_space<vmem>>, vector<16xf32>,
      %swap3A_215 = vector.shape_cast %swap3A_214 : vector<16xf32> to vector<16xf32>
      %swap3A_216 = vector.shape_cast %add3A_212 : vector<16xf32> to vector<16xf32>
      tpu.vector_store %arg13[%swap3A_213], %swap3A_216 {strides = array<i32>} : memref<6400xf32, #tpu.memory_space<vmem>>, vector<16xf32>,
      %add3A_217 = arith.constant 32 : i32
      %add3A_218 = arith.addi %mul3A_188, %add3A_217 : i32
      %get3A_219 = arith.index_cast %add3A_218 : i32 to index
      %get3A_220 = tpu.vector_load %arg9[%get3A_219] {strides = array<i32>} : memref<6400xf32, #tpu.memory_space<vmem>>, vector<16xf32>,
      %get3A_221 = vector.shape_cast %get3A_220 : vector<16xf32> to vector<16xf32>
      %add3A_222 = arith.constant 19200 : i32
      %add3A_223 = arith.addi %add3A_222, %add3A_218 : i32
      %get3A_224 = arith.index_cast %add3A_223 : i32 to index
      %get3A_225 = tpu.vector_load %arg5[%get3A_224] {strides = array<i32>} : memref<25600xf32, #tpu.memory_space<vmem>>, vector<16xf32>,
      %get3A_226 = vector.shape_cast %get3A_225 : vector<16xf32> to vector<16xf32>
      %add3A_227 = arith.addf %get3A_221, %get3A_226 : vector<16xf32>
      %swap3A_228 = arith.index_cast %add3A_218 : i32 to index
      %swap3A_229 = tpu.vector_load %arg13[%swap3A_228] {strides = array<i32>} : memref<6400xf32, #tpu.memory_space<vmem>>, vector<16xf32>,
      %swap3A_230 = vector.shape_cast %swap3A_229 : vector<16xf32> to vector<16xf32>
      %swap3A_231 = vector.shape_cast %add3A_227 : vector<16xf32> to vector<16xf32>
      tpu.vector_store %arg13[%swap3A_228], %swap3A_231 {strides = array<i32>} : memref<6400xf32, #tpu.memory_space<vmem>>, vector<16xf32>,
      %add3A_232 = arith.constant 48 : i32
      %add3A_233 = arith.addi %mul3A_188, %add3A_232 : i32
      %get3A_234 = arith.index_cast %add3A_233 : i32 to index
      %get3A_235 = tpu.vector_load %arg9[%get3A_234] {strides = array<i32>} : memref<6400xf32, #tpu.memory_space<vmem>>, vector<16xf32>,
      %get3A_236 = vector.shape_cast %get3A_235 : vector<16xf32> to vector<16xf32>
      %add3A_237 = arith.constant 19200 : i32
      %add3A_238 = arith.addi %add3A_237, %add3A_233 : i32
      %get3A_239 = arith.index_cast %add3A_238 : i32 to index
      %get3A_240 = tpu.vector_load %arg5[%get3A_239] {strides = array<i32>} : memref<25600xf32, #tpu.memory_space<vmem>>, vector<16xf32>,
      %get3A_241 = vector.shape_cast %get3A_240 : vector<16xf32> to vector<16xf32>
      %add3A_242 = arith.addf %get3A_236, %get3A_241 : vector<16xf32>
      %swap3A_243 = arith.index_cast %add3A_233 : i32 to index
      %swap3A_244 = tpu.vector_load %arg13[%swap3A_243] {strides = array<i32>} : memref<6400xf32, #tpu.memory_space<vmem>>, vector<16xf32>,
      %swap3A_245 = vector.shape_cast %swap3A_244 : vector<16xf32> to vector<16xf32>
      %swap3A_246 = vector.shape_cast %add3A_242 : vector<16xf32> to vector<16xf32>
      tpu.vector_store %arg13[%swap3A_243], %swap3A_246 {strides = array<i32>} : memref<6400xf32, #tpu.memory_space<vmem>>, vector<16xf32>,
      %add3A_247 = arith.constant 64 : i32
      %add3A_248 = arith.addi %mul3A_188, %add3A_247 : i32
      %get3A_249 = arith.index_cast %add3A_248 : i32 to index
      %get3A_250 = tpu.vector_load %arg9[%get3A_249] {strides = array<i32>} : memref<6400xf32, #tpu.memory_space<vmem>>, vector<16xf32>,
      %get3A_251 = vector.shape_cast %get3A_250 : vector<16xf32> to vector<16xf32>
      %add3A_252 = arith.constant 19200 : i32
      %add3A_253 = arith.addi %add3A_252, %add3A_248 : i32
      %get3A_254 = arith.index_cast %add3A_253 : i32 to index
      %get3A_255 = tpu.vector_load %arg5[%get3A_254] {strides = array<i32>} : memref<25600xf32, #tpu.memory_space<vmem>>, vector<16xf32>,
      %get3A_256 = vector.shape_cast %get3A_255 : vector<16xf32> to vector<16xf32>
      %add3A_257 = arith.addf %get3A_251, %get3A_256 : vector<16xf32>
      %swap3A_258 = arith.index_cast %add3A_248 : i32 to index
      %swap3A_259 = tpu.vector_load %arg13[%swap3A_258] {strides = array<i32>} : memref<6400xf32, #tpu.memory_space<vmem>>, vector<16xf32>,
      %swap3A_260 = vector.shape_cast %swap3A_259 : vector<16xf32> to vector<16xf32>
      %swap3A_261 = vector.shape_cast %add3A_257 : vector<16xf32> to vector<16xf32>
      tpu.vector_store %arg13[%swap3A_258], %swap3A_261 {strides = array<i32>} : memref<6400xf32, #tpu.memory_space<vmem>>, vector<16xf32>,
      %add3A_262 = arith.constant 80 : i32
      %add3A_263 = arith.addi %mul3A_188, %add3A_262 : i32
      %get3A_264 = arith.index_cast %add3A_263 : i32 to index
      %get3A_265 = tpu.vector_load %arg9[%get3A_264] {strides = array<i32>} : memref<6400xf32, #tpu.memory_space<vmem>>, vector<16xf32>,
      %get3A_266 = vector.shape_cast %get3A_265 : vector<16xf32> to vector<16xf32>
      %add3A_267 = arith.constant 19200 : i32
      %add3A_268 = arith.addi %add3A_267, %add3A_263 : i32
      %get3A_269 = arith.index_cast %add3A_268 : i32 to index
      %get3A_270 = tpu.vector_load %arg5[%get3A_269] {strides = array<i32>} : memref<25600xf32, #tpu.memory_space<vmem>>, vector<16xf32>,
      %get3A_271 = vector.shape_cast %get3A_270 : vector<16xf32> to vector<16xf32>
      %add3A_272 = arith.addf %get3A_266, %get3A_271 : vector<16xf32>
      %swap3A_273 = arith.index_cast %add3A_263 : i32 to index
      %swap3A_274 = tpu.vector_load %arg13[%swap3A_273] {strides = array<i32>} : memref<6400xf32, #tpu.memory_space<vmem>>, vector<16xf32>,
      %swap3A_275 = vector.shape_cast %swap3A_274 : vector<16xf32> to vector<16xf32>
      %swap3A_276 = vector.shape_cast %add3A_272 : vector<16xf32> to vector<16xf32>
      tpu.vector_store %arg13[%swap3A_273], %swap3A_276 {strides = array<i32>} : memref<6400xf32, #tpu.memory_space<vmem>>, vector<16xf32>,
      %add3A_277 = arith.constant 96 : i32
      %add3A_278 = arith.addi %mul3A_188, %add3A_277 : i32
      %get3A_279 = arith.index_cast %add3A_278 : i32 to index
      %get3A_280 = tpu.vector_load %arg9[%get3A_279] {strides = array<i32>} : memref<6400xf32, #tpu.memory_space<vmem>>, vector<16xf32>,
      %get3A_281 = vector.shape_cast %get3A_280 : vector<16xf32> to vector<16xf32>
      %add3A_282 = arith.constant 19200 : i32
      %add3A_283 = arith.addi %add3A_282, %add3A_278 : i32
      %get3A_284 = arith.index_cast %add3A_283 : i32 to index
      %get3A_285 = tpu.vector_load %arg5[%get3A_284] {strides = array<i32>} : memref<25600xf32, #tpu.memory_space<vmem>>, vector<16xf32>,
      %get3A_286 = vector.shape_cast %get3A_285 : vector<16xf32> to vector<16xf32>
      %add3A_287 = arith.addf %get3A_281, %get3A_286 : vector<16xf32>
      %swap3A_288 = arith.index_cast %add3A_278 : i32 to index
      %swap3A_289 = tpu.vector_load %arg13[%swap3A_288] {strides = array<i32>} : memref<6400xf32, #tpu.memory_space<vmem>>, vector<16xf32>,
      %swap3A_290 = vector.shape_cast %swap3A_289 : vector<16xf32> to vector<16xf32>
      %swap3A_291 = vector.shape_cast %add3A_287 : vector<16xf32> to vector<16xf32>
      tpu.vector_store %arg13[%swap3A_288], %swap3A_291 {strides = array<i32>} : memref<6400xf32, #tpu.memory_space<vmem>>, vector<16xf32>,
      %add3A_292 = arith.constant 112 : i32
      %add3A_293 = arith.addi %mul3A_188, %add3A_292 : i32
      %get3A_294 = arith.index_cast %add3A_293 : i32 to index
      %get3A_295 = tpu.vector_load %arg9[%get3A_294] {strides = array<i32>} : memref<6400xf32, #tpu.memory_space<vmem>>, vector<16xf32>,
      %get3A_296 = vector.shape_cast %get3A_295 : vector<16xf32> to vector<16xf32>
      %add3A_297 = arith.constant 19200 : i32
      %add3A_298 = arith.addi %add3A_297, %add3A_293 : i32
      %get3A_299 = arith.index_cast %add3A_298 : i32 to index
      %get3A_300 = tpu.vector_load %arg5[%get3A_299] {strides = array<i32>} : memref<25600xf32, #tpu.memory_space<vmem>>, vector<16xf32>,
      %get3A_301 = vector.shape_cast %get3A_300 : vector<16xf32> to vector<16xf32>
      %add3A_302 = arith.addf %get3A_296, %get3A_301 : vector<16xf32>
      %swap3A_303 = arith.index_cast %add3A_293 : i32 to index
      %swap3A_304 = tpu.vector_load %arg13[%swap3A_303] {strides = array<i32>} : memref<6400xf32, #tpu.memory_space<vmem>>, vector<16xf32>,
      %swap3A_305 = vector.shape_cast %swap3A_304 : vector<16xf32> to vector<16xf32>
      %swap3A_306 = vector.shape_cast %add3A_302 : vector<16xf32> to vector<16xf32>
      tpu.vector_store %arg13[%swap3A_303], %swap3A_306 {strides = array<i32>} : memref<6400xf32, #tpu.memory_space<vmem>>, vector<16xf32>,
    }
    %scan3A_165 = arith.constant 50 : i32
    %add3A_166 = arith.constant 1632000 : i32
    %add3A_167 = arith.addi %mul3A_6, %add3A_166 : i32
    %dma_start3A_168 = tpu.memref_slice %arg4[%add3A_167] : memref<104857600xf32, #tpu.memory_space<hbm>> -> memref<6400xf32, #tpu.memory_space<hbm>>
    %dma_start3A_169 = tpu.memref_slice %arg4[%add3A_167] : memref<104857600xf32, #tpu.memory_space<hbm>> -> memref<6400xf32, #tpu.memory_space<hbm>>
    tpu.enqueue_dma source(%arg13 : memref<6400xf32, #tpu.memory_space<vmem>>) target(%dma_start3A_169 : memref<6400xf32, #tpu.memory_space<hbm>>) target_semaphore(%arg21 : memref<!tpu.dma_semaphore, #tpu.memory_space<semaphore_mem>>)
    %dma_wait3A_170 = arith.constant 0 : i32
    %dma_wait3A_171 = tpu.memref_slice %arg4[%dma_wait3A_170] : memref<104857600xf32, #tpu.memory_space<hbm>> -> memref<6400xf32, #tpu.memory_space<hbm>>
    %dma_wait3A_172 = arith.constant 0 : i32
    %dma_wait3A_173 = tpu.memref_slice %arg4[%dma_wait3A_172] : memref<104857600xf32, #tpu.memory_space<hbm>> -> memref<6400xf32, #tpu.memory_space<hbm>>
    tpu.wait_dma2 semaphore(%arg18 : memref<!tpu.dma_semaphore, #tpu.memory_space<semaphore_mem>>) src(%arg10 : memref<6400xf32, #tpu.memory_space<vmem>>) dst(%dma_wait3A_173 : memref<6400xf32, #tpu.memory_space<hbm>>)
    %dma_wait3A_174 = arith.constant 0 : i32
    %dma_wait3A_175 = tpu.memref_slice %arg4[%dma_wait3A_174] : memref<104857600xf32, #tpu.memory_space<hbm>> -> memref<6400xf32, #tpu.memory_space<hbm>>
    %dma_wait3A_176 = arith.constant 0 : i32
    %dma_wait3A_177 = tpu.memref_slice %arg4[%dma_wait3A_176] : memref<104857600xf32, #tpu.memory_space<hbm>> -> memref<6400xf32, #tpu.memory_space<hbm>>
    tpu.wait_dma2 semaphore(%arg19 : memref<!tpu.dma_semaphore, #tpu.memory_space<semaphore_mem>>) src(%arg11 : memref<6400xf32, #tpu.memory_space<vmem>>) dst(%dma_wait3A_177 : memref<6400xf32, #tpu.memory_space<hbm>>)
    %dma_wait3A_178 = arith.constant 0 : i32
    %dma_wait3A_179 = tpu.memref_slice %arg4[%dma_wait3A_178] : memref<104857600xf32, #tpu.memory_space<hbm>> -> memref<6400xf32, #tpu.memory_space<hbm>>
    %dma_wait3A_180 = arith.constant 0 : i32
    %dma_wait3A_181 = tpu.memref_slice %arg4[%dma_wait3A_180] : memref<104857600xf32, #tpu.memory_space<hbm>> -> memref<6400xf32, #tpu.memory_space<hbm>>
    tpu.wait_dma2 semaphore(%arg20 : memref<!tpu.dma_semaphore, #tpu.memory_space<semaphore_mem>>) src(%arg12 : memref<6400xf32, #tpu.memory_space<vmem>>) dst(%dma_wait3A_181 : memref<6400xf32, #tpu.memory_space<hbm>>)
    %dma_wait3A_182 = arith.constant 0 : i32
    %dma_wait3A_183 = tpu.memref_slice %arg4[%dma_wait3A_182] : memref<104857600xf32, #tpu.memory_space<hbm>> -> memref<6400xf32, #tpu.memory_space<hbm>>
    %dma_wait3A_184 = arith.constant 0 : i32
    %dma_wait3A_185 = tpu.memref_slice %arg4[%dma_wait3A_184] : memref<104857600xf32, #tpu.memory_space<hbm>> -> memref<6400xf32, #tpu.memory_space<hbm>>
    tpu.wait_dma2 semaphore(%arg21 : memref<!tpu.dma_semaphore, #tpu.memory_space<semaphore_mem>>) src(%arg13 : memref<6400xf32, #tpu.memory_space<vmem>>) dst(%dma_wait3A_185 : memref<6400xf32, #tpu.memory_space<hbm>>)
    return
  }
}

module attributes {stable_mosaic.version = 14 : i64} {
  func.func @_tc_body(%arg0: i32, %arg1: i32, %arg2: memref<128x40x128xf32, #tpu.memory_space<vmem>>, %arg3: memref<40x128xf32, #tpu.memory_space<vmem>>, %arg4: memref<4096x200x128xf32, #tpu.memory_space<any>>, %arg5: memref<128x40x128xf32, #tpu.memory_space<vmem>>) attributes {dimension_semantics = [#tpu.dimension_semantics<arbitrary>, #tpu.dimension_semantics<arbitrary>], iteration_bounds = array<i64: 16, 5>, scalar_prefetch = 0 : i64, scratch_operands = 0 : i64, tpu.core_type = #tpu.core_type<tc>, window_params = [{transform_indices = @transform_0, window_bounds = array<i64: 128, 40, 128>}, {transform_indices = @transform_1, window_bounds = array<i64: 40, 128>}, {}, {transform_indices = @transform_3, window_bounds = array<i64: 128, 40, 128>}]} {
    %get3A = arith.constant 0 : index
    %get3A_0 = arith.constant 0 : index
    %get3A_1 = arith.constant 0 : index
    %get3A_2 = vector.load %arg2[%get3A, %get3A_0, %get3A_1] : memref<128x40x128xf32, #tpu.memory_space<vmem>>, vector<128x40x128xf32>
    %get3A_3 = arith.constant 0 : index
    %get3A_4 = arith.constant 0 : index
    %get3A_5 = vector.load %arg3[%get3A_3, %get3A_4] : memref<40x128xf32, #tpu.memory_space<vmem>>, vector<40x128xf32>
    %broadcast_in_dim3A = vector.shape_cast %get3A_5 : vector<40x128xf32> to vector<1x40x128xf32>
    %add3A = vector.broadcast %broadcast_in_dim3A : vector<1x40x128xf32> to vector<128x40x128xf32>
    %add3A_6 = arith.addf %get3A_2, %add3A : vector<128x40x128xf32>
    %swap3A = arith.constant 0 : index
    %swap3A_7 = arith.constant 0 : index
    %swap3A_8 = arith.constant 0 : index
    %swap3A_9 = vector.load %arg5[%swap3A, %swap3A_7, %swap3A_8] : memref<128x40x128xf32, #tpu.memory_space<vmem>>, vector<128x40x128xf32>
    tpu.vector_store %arg5[%swap3A, %swap3A_7, %swap3A_8], %add3A_6 {strides = array<i32>} : memref<128x40x128xf32, #tpu.memory_space<vmem>>, vector<128x40x128xf32>,
    return
  }
  func.func @transform_0(%arg0: i32, %arg1: i32) -> (i32, i32, i32) {
    %c0_i32 = arith.constant 0 : i32
    %c0_i32_0 = arith.constant 0 : i32
    return %arg0, %arg1, %c0_i32 : i32, i32, i32
  }
  func.func @transform_1(%arg0: i32, %arg1: i32) -> (i32, i32) {
    %c0_i32 = arith.constant 0 : i32
    %c0_i32_0 = arith.constant 0 : i32
    return %arg1, %c0_i32 : i32, i32
  }
  func.func @transform_3(%arg0: i32, %arg1: i32) -> (i32, i32, i32) {
    %c0_i32 = arith.constant 0 : i32
    %c0_i32_0 = arith.constant 0 : i32
    return %arg0, %arg1, %c0_i32 : i32, i32, i32
  }
}

</mosaic_0001>

<sc_bundles>
// kernel: kernel.4.cloned.1.call-start
scs
__scs_entry_jumppad:
0x0: {  	(pc) =	sbr.rel $0x88, $3  }
0x1: {  	(tag) =	ssettag $0x0;
	lr =	simm.s32 $0x1  }
0x2: {  	[smem:$0x3F9F] =	sst lr;
	_ =	strace $0xD0000000  }
0x3: {  	_ = 	snop  }
0x4: {  	_ = 	snop  }
0x5: {  	_ = 	snop  }
0x6: {  	_ = 	snop  }
0x7: {  	_ = 	snop  }
__scs_overlays_trampoline_lowered:
0x8: {  	[smem:$0x3FAE] =	sst s0  }
0x9: {  	[smem:$0x3FAF] =	sst s1  }
0xa: {  	[smem:$0x3FB0] =	sst s2  }
0xb: {  	[smem:$0x3FB1] =	sst s3  }
0xc: {  	[smem:$0x3FB2] =	sst s4  }
0xd: {  	[smem:$0x3FB3] =	sst s5  }
0xe: {  	[smem:$0x3FB4] =	sst s6  }
0xf: {  	[smem:$0x3FB5] =	sst s7  }
0x10: {  	[smem:$0x3FB6] =	sst s8  }
0x11: {  	[smem:$0x3FB7] =	sst s9;
	s0 =	simm.s32 @!p0 $0x0  }
0x12: {  	s1 =	sld [smem:$0x3F9D];
	s0 =	simm.s32 @p0 $0x1  }
0x13: {  	[smem:$0x3FB8] =	sst s0;
	s0 =	simm.s32 @!p1 $0x0  }
0x14: {  	s2 =	sld [smem:$0x3F9C];
	s0 =	simm.s32 @p1 $0x1  }
0x15: {  	[smem:$0x3FB9] =	sst s0;
	s0 =	simm.s32 @!p2 $0x0  }
0x16: {  	s3 =	sld [smem:$0x3FDB];
	s0 =	simm.s32 @p2 $0x1  }
0x17: {  	s4 =	simm.s32 $0x1BF5;
	[smem:$0x3FBB] =	sst s0  }
0x18: {  	s0 =	sld [smem:$0x3F9E];
	_ =	swait.ge [sflag:s4], $0x0  }
0x19: {  	s7 =	sld [smem:$0x3F9F]  }
0x1a: {  	s8 =	sadd.s32 $0xFFFFE003, lr  }
0x1b: {  	s9 =	sadd.s32 $0xFFFFFEF7, lr;
	s5 =	simm.s32 $0xFFFFFFFF;
	p2 =	slt.u32 s8, $0xFFFFF086  }
0x1c: {  	p1 =	slt.u32 s9, $0xF7A;
	s5 =	simm.s32 @!p2 $0x0  }
0x1d: {  	s5 =	simm.s32 @p1 $0x1;
	p0 =	seq.s32 s7, s2  }
0x1e: {  	s7 =	smul.u32 @!p0 $0xF7A, s2;
	p2 =	seq.s32 @!p0 s5, $0x0  }
0x1f: {  	s9 =	smul.u32 $0xF7A, s1;
	s8 =	simm.s32 @!p0 $0x1BF5;
	p2 =	por !p2, p0  }
0x20: {  	[sflag:s8] =	ssyncset.s32 @!p0 $0xFFFFF086;
	s6 =	sadd.s32 @!p0 s3, s7;
	s7 =	simm.s32 @!p0 $0x108  }
0x21: {  	s3 =	sadd.s32 s3, s9;
	s6 =	sadd.s32 @!p0 $0x88, s6;
	s7 =	simm.s32 @p2 $0x1082  }
0x22: {  	[simem:s7], [sflag:s8] =	dma.local @!p0 [hbm:s6], $0xF7A  }
0x23: {  	s9 =	sor.u32 $0xD0000000, s2;
	s6 =	simm.s32 $0x108;
	_ =	swait.ge @!p0 [sflag:s8], $0x0  }
0x24: {  	s3 =	sadd.s32 $0x88, s3;
	s6 =	simm.s32 @!p1 $0x1082;
	[sflag:s4] =	ssyncset.s32 $0xFFFFF086  }
0x25: {  	[simem:s6], [sflag:s4] =	dma.local [hbm:s3], $0xF7A  }
0x26: {  	[smem:$0x3F9F] =	sst s1;
	(tag) =	ssettag s2;
	_ =	strace s9  }
0x27: {  	s1 =	sld [smem:$0x3FAF]  }
0x28: {  	s2 =	sld [smem:$0x3FB0]  }
0x29: {  	s4 =	sld [smem:$0x3FB2]  }
0x2a: {  	p0 =	seq.s32 s5, $0x0;
	s5 =	sld [smem:$0x3FB3]  }
0x2b: {  	s6 =	sld [smem:$0x3FB4]  }
0x2c: {  	s7 =	sld [smem:$0x3FB5]  }
0x2d: {  	s3 =	simm.s32 $0x108;
	s8 =	sld [smem:$0x3FB6]  }
0x2e: {  	s3 =	simm.s32 @!p0 $0x1082;
	s9 =	sld [smem:$0x3FB7]  }
0x2f: {  	lr =	sadd.s32 s0, s3;
	s0 =	sld [smem:$0x3FAE]  }
0x30: {  	s3 =	sld [smem:$0x3FB1]  }
0x31: {  	[smem:$0x3FBA] =	sst s10  }
0x32: {  	s10 =	sld [smem:$0x3FB8];
	_ =	sdelay $0x3  }
0x33: {  	p0 =	seq.s32 s10, $0x1;
	s10 =	sld [smem:$0x3FBA];
	_ =	sdelay $0x3  }
0x34: {  	[smem:$0x3FBA] =	sst s10  }
0x35: {  	s10 =	sld [smem:$0x3FB9];
	_ =	sdelay $0x3  }
0x36: {  	p1 =	seq.s32 s10, $0x1;
	s10 =	sld [smem:$0x3FBA];
	_ =	sdelay $0x3  }
0x37: {  	[smem:$0x3FBA] =	sst s10  }
0x38: {  	s10 =	sld [smem:$0x3FBB]  }
0x39: {  	_ = 	snop;
	(pc) =	sbr.ind lr, $3  }
0x3a: {  	_ = 	snop  }
0x3b: {  	_ = 	snop  }
0x3c: {  	p2 =	seq.s32 s10, $0x1;
	s10 =	sld [smem:$0x3FBA]  }
0x3d: {  	_ =	shalt  }
0x3e: {  	_ =	shalt  }
0x3f: {  	_ =	shalt  }
0x40: {  	_ =	shalt  }
0x41: {  	_ =	shalt  }
0x42: {  	_ =	shalt  }
0x43: {  	_ =	shalt  }
0x44: {  	_ =	shalt  }
0x45: {  	_ =	shalt  }
0x46: {  	_ =	shalt  }
0x47: {  	_ =	shalt  }
0x48: {  	_ =	shalt  }
0x49: {  	_ =	shalt  }
0x4a: {  	_ =	shalt  }
0x4b: {  	_ =	shalt  }
0x4c: {  	_ =	shalt  }
0x4d: {  	_ =	shalt  }
0x4e: {  	_ =	shalt  }
0x4f: {  	_ =	shalt  }
0x50: {  	_ =	shalt  }
0x51: {  	_ =	shalt  }
0x52: {  	_ =	shalt  }
0x53: {  	_ =	shalt  }
0x54: {  	_ =	shalt  }
0x55: {  	_ =	shalt  }
0x56: {  	_ =	shalt  }
0x57: {  	_ =	shalt  }
0x58: {  	_ =	shalt  }
0x59: {  	_ =	shalt  }
0x5a: {  	_ =	shalt  }
0x5b: {  	_ =	shalt  }
0x5c: {  	_ =	shalt  }
0x5d: {  	_ =	shalt  }
0x5e: {  	_ =	shalt  }
0x5f: {  	_ =	shalt  }
0x60: {  	_ =	shalt  }
0x61: {  	_ =	shalt  }
0x62: {  	_ =	shalt  }
0x63: {  	_ =	shalt  }
0x64: {  	_ =	shalt  }
0x65: {  	_ =	shalt  }
0x66: {  	_ =	shalt  }
0x67: {  	_ =	shalt  }
0x68: {  	_ =	shalt  }
0x69: {  	_ =	shalt  }
0x6a: {  	_ =	shalt  }
0x6b: {  	_ =	shalt  }
0x6c: {  	_ =	shalt  }
0x6d: {  	_ =	shalt  }
0x6e: {  	_ =	shalt  }
0x6f: {  	_ =	shalt  }
0x70: {  	_ =	shalt  }
0x71: {  	_ =	shalt  }
0x72: {  	_ =	shalt  }
0x73: {  	_ =	shalt  }
0x74: {  	_ =	shalt  }
0x75: {  	_ =	shalt  }
0x76: {  	_ =	shalt  }
0x77: {  	_ =	shalt  }
0x78: {  	_ =	shalt  }
0x79: {  	_ =	shalt  }
0x7a: {  	_ =	shalt  }
0x7b: {  	_ =	shalt  }
0x7c: {  	_ =	shalt  }
0x7d: {  	_ =	shalt  }
0x7e: {  	_ =	shalt  }
0x7f: {  	_ =	shalt  }
0x80: {  	_ =	shalt  }
0x81: {  	_ =	shalt  }
0x82: {  	_ =	shalt  }
0x83: {  	_ =	shalt  }
0x84: {  	_ =	shalt  }
0x85: {  	_ =	shalt  }
0x86: {  	_ =	shalt  }
0x87: {  	_ =	shalt  }
.Lfunc_end0:
.L_simem_size_0:
called_computation_lowered:
.L_overlay_start_0:
0x88: {  	s2 =	sld [smem:$0x3FD9]  }
0x89: {  	s3 =	sld [smem:$0x3FFE];
	_ =	sdelay $0x1  }
0x8a: {  	s1 =	srdreg.scid  }
0x8b: {  	s0 =	sand.u32 $0x1, s1  }
0x8c: {  	s18 =	sshll.u32 s0, $0xA;
	s2 =	sadd.s32 s3, s2  }
0x8d: {  	s2 =	sadd.s32 s2, s18  }
0x8e: {  	[smem:$0x3FC6] =	sst s2  }
0x8f: {  	_ = 	snop  }
0x90: {  	s2 =	sld [smem:$0x3FC9]  }
0x91: {  	s19 =	sld [smem:$0x3FC8]  }
0x92: {  	s4 =	sld [smem:$0x3FD0];
	(tm) =	ssettm $0x1  }
0x93: {  	s5 =	sld [smem:$0x3FFB];
	_ =	sdelay $0x3  }
0x94: {  	_ =	strace s5  }
0x95: {  	s5 =	sld [smem:$0x3FFC];
	_ =	sdelay $0x3  }
0x96: {  	_ =	strace s5  }
0x97: {  	s5 =	sld [smem:$0x3FFD];
	_ =	sdelay $0x3  }
0x98: {  	_ =	strace s5  }
0x99: {  	_ =	strace $0x8FFFFFFF  }
0x9a: {  	s20 =	sld [smem:$0x3FDB];
	_ =	sdelay $0x1  }
0x9b: {  	s6 =	simm.s32 $_scs_section_size  }
0x9c: {  	s7 =	simm.s32 $_size__tile_overlayer_lowered;
	s8 =	simm.s32 $_tile_overlayer_lowered  }
0x9d: {  	s23 =	simm.s32 $0x1BFF;
	s22 =	sshll.u32 s8, $0x1;
	s5 =	sadd.s32 s6, s20  }
0x9e: {  	s9 =	simm.s32 $0x0;
	s21 =	sshll.u32 s7, $0x1;
	s7 =	sadd.s32 s22, s5  }
0x9f: {  	[timem:s9], [sflag:s23] =	dma.local [hbm:s7], s21  }
0xa0: {  	_ =	swait.ge [sflag:s23], s21  }
0xa1: {  	s6 =	ssub.s32 $0x0, s21;
	[sflag:s23] =	ssyncset.done $0x0  }
0xa2: {  	[sflag:s23] =	ssyncadd.s32 s6;
	_ =	sdelay $0x1  }
0xa3: {  	s24 =	simm.s32 $0x1B8B  }
0xa4: {  	_ =	swait.ge [sflag:s24], $0x1  }
0xa5: {  	[sflag:s24] =	ssyncset.done $0x0  }
0xa6: {  	s25 =	simm.s32 $0x1B8E;
	[sflag:s24] =	ssyncadd.s32 $0xFFFFFFFF  }
0xa7: {  	s26 =	simm.s32 $execute0_lowered;
	[smem:$0x3FD2] =	sst s25  }
0xa8: {  	s6 =	sshll.u32 s26, $0x1;
	_ =	strace $0x80000046;
	[dreg:$0x1] =	wrdreg $0xFFFFFFFF  }
0xa9: {  	s28 =	simm.s32 $_size_execute0_lowered;
	s5 =	sadd.s32 s5, s6;
	[dreg:$0x0] =	wrdreg $0x0  }
0xaa: {  	s6 =	sshll.u32 s28, $0x1;
	[dreg:$0x2] =	wrdreg s5  }
0xab: {  	[dreg:$0x3] =	wrdreg s6  }
0xac: {  	[dreg:$0x4] =	wrdreg $0xC0  }
0xad: {  	_ =	task [dreg:s9], $0x5FFFF  }
0xae: {  	[dreg:$0x1] =	wrdreg $0xFFFFFFFF  }
0xaf: {  	[dreg:$0x0] =	wrdreg $0x60  }
0xb0: {  	[dreg:$0x2] =	wrdreg s2  }
0xb1: {  	[dreg:$0x3] =	wrdreg s19  }
0xb2: {  	[dreg:$0x4] =	wrdreg s4  }
0xb3: {  	[dreg:$0x5] =	wrdreg $0x9  }
0xb4: {  	_ =	task.clear_ibuf [dreg:s9], $0x6FFFF;
	_ =	strace $0x90000046  }
0xb5: {  	s29 =	simm.s32 $0x9;
	_ =	strace $0x80000048  }
0xb6: {  	_ =	swait.ge [sflag:s29], $0x1  }
0xb7: {  	[sflag:s29] =	ssyncadd.s32 $0xFFFFFFFF  }
0xb8: {  	_ =	strace $0x90000048  }
0xb9: {  	_ =	sfence  }
0xba: {  	s30 =	sld [smem:$0x0];
	_ =	sdelay $0x2  }
0xbb: {  	s31 =	sshll.u32 s1, $0xD;
	s1 =	sshrl.u32 s1, $0x2  }
0xbc: {  	s3 =	sand.u32 $0x4000, s31;
	s1 =	sadd.s32 s1, s30  }
0xbd: {  	s0 =	sor.u32 s3, s0;
	s1 =	sshll.u32 s1, $0x11  }
0xbe: {  	s0 =	sor.u32 s1, s0  }
0xbf: {  	s0 =	sadd.s32 $0x8F2B, s0  }
0xc0: {  	[sflag:s0] =	ssyncadd.remote.s32 $0x1  }
0xc1: {  	_ =	sfence.sel $0xFFFF  }
0xc2: {  	[dreg:$0x0] =	wrdreg $0xFFFFFFFF;
	(pc) =	sbr.abs _section_cstart, $3  }
0xc3: {  	[dreg:$0x1] =	wrdreg $0xFFFFFFFF  }
0xc4: {  	_ =	task.clear_ibuf [dreg:s9], $0x2FFFF;
	_ =	strace $0x9FFFFFFF  }
0xc5: {  	(tm) =	ssettm $0x7FFFFFFF  }
tec
execute0_lowered:
.L_overlay_start_1:
0x0: {  	(tag) =	ssettag $0x1  }
0x1: {  	s0 =	srdreg.scid  }
0x2: {  	s2 =	stileid.u32;
	s0 =	sand.u32 $0x1, s0  }
0x3: {  	s1 =	rddreg [dreg:$0x0];
	s2 =	sshll.u32 s2, $0x7;
	s3 =	sshll.u32 s0, $0x6  }
0x4: {  	s4 =	rddreg [dreg:$0x2];
	s2 =	sor.u32 s3, s2  }
0x5: {  	s5 =	simm.s32 $0x0;
	s0 =	ssub.s32 $0x2, s0;
	s2 =	smul.u32 $0x6400, s2  }
0x6: {  	s28 =	simm.s32 $0x8;
	[smem:$0x7FF] =	sst s5;
	s30 =	sshrl.u32 s0, $0x1  }
0x7: {  	_ =	strace $0x80000047;
	s0 =	ssub.s32 s0, s30;
	s7 =	sadd.s32 $0x3201900, s2  }
0x8: {  	s6 =	sadd.s32 $0x3200000, s2;
	s8 =	sadd.s32 $0x3203200, s2;
	s12 =	sadd.s32 $0x3204B00, s2  }
0x9: {  	s0 =	smax.u32 s0, $0x1;
	s16 =	sadd.s32 $0x3207D00, s2;
	s17 =	sadd.s32 $0x3209600, s2  }
0xa: {  	[dreg:$0x14] =	wrdreg s0;
	s31 =	sshrl.u32 s6, $0x3;
	s9 =	sshrl.u32 s7, $0x3  }
0xb: {  	s14 =	sshrl.u32 s8, $0x3;
	s15 =	sshrl.u32 s12, $0x3;
	s10 =	sadd.s32 s1, s31  }
0xc: {  	s20 =	sshrl.u32 s16, $0x3;
	s13 =	sadd.s32 s1, s9;
	[dreg:$0x4] =	wrdreg s10  }
0xd: {  	s21 =	sshrl.u32 s17, $0x3;
	s11 =	sadd.s32 s1, s14;
	[dreg:$0x5] =	wrdreg s13  }
0xe: {  	s3 =	sadd.s32 s4, s31;
	s19 =	sadd.s32 s4, s9;
	[dreg:$0x6] =	wrdreg s11  }
0xf: {  	s22 =	sadd.s32 s4, s14;
	s23 =	sadd.s32 s1, s21;
	[dreg:$0x7] =	wrdreg s3  }
0x10: {  	s24 =	sadd.s32 s1, s15;
	s25 =	sadd.s32 s4, s15;
	[dreg:$0x9] =	wrdreg s19  }
0x11: {  	s9 =	simm.s32 $0x9600;
	s14 =	simm.s32 $0xC800;
	[dreg:$0xb] =	wrdreg s22  }
0x12: {  	s15 =	simm.s32 $0x2;
	s21 =	simm.s32 $0x4;
	[dreg:$0xc] =	wrdreg s23  }
0x13: {  	s13 =	sadd.s32 $0x3206400, s2;
	s22 =	sadd.s32 $0x320AF00, s2;
	[dreg:$0xd] =	wrdreg s24  }
0x14: {  	s2 =	sshrl.u32 s2, $0x3;
	[dreg:$0xe] =	wrdreg s25;
	s10 =	simm.s32 $0xAF00  }
0x15: {  	s11 =	simm.s32 $0x1;
	s19 =	simm.s32 $0x3;
	s18 =	sshrl.u32 s13, $0x3  }
0x16: {  	s23 =	simm.s32 $0x11300;
	s2 =	sadd.s32 s4, s2;
	s3 =	sadd.s32 s1, s18  }
0x17: {  	s24 =	simm.s32 $0x5;
	s29 =	sadd.s32 $0x671380, s2;
	[dreg:$0x8] =	wrdreg s3  }
0x18: {  	s25 =	simm.s32 $0x6;
	s30 =	sadd.s32 $0x6716A0, s2;
	[dreg:$0x10] =	wrdreg s29  }
0x19: {  	s26 =	sshrl.u32 s22, $0x3;
	s31 =	sadd.s32 $0x6719C0, s2;
	[dreg:$0x11] =	wrdreg s30  }
0x1a: {  	s2 =	sadd.s32 $0x671CE0, s2;
	s18 =	simm.s32 $0xE100;
	[dreg:$0x12] =	wrdreg s31  }
0x1b: {  	s3 =	sadd.s32 s1, s20;
	[dreg:$0x13] =	wrdreg s2;
	s20 =	simm.s32 $0xFA00  }
0x1c: {  	s2 =	simm.s32 $0x0;
	[dreg:$0xa] =	wrdreg s3;
	s3 =	sadd.s32 s1, s26  }
0x1d: {  	s26 =	simm.s32 $0x7;
	[dreg:$0xf] =	wrdreg s3;
	s3 =	simm.s32 $0x7D00  }
.LBB2_1:
0x1e: {  	[dreg:$0x15] =	wrdreg s2  }
0x1f: {  	s0 =	rddreg [dreg:$0x1];
	s31 =	simm.s32 $0x9  }
0x20: {  	[tilespmem:s5], [sflag:$0x9] =	stream.linear.gather [hbm4b:s0+s5], $0x6400, $0x38;
	[tilespmem:$0x12C00] =	vst v63  }
0x21: {  	_ =	swait.ge [sflag:s31], $0x6400  }
0x22: {  	[sflag:s31] =	ssyncset.done $0x0  }
0x23: {  	s2 =	rddreg [dreg:$0x4];
	[sflag:s31] =	ssyncadd.s32 $0xFFFF9C00;
	s31 =	simm.s32 $0x6400  }
0x24: {  	[tilespmem:s31], [sflag:$0x1] =	stream.linear.gather [hbm4b:s2+s5], $0x1900, $0x38;
	[tilespmem:$0x12C00] =	vst v63  }
0x25: {  	s31 =	rddreg [dreg:$0x5]  }
0x26: {  	[tilespmem:s3], [sflag:$0x2] =	stream.linear.gather [hbm4b:s31+s5], $0x1900, $0x38;
	[tilespmem:$0x12C00] =	vst v63  }
0x27: {  	s2 =	rddreg [dreg:$0x6]  }
0x28: {  	[tilespmem:s9], [sflag:$0x3] =	stream.linear.gather [hbm4b:s2+s5], $0x1900, $0x38;
	[tilespmem:$0x12C00] =	vst v63  }
0x29: {  	s31 =	rddreg [dreg:$0xd]  }
0x2a: {  	[tilespmem:s10], [sflag:$0x4] =	stream.linear.gather [hbm4b:s31+s5], $0x1900, $0x38;
	[tilespmem:$0x12C00] =	vst v63  }
0x2b: {  	_ =	swait.ge [sflag:s11], $0x1900  }
0x2c: {  	[sflag:s11] =	ssyncset.done $0x0  }
0x2d: {  	s30 =	simm.s32 $0x0;
	[sflag:s11] =	ssyncadd.s32 $0xFFFFE700  }
0x2e: {  	v0 =	vld [tilespmem:s30+$0x6470]  }
0x2f: {  	v1 =	vld [tilespmem:s30+$0x70]  }
0x30: {  	v2 =	vld [tilespmem:s30+$0x6400]  }
0x31: {  	v3 =	vld [tilespmem:s30+$0x0]  }
0x32: {  	v4 =	vld [tilespmem:s30+$0x6410]  }
0x33: {  	v5 =	vld [tilespmem:s30+$0x10]  }
0x34: {  	v6 =	vld [tilespmem:s30+$0x6420]  }
0x35: {  	v7 =	vld [tilespmem:s30+$0x6430]  }
0x36: {  	v0 =	vadd.f32 v1, v0;
	v1 =	vld [tilespmem:s30+$0x20]  }
0x37: {  	v8 =	vld [tilespmem:s30+$0x30]  }
0x38: {  	v9 =	vld [tilespmem:s30+$0x40];
	v2 =	vadd.f32 v3, v2  }
0x39: {  	[tilespmem:s30+$0xC870] =	vst v0;
	v0 =	vadd.f32 v5, v4;
	v5 =	vld [tilespmem:s30+$0x6440]  }
0x3a: {  	v3 =	vld [tilespmem:s30+$0x50];
	[tilespmem:s30+$0xC800] =	vst v2  }
0x3b: {  	v2 =	vld [tilespmem:s30+$0x6450];
	[tilespmem:s30+$0xC810] =	vst v0;
	v0 =	vadd.f32 v1, v6  }
0x3c: {  	v4 =	vld [tilespmem:s30+$0x60];
	v6 =	vadd.f32 v8, v7  }
0x3d: {  	s2 =	simm.s32 $0x80;
	[tilespmem:s30+$0xC820] =	vst v0;
	v0 =	vld [tilespmem:s30+$0x6460]  }
0x3e: {  	s29 =	simm.s32 $0x400;
	v5 =	vadd.f32 v9, v5;
	v1 =	vld [tilespmem:s2+$0x6470];
	[tilespmem:s30+$0xC830] =	vst v6  }
.LBB2_2:
0x3f: {  	p0 =	sne.s32 s29, $0x6200;
	v6 =	vld [tilespmem:s2+$0x70]  }
0x40: {  	v7 =	vld [tilespmem:s2+$0x6400];
	[tilespmem:s30+$0xC840] =	vst v5;
	v2 =	vadd.f32 v3, v2  }
0x41: {  	v3 =	vld [tilespmem:s2+$0x0]  }
0x42: {  	v5 =	vld [tilespmem:s2+$0x6410];
	[tilespmem:s30+$0xC850] =	vst v2;
	v0 =	vadd.f32 v4, v0  }
0x43: {  	v2 =	vld [tilespmem:s2+$0x10]  }
0x44: {  	v4 =	vld [tilespmem:s2+$0x6420];
	v1 =	vadd.f32 v6, v1;
	[tilespmem:s30+$0xC860] =	vst v0;
	s30 =	smov.u32 s2  }
0x45: {  	v0 =	vld [tilespmem:s30+$0x20]  }
0x46: {  	v3 =	vadd.f32 v3, v7;
	v6 =	vld [tilespmem:s30+$0x6430];
	[tilespmem:s30+$0xC870] =	vst v1  }
0x47: {  	v1 =	vld [tilespmem:s30+$0x30]  }
0x48: {  	[tilespmem:s30+$0xC800] =	vst v3;
	v2 =	vadd.f32 v2, v5;
	v5 =	vld [tilespmem:s30+$0x6440]  }
0x49: {  	v7 =	vld [tilespmem:s30+$0x40]  }
.Ltmp0:
0x4a: {  	[tilespmem:s30+$0xC810] =	vst v2;
	v0 =	vadd.f32 v0, v4;
	v2 =	vld [tilespmem:s30+$0x6450];
	(pc) =	sbr.rel @p0 .LBB2_2-.Ltmp0, $4  }
0x4b: {  	v3 =	vld [tilespmem:s30+$0x50]  }
0x4c: {  	[tilespmem:s30+$0xC820] =	vst v0;
	v6 =	vadd.f32 v1, v6;
	v0 =	vld [tilespmem:s30+$0x6460]  }
0x4d: {  	s2 =	sshra.s32 s29, $0x2;
	v4 =	vld [tilespmem:s30+$0x60]  }
0x4e: {  	s29 =	sadd.s32 $0x200, s29;
	v1 =	vld [tilespmem:s2+$0x6470];
	[tilespmem:s30+$0xC830] =	vst v6;
	v5 =	vadd.f32 v7, v5  }
0x4f: {  	v6 =	vld [tilespmem:s2+$0x70]  }
0x50: {  	v7 =	vld [tilespmem:s2+$0x6400];
	[tilespmem:s30+$0xC840] =	vst v5;
	v2 =	vadd.f32 v3, v2  }
0x51: {  	v3 =	vld [tilespmem:s2+$0x0]  }
0x52: {  	v5 =	vld [tilespmem:s2+$0x6410];
	[tilespmem:s30+$0xC850] =	vst v2;
	v0 =	vadd.f32 v4, v0  }
0x53: {  	v2 =	vld [tilespmem:s2+$0x10]  }
0x54: {  	v4 =	vld [tilespmem:s2+$0x6420];
	[tilespmem:s30+$0xC860] =	vst v0  }
0x55: {  	v0 =	vadd.f32 v6, v1;
	v1 =	vld [tilespmem:s2+$0x20]  }
0x56: {  	v6 =	vld [tilespmem:s2+$0x6430]  }
0x57: {  	v3 =	vadd.f32 v3, v7;
	[tilespmem:s2+$0xC870] =	vst v0;
	v0 =	vld [tilespmem:s2+$0x30]  }
0x58: {  	v7 =	vld [tilespmem:s2+$0x60]  }
0x59: {  	[tilespmem:s2+$0xC800] =	vst v3;
	v2 =	vadd.f32 v2, v5;
	v3 =	vld [tilespmem:s2+$0x6440]  }
0x5a: {  	v5 =	vld [tilespmem:s2+$0x40]  }
0x5b: {  	[tilespmem:s2+$0xC810] =	vst v2;
	v1 =	vadd.f32 v1, v4;
	v2 =	vld [tilespmem:s2+$0x6450]  }
0x5c: {  	v4 =	vld [tilespmem:s2+$0x50]  }
0x5d: {  	[tilespmem:s2+$0xC820] =	vst v1;
	v1 =	vld [tilespmem:s2+$0x6460];
	_ =	sdelay $0x1  }
0x5e: {  	v0 =	vadd.f32 v0, v6  }
0x5f: {  	v3 =	vadd.f32 v5, v3  }
0x60: {  	[tilespmem:s2+$0xC830] =	vst v0;
	v0 =	vadd.f32 v4, v2  }
0x61: {  	[tilespmem:s2+$0xC840] =	vst v3;
	v1 =	vadd.f32 v7, v1  }
0x62: {  	[tilespmem:s2+$0xC850] =	vst v0  }
0x63: {  	s0 =	simm.s32 $0x0;
	s31 =	rddreg [dreg:$0x7];
	[tilespmem:s2+$0xC860] =	vst v1  }
0x64: {  	[hbm4b:s31+s0] =	stream.linear.scatter [tilespmem:s14], [sflag:$0x5], $0x1900, $0x38;
	[tilespmem:$0x12C00] =	vst v63  }
0x65: {  	s29 =	simm.s32 $0x6400;
	s31 =	rddreg [dreg:$0x8]  }
0x66: {  	[tilespmem:s29], [sflag:$0x1] =	stream.linear.gather [hbm4b:s31+s0], $0x1900, $0x38;
	[tilespmem:$0x12C00] =	vst v63  }
0x67: {  	_ =	swait.ge [sflag:s15], $0x1900  }
0x68: {  	[sflag:s15] =	ssyncset.done $0x0  }
0x69: {  	s30 =	simm.s32 $0x0;
	[sflag:s15] =	ssyncadd.s32 $0xFFFFE700  }
0x6a: {  	v0 =	vld [tilespmem:s30+$0x7D70]  }
0x6b: {  	v1 =	vld [tilespmem:s30+$0x1970]  }
0x6c: {  	v2 =	vld [tilespmem:s30+$0x7D00]  }
0x6d: {  	v3 =	vld [tilespmem:s30+$0x1900]  }
0x6e: {  	v4 =	vld [tilespmem:s30+$0x7D10]  }
0x6f: {  	v5 =	vld [tilespmem:s30+$0x1910]  }
0x70: {  	v6 =	vld [tilespmem:s30+$0x7D20]  }
0x71: {  	v7 =	vld [tilespmem:s30+$0x7D30]  }
0x72: {  	v0 =	vadd.f32 v1, v0;
	v1 =	vld [tilespmem:s30+$0x1920]  }
0x73: {  	v8 =	vld [tilespmem:s30+$0x1930]  }
0x74: {  	v9 =	vld [tilespmem:s30+$0x1940];
	v2 =	vadd.f32 v3, v2  }
0x75: {  	[tilespmem:s30+$0xE170] =	vst v0;
	v0 =	vadd.f32 v5, v4;
	v5 =	vld [tilespmem:s30+$0x7D40]  }
0x76: {  	v3 =	vld [tilespmem:s30+$0x1950];
	[tilespmem:s30+$0xE100] =	vst v2  }
0x77: {  	v2 =	vld [tilespmem:s30+$0x7D50];
	[tilespmem:s30+$0xE110] =	vst v0;
	v0 =	vadd.f32 v1, v6  }
0x78: {  	v4 =	vld [tilespmem:s30+$0x1960];
	v6 =	vadd.f32 v8, v7  }
0x79: {  	s2 =	simm.s32 $0x80;
	[tilespmem:s30+$0xE120] =	vst v0;
	v0 =	vld [tilespmem:s30+$0x7D60]  }
0x7a: {  	s29 =	simm.s32 $0x400;
	v5 =	vadd.f32 v9, v5;
	v1 =	vld [tilespmem:s2+$0x7D70];
	[tilespmem:s30+$0xE130] =	vst v6  }
.LBB2_4:
0x7b: {  	p0 =	sne.s32 s29, $0x6200;
	v6 =	vld [tilespmem:s2+$0x1970]  }
0x7c: {  	v7 =	vld [tilespmem:s2+$0x7D00];
	[tilespmem:s30+$0xE140] =	vst v5;
	v2 =	vadd.f32 v3, v2  }
0x7d: {  	v3 =	vld [tilespmem:s2+$0x1900]  }
0x7e: {  	v5 =	vld [tilespmem:s2+$0x7D10];
	[tilespmem:s30+$0xE150] =	vst v2;
	v0 =	vadd.f32 v4, v0  }
0x7f: {  	v2 =	vld [tilespmem:s2+$0x1910]  }
0x80: {  	v4 =	vld [tilespmem:s2+$0x7D20];
	v1 =	vadd.f32 v6, v1;
	[tilespmem:s30+$0xE160] =	vst v0;
	s30 =	smov.u32 s2  }
0x81: {  	v0 =	vld [tilespmem:s30+$0x1920]  }
0x82: {  	v3 =	vadd.f32 v3, v7;
	v6 =	vld [tilespmem:s30+$0x7D30];
	[tilespmem:s30+$0xE170] =	vst v1  }
0x83: {  	v1 =	vld [tilespmem:s30+$0x1930]  }
0x84: {  	[tilespmem:s30+$0xE100] =	vst v3;
	v2 =	vadd.f32 v2, v5;
	v5 =	vld [tilespmem:s30+$0x7D40]  }
0x85: {  	v7 =	vld [tilespmem:s30+$0x1940]  }
.Ltmp1:
0x86: {  	[tilespmem:s30+$0xE110] =	vst v2;
	v0 =	vadd.f32 v0, v4;
	v2 =	vld [tilespmem:s30+$0x7D50];
	(pc) =	sbr.rel @p0 .LBB2_4-.Ltmp1, $4  }
0x87: {  	v3 =	vld [tilespmem:s30+$0x1950]  }
0x88: {  	[tilespmem:s30+$0xE120] =	vst v0;
	v6 =	vadd.f32 v1, v6;
	v0 =	vld [tilespmem:s30+$0x7D60]  }
0x89: {  	s2 =	sshra.s32 s29, $0x2;
	v4 =	vld [tilespmem:s30+$0x1960]  }
0x8a: {  	s29 =	sadd.s32 $0x200, s29;
	v1 =	vld [tilespmem:s2+$0x7D70];
	[tilespmem:s30+$0xE130] =	vst v6;
	v5 =	vadd.f32 v7, v5  }
0x8b: {  	v6 =	vld [tilespmem:s2+$0x1970]  }
0x8c: {  	v7 =	vld [tilespmem:s2+$0x7D00];
	[tilespmem:s30+$0xE140] =	vst v5;
	v2 =	vadd.f32 v3, v2  }
0x8d: {  	v3 =	vld [tilespmem:s2+$0x1900]  }
0x8e: {  	v5 =	vld [tilespmem:s2+$0x7D10];
	[tilespmem:s30+$0xE150] =	vst v2;
	v0 =	vadd.f32 v4, v0  }
0x8f: {  	v2 =	vld [tilespmem:s2+$0x1910]  }
0x90: {  	v4 =	vld [tilespmem:s2+$0x7D20];
	[tilespmem:s30+$0xE160] =	vst v0  }
0x91: {  	v0 =	vadd.f32 v6, v1;
	v1 =	vld [tilespmem:s2+$0x1920]  }
0x92: {  	v6 =	vld [tilespmem:s2+$0x7D30]  }
0x93: {  	v3 =	vadd.f32 v3, v7;
	[tilespmem:s2+$0xE170] =	vst v0;
	v0 =	vld [tilespmem:s2+$0x1930]  }
0x94: {  	v7 =	vld [tilespmem:s2+$0x1960]  }
0x95: {  	[tilespmem:s2+$0xE100] =	vst v3;
	v2 =	vadd.f32 v2, v5;
	v3 =	vld [tilespmem:s2+$0x7D40]  }
0x96: {  	v5 =	vld [tilespmem:s2+$0x1940]  }
0x97: {  	[tilespmem:s2+$0xE110] =	vst v2;
	v1 =	vadd.f32 v1, v4;
	v2 =	vld [tilespmem:s2+$0x7D50]  }
0x98: {  	v4 =	vld [tilespmem:s2+$0x1950]  }
0x99: {  	[tilespmem:s2+$0xE120] =	vst v1;
	v1 =	vld [tilespmem:s2+$0x7D60];
	_ =	sdelay $0x1  }
0x9a: {  	v0 =	vadd.f32 v0, v6  }
0x9b: {  	v3 =	vadd.f32 v5, v3  }
0x9c: {  	[tilespmem:s2+$0xE130] =	vst v0;
	v0 =	vadd.f32 v4, v2  }
0x9d: {  	[tilespmem:s2+$0xE140] =	vst v3;
	v1 =	vadd.f32 v7, v1  }
0x9e: {  	[tilespmem:s2+$0xE150] =	vst v0  }
0x9f: {  	s0 =	simm.s32 $0x0;
	s31 =	rddreg [dreg:$0x9];
	[tilespmem:s2+$0xE160] =	vst v1  }
0xa0: {  	[hbm4b:s31+s0] =	stream.linear.scatter [tilespmem:s18], [sflag:$0x6], $0x1900, $0x38;
	[tilespmem:$0x12C00] =	vst v63  }
0xa1: {  	s31 =	rddreg [dreg:$0xa]  }
0xa2: {  	[tilespmem:s3], [sflag:$0x2] =	stream.linear.gather [hbm4b:s31+s0], $0x1900, $0x38;
	[tilespmem:$0x12C00] =	vst v63  }
0xa3: {  	_ =	swait.ge [sflag:s19], $0x1900  }
0xa4: {  	[sflag:s19] =	ssyncset.done $0x0  }
0xa5: {  	s30 =	simm.s32 $0x0;
	[sflag:s19] =	ssyncadd.s32 $0xFFFFE700  }
0xa6: {  	v0 =	vld [tilespmem:s30+$0x9670]  }
0xa7: {  	v1 =	vld [tilespmem:s30+$0x3270]  }
0xa8: {  	v2 =	vld [tilespmem:s30+$0x9600]  }
0xa9: {  	v3 =	vld [tilespmem:s30+$0x3200]  }
0xaa: {  	v4 =	vld [tilespmem:s30+$0x9610]  }
0xab: {  	v5 =	vld [tilespmem:s30+$0x3210]  }
0xac: {  	v6 =	vld [tilespmem:s30+$0x9620]  }
0xad: {  	v7 =	vld [tilespmem:s30+$0x9630]  }
0xae: {  	v0 =	vadd.f32 v1, v0;
	v1 =	vld [tilespmem:s30+$0x3220]  }
0xaf: {  	v8 =	vld [tilespmem:s30+$0x3230]  }
0xb0: {  	v9 =	vld [tilespmem:s30+$0x3240];
	v2 =	vadd.f32 v3, v2  }
0xb1: {  	[tilespmem:s30+$0xFA70] =	vst v0;
	v0 =	vadd.f32 v5, v4;
	v5 =	vld [tilespmem:s30+$0x9640]  }
0xb2: {  	v3 =	vld [tilespmem:s30+$0x3250];
	[tilespmem:s30+$0xFA00] =	vst v2  }
0xb3: {  	v2 =	vld [tilespmem:s30+$0x9650];
	[tilespmem:s30+$0xFA10] =	vst v0;
	v0 =	vadd.f32 v1, v6  }
0xb4: {  	v4 =	vld [tilespmem:s30+$0x3260];
	v6 =	vadd.f32 v8, v7  }
0xb5: {  	s2 =	simm.s32 $0x80;
	[tilespmem:s30+$0xFA20] =	vst v0;
	v0 =	vld [tilespmem:s30+$0x9660]  }
0xb6: {  	s29 =	simm.s32 $0x400;
	v5 =	vadd.f32 v9, v5;
	v1 =	vld [tilespmem:s2+$0x9670];
	[tilespmem:s30+$0xFA30] =	vst v6  }
.LBB2_6:
0xb7: {  	p0 =	sne.s32 s29, $0x6200;
	v6 =	vld [tilespmem:s2+$0x3270]  }
0xb8: {  	v7 =	vld [tilespmem:s2+$0x9600];
	[tilespmem:s30+$0xFA40] =	vst v5;
	v2 =	vadd.f32 v3, v2  }
0xb9: {  	v3 =	vld [tilespmem:s2+$0x3200]  }
0xba: {  	v5 =	vld [tilespmem:s2+$0x9610];
	[tilespmem:s30+$0xFA50] =	vst v2;
	v0 =	vadd.f32 v4, v0  }
0xbb: {  	v2 =	vld [tilespmem:s2+$0x3210]  }
0xbc: {  	v4 =	vld [tilespmem:s2+$0x9620];
	v1 =	vadd.f32 v6, v1;
	[tilespmem:s30+$0xFA60] =	vst v0;
	s30 =	smov.u32 s2  }
0xbd: {  	v0 =	vld [tilespmem:s30+$0x3220]  }
0xbe: {  	v3 =	vadd.f32 v3, v7;
	v6 =	vld [tilespmem:s30+$0x9630];
	[tilespmem:s30+$0xFA70] =	vst v1  }
0xbf: {  	v1 =	vld [tilespmem:s30+$0x3230]  }
0xc0: {  	[tilespmem:s30+$0xFA00] =	vst v3;
	v2 =	vadd.f32 v2, v5;
	v5 =	vld [tilespmem:s30+$0x9640]  }
0xc1: {  	v7 =	vld [tilespmem:s30+$0x3240]  }
.Ltmp2:
0xc2: {  	[tilespmem:s30+$0xFA10] =	vst v2;
	v0 =	vadd.f32 v0, v4;
	v2 =	vld [tilespmem:s30+$0x9650];
	(pc) =	sbr.rel @p0 .LBB2_6-.Ltmp2, $4  }
0xc3: {  	v3 =	vld [tilespmem:s30+$0x3250]  }
0xc4: {  	[tilespmem:s30+$0xFA20] =	vst v0;
	v6 =	vadd.f32 v1, v6;
	v0 =	vld [tilespmem:s30+$0x9660]  }
0xc5: {  	s2 =	sshra.s32 s29, $0x2;
	v4 =	vld [tilespmem:s30+$0x3260]  }
0xc6: {  	s29 =	sadd.s32 $0x200, s29;
	v1 =	vld [tilespmem:s2+$0x9670];
	[tilespmem:s30+$0xFA30] =	vst v6;
	v5 =	vadd.f32 v7, v5  }
0xc7: {  	v6 =	vld [tilespmem:s2+$0x3270]  }
0xc8: {  	v7 =	vld [tilespmem:s2+$0x9600];
	[tilespmem:s30+$0xFA40] =	vst v5;
	v2 =	vadd.f32 v3, v2  }
0xc9: {  	v3 =	vld [tilespmem:s2+$0x3200]  }
0xca: {  	v5 =	vld [tilespmem:s2+$0x9610];
	[tilespmem:s30+$0xFA50] =	vst v2;
	v0 =	vadd.f32 v4, v0  }
0xcb: {  	v2 =	vld [tilespmem:s2+$0x3210]  }
0xcc: {  	v4 =	vld [tilespmem:s2+$0x9620];
	[tilespmem:s30+$0xFA60] =	vst v0  }
0xcd: {  	v0 =	vadd.f32 v6, v1;
	v1 =	vld [tilespmem:s2+$0x3220]  }
0xce: {  	v6 =	vld [tilespmem:s2+$0x9630]  }
0xcf: {  	v3 =	vadd.f32 v3, v7;
	[tilespmem:s2+$0xFA70] =	vst v0;
	v0 =	vld [tilespmem:s2+$0x3230]  }
0xd0: {  	v7 =	vld [tilespmem:s2+$0x3260]  }
0xd1: {  	[tilespmem:s2+$0xFA00] =	vst v3;
	v2 =	vadd.f32 v2, v5;
	v3 =	vld [tilespmem:s2+$0x9640]  }
0xd2: {  	v5 =	vld [tilespmem:s2+$0x3240]  }
0xd3: {  	[tilespmem:s2+$0xFA10] =	vst v2;
	v1 =	vadd.f32 v1, v4;
	v2 =	vld [tilespmem:s2+$0x9650]  }
0xd4: {  	v4 =	vld [tilespmem:s2+$0x3250]  }
0xd5: {  	[tilespmem:s2+$0xFA20] =	vst v1;
	v1 =	vld [tilespmem:s2+$0x9660];
	_ =	sdelay $0x1  }
0xd6: {  	v0 =	vadd.f32 v0, v6  }
0xd7: {  	v3 =	vadd.f32 v5, v3  }
0xd8: {  	[tilespmem:s2+$0xFA30] =	vst v0;
	v0 =	vadd.f32 v4, v2  }
0xd9: {  	[tilespmem:s2+$0xFA40] =	vst v3;
	v1 =	vadd.f32 v7, v1  }
0xda: {  	[tilespmem:s2+$0xFA50] =	vst v0  }
0xdb: {  	s0 =	simm.s32 $0x0;
	s31 =	rddreg [dreg:$0xb];
	[tilespmem:s2+$0xFA60] =	vst v1  }
0xdc: {  	[hbm4b:s31+s0] =	stream.linear.scatter [tilespmem:s20], [sflag:$0x7], $0x1900, $0x38;
	[tilespmem:$0x12C00] =	vst v63  }
0xdd: {  	s31 =	rddreg [dreg:$0xc]  }
0xde: {  	[tilespmem:s9], [sflag:$0x3] =	stream.linear.gather [hbm4b:s31+s0], $0x1900, $0x38;
	[tilespmem:$0x12C00] =	vst v63  }
0xdf: {  	_ =	swait.ge [sflag:s21], $0x1900  }
0xe0: {  	[sflag:s21] =	ssyncset.done $0x0  }
0xe1: {  	s30 =	simm.s32 $0x0;
	[sflag:s21] =	ssyncadd.s32 $0xFFFFE700  }
0xe2: {  	v0 =	vld [tilespmem:s30+$0xAF70]  }
0xe3: {  	v1 =	vld [tilespmem:s30+$0x4B70]  }
0xe4: {  	v2 =	vld [tilespmem:s30+$0xAF00]  }
0xe5: {  	v3 =	vld [tilespmem:s30+$0x4B00]  }
0xe6: {  	v4 =	vld [tilespmem:s30+$0xAF10]  }
0xe7: {  	v5 =	vld [tilespmem:s30+$0x4B10]  }
0xe8: {  	v6 =	vld [tilespmem:s30+$0xAF20]  }
0xe9: {  	v7 =	vld [tilespmem:s30+$0xAF30]  }
0xea: {  	v0 =	vadd.f32 v1, v0;
	v1 =	vld [tilespmem:s30+$0x4B20]  }
0xeb: {  	v8 =	vld [tilespmem:s30+$0x4B30]  }
0xec: {  	v9 =	vld [tilespmem:s30+$0x4B40];
	v2 =	vadd.f32 v3, v2  }
0xed: {  	[tilespmem:s30+$0x11370] =	vst v0;
	v0 =	vadd.f32 v5, v4;
	v5 =	vld [tilespmem:s30+$0xAF40]  }
0xee: {  	v3 =	vld [tilespmem:s30+$0x4B50];
	[tilespmem:s30+$0x11300] =	vst v2  }
0xef: {  	v2 =	vld [tilespmem:s30+$0xAF50];
	[tilespmem:s30+$0x11310] =	vst v0;
	v0 =	vadd.f32 v1, v6  }
0xf0: {  	v4 =	vld [tilespmem:s30+$0x4B60];
	v6 =	vadd.f32 v8, v7  }
0xf1: {  	s2 =	simm.s32 $0x80;
	[tilespmem:s30+$0x11320] =	vst v0;
	v0 =	vld [tilespmem:s30+$0xAF60]  }
0xf2: {  	s29 =	simm.s32 $0x400;
	v5 =	vadd.f32 v9, v5;
	v1 =	vld [tilespmem:s2+$0xAF70];
	[tilespmem:s30+$0x11330] =	vst v6  }
.LBB2_8:
0xf3: {  	p0 =	sne.s32 s29, $0x6200;
	v6 =	vld [tilespmem:s2+$0x4B70]  }
0xf4: {  	v7 =	vld [tilespmem:s2+$0xAF00];
	[tilespmem:s30+$0x11340] =	vst v5;
	v2 =	vadd.f32 v3, v2  }
0xf5: {  	v3 =	vld [tilespmem:s2+$0x4B00]  }
0xf6: {  	v5 =	vld [tilespmem:s2+$0xAF10];
	[tilespmem:s30+$0x11350] =	vst v2;
	v0 =	vadd.f32 v4, v0  }
0xf7: {  	v2 =	vld [tilespmem:s2+$0x4B10]  }
0xf8: {  	v4 =	vld [tilespmem:s2+$0xAF20];
	v1 =	vadd.f32 v6, v1;
	[tilespmem:s30+$0x11360] =	vst v0;
	s30 =	smov.u32 s2  }
0xf9: {  	v0 =	vld [tilespmem:s30+$0x4B20]  }
0xfa: {  	v3 =	vadd.f32 v3, v7;
	v6 =	vld [tilespmem:s30+$0xAF30];
	[tilespmem:s30+$0x11370] =	vst v1  }
0xfb: {  	v1 =	vld [tilespmem:s30+$0x4B30]  }
0xfc: {  	[tilespmem:s30+$0x11300] =	vst v3;
	v2 =	vadd.f32 v2, v5;
	v5 =	vld [tilespmem:s30+$0xAF40]  }
0xfd: {  	v7 =	vld [tilespmem:s30+$0x4B40]  }
.Ltmp3:
0xfe: {  	[tilespmem:s30+$0x11310] =	vst v2;
	v0 =	vadd.f32 v0, v4;
	v2 =	vld [tilespmem:s30+$0xAF50];
	(pc) =	sbr.rel @p0 .LBB2_8-.Ltmp3, $4  }
0xff: {  	v3 =	vld [tilespmem:s30+$0x4B50]  }
0x100: {  	[tilespmem:s30+$0x11320] =	vst v0;
	v6 =	vadd.f32 v1, v6;
	v0 =	vld [tilespmem:s30+$0xAF60]  }
0x101: {  	s2 =	sshra.s32 s29, $0x2;
	v4 =	vld [tilespmem:s30+$0x4B60]  }
0x102: {  	s29 =	sadd.s32 $0x200, s29;
	v1 =	vld [tilespmem:s2+$0xAF70];
	[tilespmem:s30+$0x11330] =	vst v6;
	v5 =	vadd.f32 v7, v5  }
0x103: {  	v6 =	vld [tilespmem:s2+$0x4B70]  }
0x104: {  	v7 =	vld [tilespmem:s2+$0xAF00];
	[tilespmem:s30+$0x11340] =	vst v5;
	v2 =	vadd.f32 v3, v2  }
0x105: {  	v51 =	vld [tilespmem:s2+$0x4B00]  }
0x106: {  	v5 =	vld [tilespmem:s2+$0xAF10];
	[tilespmem:s30+$0x11350] =	vst v2;
	v0 =	vadd.f32 v4, v0  }
0x107: {  	v2 =	vld [tilespmem:s2+$0x4B10]  }
0x108: {  	v52 =	vld [tilespmem:s2+$0xAF20];
	[tilespmem:s30+$0x11360] =	vst v0  }
0x109: {  	v54 =	vld [tilespmem:s2+$0x4B20]  }
0x10a: {  	v55 =	vld [tilespmem:s2+$0xAF30]  }
0x10b: {  	v56 =	vld [tilespmem:s2+$0x4B30]  }
0x10c: {  	v57 =	vld [tilespmem:s2+$0xAF40]  }
0x10d: {  	v58 =	vld [tilespmem:s2+$0x4B40]  }
0x10e: {  	v59 =	vld [tilespmem:s2+$0xAF50]  }
0x10f: {  	v53 =	vadd.f32 v6, v1;
	v60 =	vld [tilespmem:s2+$0x4B50]  }
0x110: {  	v61 =	vld [tilespmem:s2+$0xAF60];
	v3 =	vadd.f32 v51, v7  }
0x111: {  	v62 =	vld [tilespmem:s2+$0x4B60];
	[tilespmem:s2+$0x11370] =	vst v53;
	v2 =	vadd.f32 v2, v5  }
0x112: {  	[tilespmem:s2+$0x11300] =	vst v3;
	v1 =	vadd.f32 v54, v52  }
0x113: {  	[tilespmem:s2+$0x11310] =	vst v2;
	v0 =	vadd.f32 v56, v55  }
0x114: {  	v3 =	vadd.f32 v58, v57;
	[tilespmem:s2+$0x11320] =	vst v1  }
0x115: {  	v63 =	vadd.f32 v60, v59;
	[tilespmem:s2+$0x11330] =	vst v0  }
0x116: {  	[tilespmem:s2+$0x11340] =	vst v3;
	v1 =	vadd.f32 v62, v61  }
0x117: {  	[tilespmem:s2+$0x11350] =	vst v63  }
0x118: {  	s0 =	rddreg [dreg:$0xe];
	[tilespmem:s2+$0x11360] =	vst v1  }
0x119: {  	[hbm4b:s0+s5] =	stream.linear.scatter [tilespmem:s23], [sflag:$0x8], $0x1900, $0x38;
	[tilespmem:$0x12C00] =	vst v63  }
0x11a: {  	s31 =	rddreg [dreg:$0xf];
	s30 =	simm.s32 $0x1  }
0x11b: {  	[tilespmem:s10], [sflag:$0x4] =	stream.linear.gather [hbm4b:s31+s5], $0x1900, $0x38;
	[tilespmem:$0x12C00] =	vst v63  }
.LBB2_10:
0x11c: {  	_ =	swait.ge [sflag:s11], $0x1900  }
0x11d: {  	[sflag:s11] =	ssyncset.done $0x0  }
0x11e: {  	[sflag:s11] =	ssyncadd.s32 $0xFFFFE700  }
0x11f: {  	_ =	swait.ge [sflag:s24], $0x1900  }
0x120: {  	[sflag:s24] =	ssyncset.done $0x0  }
0x121: {  	s31 =	simm.s32 $0x0;
	[sflag:s24] =	ssyncadd.s32 $0xFFFFE700  }
0x122: {  	v0 =	vld [tilespmem:s31+$0x6470]  }
0x123: {  	v1 =	vld [tilespmem:s31+$0x70]  }
0x124: {  	v2 =	vld [tilespmem:s31+$0x6400]  }
0x125: {  	v3 =	vld [tilespmem:s31+$0x0]  }
0x126: {  	v4 =	vld [tilespmem:s31+$0x6410]  }
0x127: {  	v5 =	vld [tilespmem:s31+$0x10]  }
0x128: {  	v6 =	vld [tilespmem:s31+$0x6420]  }
0x129: {  	v7 =	vld [tilespmem:s31+$0x6430]  }
0x12a: {  	v0 =	vadd.f32 v1, v0;
	v1 =	vld [tilespmem:s31+$0x20]  }
0x12b: {  	v8 =	vld [tilespmem:s31+$0x30]  }
0x12c: {  	v9 =	vld [tilespmem:s31+$0x40];
	v2 =	vadd.f32 v3, v2  }
0x12d: {  	[tilespmem:s31+$0xC870] =	vst v0;
	v0 =	vadd.f32 v5, v4;
	v5 =	vld [tilespmem:s31+$0x6440]  }
0x12e: {  	v3 =	vld [tilespmem:s31+$0x50];
	[tilespmem:s31+$0xC800] =	vst v2  }
0x12f: {  	v2 =	vld [tilespmem:s31+$0x6450];
	[tilespmem:s31+$0xC810] =	vst v0;
	v0 =	vadd.f32 v1, v6  }
0x130: {  	v4 =	vld [tilespmem:s31+$0x60];
	v6 =	vadd.f32 v8, v7  }
0x131: {  	s2 =	simm.s32 $0x80;
	[tilespmem:s31+$0xC820] =	vst v0;
	v0 =	vld [tilespmem:s31+$0x6460]  }
0x132: {  	s29 =	simm.s32 $0x400;
	v5 =	vadd.f32 v9, v5;
	v1 =	vld [tilespmem:s2+$0x6470];
	[tilespmem:s31+$0xC830] =	vst v6  }
.LBB2_11:
0x133: {  	p0 =	sne.s32 s29, $0x6200;
	v6 =	vld [tilespmem:s2+$0x70]  }
0x134: {  	v7 =	vld [tilespmem:s2+$0x6400];
	[tilespmem:s31+$0xC840] =	vst v5;
	v2 =	vadd.f32 v3, v2  }
0x135: {  	v3 =	vld [tilespmem:s2+$0x0]  }
0x136: {  	v5 =	vld [tilespmem:s2+$0x6410];
	[tilespmem:s31+$0xC850] =	vst v2;
	v0 =	vadd.f32 v4, v0  }
0x137: {  	v2 =	vld [tilespmem:s2+$0x10]  }
0x138: {  	v4 =	vld [tilespmem:s2+$0x6420];
	v1 =	vadd.f32 v6, v1;
	[tilespmem:s31+$0xC860] =	vst v0;
	s31 =	smov.u32 s2  }
0x139: {  	v0 =	vld [tilespmem:s31+$0x20]  }
0x13a: {  	v3 =	vadd.f32 v3, v7;
	v6 =	vld [tilespmem:s31+$0x6430];
	[tilespmem:s31+$0xC870] =	vst v1  }
0x13b: {  	v1 =	vld [tilespmem:s31+$0x30]  }
0x13c: {  	[tilespmem:s31+$0xC800] =	vst v3;
	v2 =	vadd.f32 v2, v5;
	v5 =	vld [tilespmem:s31+$0x6440]  }
0x13d: {  	v7 =	vld [tilespmem:s31+$0x40]  }
.Ltmp4:
0x13e: {  	[tilespmem:s31+$0xC810] =	vst v2;
	v0 =	vadd.f32 v0, v4;
	v2 =	vld [tilespmem:s31+$0x6450];
	(pc) =	sbr.rel @p0 .LBB2_11-.Ltmp4, $4  }
0x13f: {  	v3 =	vld [tilespmem:s31+$0x50]  }
0x140: {  	[tilespmem:s31+$0xC820] =	vst v0;
	v6 =	vadd.f32 v1, v6;
	v0 =	vld [tilespmem:s31+$0x6460]  }
0x141: {  	s2 =	sshra.s32 s29, $0x2;
	v4 =	vld [tilespmem:s31+$0x60]  }
0x142: {  	s29 =	sadd.s32 $0x200, s29;
	v1 =	vld [tilespmem:s2+$0x6470];
	[tilespmem:s31+$0xC830] =	vst v6;
	v5 =	vadd.f32 v7, v5  }
0x143: {  	v6 =	vld [tilespmem:s2+$0x70]  }
0x144: {  	v7 =	vld [tilespmem:s2+$0x6400];
	[tilespmem:s31+$0xC840] =	vst v5;
	v2 =	vadd.f32 v3, v2  }
0x145: {  	v3 =	vld [tilespmem:s2+$0x0]  }
0x146: {  	v5 =	vld [tilespmem:s2+$0x6410];
	[tilespmem:s31+$0xC850] =	vst v2;
	v0 =	vadd.f32 v4, v0  }
0x147: {  	v2 =	vld [tilespmem:s2+$0x10]  }
0x148: {  	v4 =	vld [tilespmem:s2+$0x6420];
	[tilespmem:s31+$0xC860] =	vst v0  }
0x149: {  	v0 =	vadd.f32 v6, v1;
	v1 =	vld [tilespmem:s2+$0x20]  }
0x14a: {  	v6 =	vld [tilespmem:s2+$0x6430]  }
0x14b: {  	v3 =	vadd.f32 v3, v7;
	[tilespmem:s2+$0xC870] =	vst v0;
	v0 =	vld [tilespmem:s2+$0x30]  }
0x14c: {  	v7 =	vld [tilespmem:s2+$0x60]  }
0x14d: {  	[tilespmem:s2+$0xC800] =	vst v3;
	v2 =	vadd.f32 v2, v5;
	v3 =	vld [tilespmem:s2+$0x6440]  }
0x14e: {  	v5 =	vld [tilespmem:s2+$0x40]  }
0x14f: {  	[tilespmem:s2+$0xC810] =	vst v2;
	v1 =	vadd.f32 v1, v4;
	v2 =	vld [tilespmem:s2+$0x6450]  }
0x150: {  	v4 =	vld [tilespmem:s2+$0x50]  }
0x151: {  	[tilespmem:s2+$0xC820] =	vst v1;
	v1 =	vld [tilespmem:s2+$0x6460];
	_ =	sdelay $0x1  }
0x152: {  	v0 =	vadd.f32 v0, v6  }
0x153: {  	s31 =	smul.u32 $0x6400, s30;
	v3 =	vadd.f32 v5, v3  }
0x154: {  	[tilespmem:s2+$0xC830] =	vst v0;
	v0 =	vadd.f32 v4, v2  }
0x155: {  	s0 =	sadd.s32 s6, s31;
	[tilespmem:s2+$0xC840] =	vst v3;
	v1 =	vadd.f32 v7, v1  }
0x156: {  	s0 =	sshrl.u32 s0, $0x3;
	[tilespmem:s2+$0xC850] =	vst v0  }
0x157: {  	s0 =	sadd.s32 s4, s0;
	[tilespmem:s2+$0xC860] =	vst v1;
	s2 =	simm.s32 $0x0  }
0x158: {  	[hbm4b:s0+s2] =	stream.linear.scatter [tilespmem:s14], [sflag:$0x5], $0x1900, $0x38;
	[tilespmem:$0x12C00] =	vst v63  }
0x159: {  	s0 =	sadd.s32 s31, s13  }
0x15a: {  	s0 =	sshrl.u32 s0, $0x3  }
0x15b: {  	s29 =	simm.s32 $0x6400;
	s0 =	sadd.s32 s1, s0  }
0x15c: {  	[tilespmem:s29], [sflag:$0x1] =	stream.linear.gather [hbm4b:s0+s2], $0x1900, $0x38;
	[tilespmem:$0x12C00] =	vst v63  }
0x15d: {  	_ =	swait.ge [sflag:s15], $0x1900  }
0x15e: {  	[sflag:s15] =	ssyncset.done $0x0  }
0x15f: {  	[sflag:s15] =	ssyncadd.s32 $0xFFFFE700  }
0x160: {  	_ =	swait.ge [sflag:s25], $0x1900  }
0x161: {  	[sflag:s25] =	ssyncset.done $0x0  }
0x162: {  	s2 =	simm.s32 $0x0;
	[sflag:s25] =	ssyncadd.s32 $0xFFFFE700  }
0x163: {  	v0 =	vld [tilespmem:s2+$0x7D70]  }
0x164: {  	v1 =	vld [tilespmem:s2+$0x1970]  }
0x165: {  	v2 =	vld [tilespmem:s2+$0x7D00]  }
0x166: {  	v3 =	vld [tilespmem:s2+$0x1900]  }
0x167: {  	v4 =	vld [tilespmem:s2+$0x7D10]  }
0x168: {  	v5 =	vld [tilespmem:s2+$0x1910]  }
0x169: {  	v6 =	vld [tilespmem:s2+$0x7D20]  }
0x16a: {  	v7 =	vld [tilespmem:s2+$0x7D30]  }
0x16b: {  	v0 =	vadd.f32 v1, v0;
	v1 =	vld [tilespmem:s2+$0x1920]  }
0x16c: {  	v8 =	vld [tilespmem:s2+$0x1930]  }
0x16d: {  	v9 =	vld [tilespmem:s2+$0x1940];
	v2 =	vadd.f32 v3, v2  }
0x16e: {  	[tilespmem:s2+$0xE170] =	vst v0;
	v0 =	vadd.f32 v5, v4;
	v5 =	vld [tilespmem:s2+$0x7D40]  }
0x16f: {  	v3 =	vld [tilespmem:s2+$0x1950];
	[tilespmem:s2+$0xE100] =	vst v2  }
0x170: {  	v2 =	vld [tilespmem:s2+$0x7D50];
	[tilespmem:s2+$0xE110] =	vst v0;
	v0 =	vadd.f32 v1, v6  }
0x171: {  	v4 =	vld [tilespmem:s2+$0x1960];
	v6 =	vadd.f32 v8, v7  }
0x172: {  	s29 =	simm.s32 $0x80;
	[tilespmem:s2+$0xE120] =	vst v0;
	v0 =	vld [tilespmem:s2+$0x7D60]  }
0x173: {  	s0 =	simm.s32 $0x400;
	v5 =	vadd.f32 v9, v5;
	v1 =	vld [tilespmem:s29+$0x7D70];
	[tilespmem:s2+$0xE130] =	vst v6  }
.LBB2_13:
0x174: {  	p0 =	sne.s32 s0, $0x6200;
	v6 =	vld [tilespmem:s29+$0x1970]  }
0x175: {  	v7 =	vld [tilespmem:s29+$0x7D00];
	[tilespmem:s2+$0xE140] =	vst v5;
	v2 =	vadd.f32 v3, v2  }
0x176: {  	v3 =	vld [tilespmem:s29+$0x1900]  }
0x177: {  	v5 =	vld [tilespmem:s29+$0x7D10];
	[tilespmem:s2+$0xE150] =	vst v2;
	v0 =	vadd.f32 v4, v0  }
0x178: {  	v2 =	vld [tilespmem:s29+$0x1910]  }
0x179: {  	v4 =	vld [tilespmem:s29+$0x7D20];
	v1 =	vadd.f32 v6, v1;
	[tilespmem:s2+$0xE160] =	vst v0;
	s2 =	smov.u32 s29  }
0x17a: {  	v0 =	vld [tilespmem:s2+$0x1920]  }
0x17b: {  	v3 =	vadd.f32 v3, v7;
	v6 =	vld [tilespmem:s2+$0x7D30];
	[tilespmem:s2+$0xE170] =	vst v1  }
0x17c: {  	v1 =	vld [tilespmem:s2+$0x1930]  }
0x17d: {  	[tilespmem:s2+$0xE100] =	vst v3;
	v2 =	vadd.f32 v2, v5;
	v5 =	vld [tilespmem:s2+$0x7D40]  }
0x17e: {  	v7 =	vld [tilespmem:s2+$0x1940]  }
.Ltmp5:
0x17f: {  	[tilespmem:s2+$0xE110] =	vst v2;
	v0 =	vadd.f32 v0, v4;
	v2 =	vld [tilespmem:s2+$0x7D50];
	(pc) =	sbr.rel @p0 .LBB2_13-.Ltmp5, $4  }
0x180: {  	v3 =	vld [tilespmem:s2+$0x1950]  }
0x181: {  	[tilespmem:s2+$0xE120] =	vst v0;
	v6 =	vadd.f32 v1, v6;
	v0 =	vld [tilespmem:s2+$0x7D60]  }
0x182: {  	s29 =	sshra.s32 s0, $0x2;
	v4 =	vld [tilespmem:s2+$0x1960]  }
0x183: {  	s0 =	sadd.s32 $0x200, s0;
	v1 =	vld [tilespmem:s29+$0x7D70];
	[tilespmem:s2+$0xE130] =	vst v6;
	v5 =	vadd.f32 v7, v5  }
0x184: {  	v6 =	vld [tilespmem:s29+$0x1970]  }
0x185: {  	v7 =	vld [tilespmem:s29+$0x7D00];
	[tilespmem:s2+$0xE140] =	vst v5;
	v2 =	vadd.f32 v3, v2  }
0x186: {  	v3 =	vld [tilespmem:s29+$0x1900]  }
0x187: {  	v5 =	vld [tilespmem:s29+$0x7D10];
	[tilespmem:s2+$0xE150] =	vst v2;
	v0 =	vadd.f32 v4, v0  }
0x188: {  	v2 =	vld [tilespmem:s29+$0x1910]  }
0x189: {  	v4 =	vld [tilespmem:s29+$0x7D20];
	[tilespmem:s2+$0xE160] =	vst v0  }
0x18a: {  	v0 =	vadd.f32 v6, v1;
	v1 =	vld [tilespmem:s29+$0x1920]  }
0x18b: {  	v6 =	vld [tilespmem:s29+$0x7D30]  }
0x18c: {  	v3 =	vadd.f32 v3, v7;
	[tilespmem:s29+$0xE170] =	vst v0;
	v0 =	vld [tilespmem:s29+$0x1930]  }
0x18d: {  	v7 =	vld [tilespmem:s29+$0x1960]  }
0x18e: {  	[tilespmem:s29+$0xE100] =	vst v3;
	v2 =	vadd.f32 v2, v5;
	v3 =	vld [tilespmem:s29+$0x7D40]  }
0x18f: {  	v5 =	vld [tilespmem:s29+$0x1940]  }
0x190: {  	[tilespmem:s29+$0xE110] =	vst v2;
	v1 =	vadd.f32 v1, v4;
	v2 =	vld [tilespmem:s29+$0x7D50]  }
0x191: {  	v4 =	vld [tilespmem:s29+$0x1950]  }
0x192: {  	[tilespmem:s29+$0xE120] =	vst v1;
	v1 =	vld [tilespmem:s29+$0x7D60];
	_ =	sdelay $0x1  }
0x193: {  	v0 =	vadd.f32 v0, v6  }
0x194: {  	v3 =	vadd.f32 v5, v3  }
0x195: {  	[tilespmem:s29+$0xE130] =	vst v0;
	v0 =	vadd.f32 v4, v2  }
0x196: {  	s0 =	sadd.s32 s31, s7;
	[tilespmem:s29+$0xE140] =	vst v3;
	v1 =	vadd.f32 v7, v1  }
0x197: {  	s0 =	sshrl.u32 s0, $0x3;
	[tilespmem:s29+$0xE150] =	vst v0  }
0x198: {  	s0 =	sadd.s32 s4, s0;
	s2 =	simm.s32 $0x0;
	[tilespmem:s29+$0xE160] =	vst v1  }
0x199: {  	[hbm4b:s0+s2] =	stream.linear.scatter [tilespmem:s18], [sflag:$0x6], $0x1900, $0x38;
	[tilespmem:$0x12C00] =	vst v63  }
0x19a: {  	s0 =	sadd.s32 s31, s16  }
0x19b: {  	s0 =	sshrl.u32 s0, $0x3  }
0x19c: {  	s0 =	sadd.s32 s1, s0  }
0x19d: {  	[tilespmem:s3], [sflag:$0x2] =	stream.linear.gather [hbm4b:s0+s2], $0x1900, $0x38;
	[tilespmem:$0x12C00] =	vst v63  }
0x19e: {  	_ =	swait.ge [sflag:s19], $0x1900  }
0x19f: {  	[sflag:s19] =	ssyncset.done $0x0  }
0x1a0: {  	[sflag:s19] =	ssyncadd.s32 $0xFFFFE700  }
0x1a1: {  	_ =	swait.ge [sflag:s26], $0x1900  }
0x1a2: {  	[sflag:s26] =	ssyncset.done $0x0  }
0x1a3: {  	s2 =	simm.s32 $0x0;
	[sflag:s26] =	ssyncadd.s32 $0xFFFFE700  }
0x1a4: {  	v0 =	vld [tilespmem:s2+$0x9670]  }
0x1a5: {  	v1 =	vld [tilespmem:s2+$0x3270]  }
0x1a6: {  	v2 =	vld [tilespmem:s2+$0x9600]  }
0x1a7: {  	v3 =	vld [tilespmem:s2+$0x3200]  }
0x1a8: {  	v4 =	vld [tilespmem:s2+$0x9610]  }
0x1a9: {  	v5 =	vld [tilespmem:s2+$0x3210]  }
0x1aa: {  	v6 =	vld [tilespmem:s2+$0x9620]  }
0x1ab: {  	v7 =	vld [tilespmem:s2+$0x9630]  }
0x1ac: {  	v0 =	vadd.f32 v1, v0;
	v1 =	vld [tilespmem:s2+$0x3220]  }
0x1ad: {  	v8 =	vld [tilespmem:s2+$0x3230]  }
0x1ae: {  	v9 =	vld [tilespmem:s2+$0x3240];
	v2 =	vadd.f32 v3, v2  }
0x1af: {  	[tilespmem:s2+$0xFA70] =	vst v0;
	v0 =	vadd.f32 v5, v4;
	v5 =	vld [tilespmem:s2+$0x9640]  }
0x1b0: {  	v3 =	vld [tilespmem:s2+$0x3250];
	[tilespmem:s2+$0xFA00] =	vst v2  }
0x1b1: {  	v2 =	vld [tilespmem:s2+$0x9650];
	[tilespmem:s2+$0xFA10] =	vst v0;
	v0 =	vadd.f32 v1, v6  }
0x1b2: {  	v4 =	vld [tilespmem:s2+$0x3260];
	v6 =	vadd.f32 v8, v7  }
0x1b3: {  	s29 =	simm.s32 $0x80;
	[tilespmem:s2+$0xFA20] =	vst v0;
	v0 =	vld [tilespmem:s2+$0x9660]  }
0x1b4: {  	s0 =	simm.s32 $0x400;
	v5 =	vadd.f32 v9, v5;
	v1 =	vld [tilespmem:s29+$0x9670];
	[tilespmem:s2+$0xFA30] =	vst v6  }
.LBB2_15:
0x1b5: {  	p0 =	sne.s32 s0, $0x6200;
	v6 =	vld [tilespmem:s29+$0x3270]  }
0x1b6: {  	v7 =	vld [tilespmem:s29+$0x9600];
	[tilespmem:s2+$0xFA40] =	vst v5;
	v2 =	vadd.f32 v3, v2  }
0x1b7: {  	v3 =	vld [tilespmem:s29+$0x3200]  }
0x1b8: {  	v5 =	vld [tilespmem:s29+$0x9610];
	[tilespmem:s2+$0xFA50] =	vst v2;
	v0 =	vadd.f32 v4, v0  }
0x1b9: {  	v2 =	vld [tilespmem:s29+$0x3210]  }
0x1ba: {  	v4 =	vld [tilespmem:s29+$0x9620];
	v1 =	vadd.f32 v6, v1;
	[tilespmem:s2+$0xFA60] =	vst v0;
	s2 =	smov.u32 s29  }
0x1bb: {  	v0 =	vld [tilespmem:s2+$0x3220]  }
0x1bc: {  	v3 =	vadd.f32 v3, v7;
	v6 =	vld [tilespmem:s2+$0x9630];
	[tilespmem:s2+$0xFA70] =	vst v1  }
0x1bd: {  	v1 =	vld [tilespmem:s2+$0x3230]  }
0x1be: {  	[tilespmem:s2+$0xFA00] =	vst v3;
	v2 =	vadd.f32 v2, v5;
	v5 =	vld [tilespmem:s2+$0x9640]  }
0x1bf: {  	v7 =	vld [tilespmem:s2+$0x3240]  }
.Ltmp6:
0x1c0: {  	[tilespmem:s2+$0xFA10] =	vst v2;
	v0 =	vadd.f32 v0, v4;
	v2 =	vld [tilespmem:s2+$0x9650];
	(pc) =	sbr.rel @p0 .LBB2_15-.Ltmp6, $4  }
0x1c1: {  	v3 =	vld [tilespmem:s2+$0x3250]  }
0x1c2: {  	[tilespmem:s2+$0xFA20] =	vst v0;
	v6 =	vadd.f32 v1, v6;
	v0 =	vld [tilespmem:s2+$0x9660]  }
0x1c3: {  	s29 =	sshra.s32 s0, $0x2;
	v4 =	vld [tilespmem:s2+$0x3260]  }
0x1c4: {  	s0 =	sadd.s32 $0x200, s0;
	v1 =	vld [tilespmem:s29+$0x9670];
	[tilespmem:s2+$0xFA30] =	vst v6;
	v5 =	vadd.f32 v7, v5  }
0x1c5: {  	v6 =	vld [tilespmem:s29+$0x3270]  }
0x1c6: {  	v7 =	vld [tilespmem:s29+$0x9600];
	[tilespmem:s2+$0xFA40] =	vst v5;
	v2 =	vadd.f32 v3, v2  }
0x1c7: {  	v3 =	vld [tilespmem:s29+$0x3200]  }
0x1c8: {  	v5 =	vld [tilespmem:s29+$0x9610];
	[tilespmem:s2+$0xFA50] =	vst v2;
	v0 =	vadd.f32 v4, v0  }
0x1c9: {  	v2 =	vld [tilespmem:s29+$0x3210]  }
0x1ca: {  	v4 =	vld [tilespmem:s29+$0x9620];
	[tilespmem:s2+$0xFA60] =	vst v0  }
0x1cb: {  	v0 =	vadd.f32 v6, v1;
	v1 =	vld [tilespmem:s29+$0x3220]  }
0x1cc: {  	v6 =	vld [tilespmem:s29+$0x9630]  }
0x1cd: {  	v3 =	vadd.f32 v3, v7;
	[tilespmem:s29+$0xFA70] =	vst v0;
	v0 =	vld [tilespmem:s29+$0x3230]  }
0x1ce: {  	v7 =	vld [tilespmem:s29+$0x3260]  }
0x1cf: {  	[tilespmem:s29+$0xFA00] =	vst v3;
	v2 =	vadd.f32 v2, v5;
	v3 =	vld [tilespmem:s29+$0x9640]  }
0x1d0: {  	v5 =	vld [tilespmem:s29+$0x3240]  }
0x1d1: {  	[tilespmem:s29+$0xFA10] =	vst v2;
	v1 =	vadd.f32 v1, v4;
	v2 =	vld [tilespmem:s29+$0x9650]  }
0x1d2: {  	v4 =	vld [tilespmem:s29+$0x3250]  }
0x1d3: {  	[tilespmem:s29+$0xFA20] =	vst v1;
	v1 =	vld [tilespmem:s29+$0x9660];
	_ =	sdelay $0x1  }
0x1d4: {  	v0 =	vadd.f32 v0, v6  }
0x1d5: {  	v3 =	vadd.f32 v5, v3  }
0x1d6: {  	[tilespmem:s29+$0xFA30] =	vst v0;
	v0 =	vadd.f32 v4, v2  }
0x1d7: {  	s0 =	sadd.s32 s31, s8;
	[tilespmem:s29+$0xFA40] =	vst v3;
	v1 =	vadd.f32 v7, v1  }
0x1d8: {  	s0 =	sshrl.u32 s0, $0x3;
	[tilespmem:s29+$0xFA50] =	vst v0  }
0x1d9: {  	s0 =	sadd.s32 s4, s0;
	s2 =	simm.s32 $0x0;
	[tilespmem:s29+$0xFA60] =	vst v1  }
0x1da: {  	[hbm4b:s0+s2] =	stream.linear.scatter [tilespmem:s20], [sflag:$0x7], $0x1900, $0x38;
	[tilespmem:$0x12C00] =	vst v63  }
0x1db: {  	s0 =	sadd.s32 s31, s17  }
0x1dc: {  	s0 =	sshrl.u32 s0, $0x3  }
0x1dd: {  	s0 =	sadd.s32 s1, s0  }
0x1de: {  	[tilespmem:s9], [sflag:$0x3] =	stream.linear.gather [hbm4b:s0+s2], $0x1900, $0x38;
	[tilespmem:$0x12C00] =	vst v63  }
0x1df: {  	_ =	swait.ge [sflag:s21], $0x1900  }
0x1e0: {  	[sflag:s21] =	ssyncset.done $0x0  }
0x1e1: {  	[sflag:s21] =	ssyncadd.s32 $0xFFFFE700  }
0x1e2: {  	_ =	swait.ge [sflag:s28], $0x1900  }
0x1e3: {  	[sflag:s28] =	ssyncset.done $0x0  }
0x1e4: {  	s2 =	simm.s32 $0x0;
	[sflag:s28] =	ssyncadd.s32 $0xFFFFE700  }
0x1e5: {  	v0 =	vld [tilespmem:s2+$0xAF70]  }
0x1e6: {  	v1 =	vld [tilespmem:s2+$0x4B70]  }
0x1e7: {  	v2 =	vld [tilespmem:s2+$0xAF00]  }
0x1e8: {  	v3 =	vld [tilespmem:s2+$0x4B00]  }
0x1e9: {  	v4 =	vld [tilespmem:s2+$0xAF10]  }
0x1ea: {  	v5 =	vld [tilespmem:s2+$0x4B10]  }
0x1eb: {  	v6 =	vld [tilespmem:s2+$0xAF20]  }
0x1ec: {  	v7 =	vld [tilespmem:s2+$0xAF30]  }
0x1ed: {  	v0 =	vadd.f32 v1, v0;
	v1 =	vld [tilespmem:s2+$0x4B20]  }
0x1ee: {  	v8 =	vld [tilespmem:s2+$0x4B30]  }
0x1ef: {  	v9 =	vld [tilespmem:s2+$0x4B40];
	v2 =	vadd.f32 v3, v2  }
0x1f0: {  	[tilespmem:s2+$0x11370] =	vst v0;
	v0 =	vadd.f32 v5, v4;
	v5 =	vld [tilespmem:s2+$0xAF40]  }
0x1f1: {  	v3 =	vld [tilespmem:s2+$0x4B50];
	[tilespmem:s2+$0x11300] =	vst v2  }
0x1f2: {  	v2 =	vld [tilespmem:s2+$0xAF50];
	[tilespmem:s2+$0x11310] =	vst v0;
	v0 =	vadd.f32 v1, v6  }
0x1f3: {  	v4 =	vld [tilespmem:s2+$0x4B60];
	v6 =	vadd.f32 v8, v7  }
0x1f4: {  	s29 =	simm.s32 $0x80;
	[tilespmem:s2+$0x11320] =	vst v0;
	v0 =	vld [tilespmem:s2+$0xAF60]  }
0x1f5: {  	s0 =	simm.s32 $0x400;
	v5 =	vadd.f32 v9, v5;
	v1 =	vld [tilespmem:s29+$0xAF70];
	[tilespmem:s2+$0x11330] =	vst v6  }
.LBB2_17:
0x1f6: {  	p0 =	sne.s32 s0, $0x6200;
	v6 =	vld [tilespmem:s29+$0x4B70]  }
0x1f7: {  	v7 =	vld [tilespmem:s29+$0xAF00];
	[tilespmem:s2+$0x11340] =	vst v5;
	v2 =	vadd.f32 v3, v2  }
0x1f8: {  	v3 =	vld [tilespmem:s29+$0x4B00]  }
0x1f9: {  	v5 =	vld [tilespmem:s29+$0xAF10];
	[tilespmem:s2+$0x11350] =	vst v2;
	v0 =	vadd.f32 v4, v0  }
0x1fa: {  	v2 =	vld [tilespmem:s29+$0x4B10]  }
0x1fb: {  	v4 =	vld [tilespmem:s29+$0xAF20];
	v1 =	vadd.f32 v6, v1;
	[tilespmem:s2+$0x11360] =	vst v0;
	s2 =	smov.u32 s29  }
0x1fc: {  	v0 =	vld [tilespmem:s2+$0x4B20]  }
0x1fd: {  	v3 =	vadd.f32 v3, v7;
	v6 =	vld [tilespmem:s2+$0xAF30];
	[tilespmem:s2+$0x11370] =	vst v1  }
0x1fe: {  	v1 =	vld [tilespmem:s2+$0x4B30]  }
0x1ff: {  	[tilespmem:s2+$0x11300] =	vst v3;
	v2 =	vadd.f32 v2, v5;
	v5 =	vld [tilespmem:s2+$0xAF40]  }
0x200: {  	v7 =	vld [tilespmem:s2+$0x4B40]  }
.Ltmp7:
0x201: {  	[tilespmem:s2+$0x11310] =	vst v2;
	v0 =	vadd.f32 v0, v4;
	v2 =	vld [tilespmem:s2+$0xAF50];
	(pc) =	sbr.rel @p0 .LBB2_17-.Ltmp7, $4  }
0x202: {  	v3 =	vld [tilespmem:s2+$0x4B50]  }
0x203: {  	[tilespmem:s2+$0x11320] =	vst v0;
	v6 =	vadd.f32 v1, v6;
	v0 =	vld [tilespmem:s2+$0xAF60]  }
0x204: {  	s29 =	sshra.s32 s0, $0x2;
	v4 =	vld [tilespmem:s2+$0x4B60]  }
0x205: {  	s0 =	sadd.s32 $0x200, s0;
	v1 =	vld [tilespmem:s29+$0xAF70];
	[tilespmem:s2+$0x11330] =	vst v6;
	v5 =	vadd.f32 v7, v5  }
0x206: {  	v6 =	vld [tilespmem:s29+$0x4B70]  }
0x207: {  	v7 =	vld [tilespmem:s29+$0xAF00];
	[tilespmem:s2+$0x11340] =	vst v5;
	v2 =	vadd.f32 v3, v2  }
0x208: {  	v51 =	vld [tilespmem:s29+$0x4B00]  }
0x209: {  	v5 =	vld [tilespmem:s29+$0xAF10];
	[tilespmem:s2+$0x11350] =	vst v2;
	v0 =	vadd.f32 v4, v0  }
0x20a: {  	v2 =	vld [tilespmem:s29+$0x4B10]  }
0x20b: {  	v52 =	vld [tilespmem:s29+$0xAF20];
	[tilespmem:s2+$0x11360] =	vst v0  }
0x20c: {  	v54 =	vld [tilespmem:s29+$0x4B20]  }
0x20d: {  	v55 =	vld [tilespmem:s29+$0xAF30]  }
0x20e: {  	v56 =	vld [tilespmem:s29+$0x4B30]  }
0x20f: {  	v57 =	vld [tilespmem:s29+$0xAF40]  }
0x210: {  	v58 =	vld [tilespmem:s29+$0x4B40]  }
0x211: {  	v59 =	vld [tilespmem:s29+$0xAF50]  }
0x212: {  	v53 =	vadd.f32 v6, v1;
	v60 =	vld [tilespmem:s29+$0x4B50]  }
0x213: {  	v61 =	vld [tilespmem:s29+$0xAF60];
	v3 =	vadd.f32 v51, v7  }
0x214: {  	v62 =	vld [tilespmem:s29+$0x4B60];
	[tilespmem:s29+$0x11370] =	vst v53;
	v2 =	vadd.f32 v2, v5  }
0x215: {  	[tilespmem:s29+$0x11300] =	vst v3;
	v1 =	vadd.f32 v54, v52  }
0x216: {  	[tilespmem:s29+$0x11310] =	vst v2;
	v0 =	vadd.f32 v56, v55  }
0x217: {  	v3 =	vadd.f32 v58, v57;
	[tilespmem:s29+$0x11320] =	vst v1  }
0x218: {  	v63 =	vadd.f32 v60, v59;
	[tilespmem:s29+$0x11330] =	vst v0  }
0x219: {  	s0 =	sadd.s32 s31, s12;
	s30 =	sadd.s32 $0x1, s30;
	[tilespmem:s29+$0x11340] =	vst v3;
	v1 =	vadd.f32 v62, v61  }
0x21a: {  	s0 =	sshrl.u32 s0, $0x3;
	p0 =	sne.s32 s30, $0x3F;
	[tilespmem:s29+$0x11350] =	vst v63  }
.Ltmp8:
0x21b: {  	s31 =	sadd.s32 s31, s22;
	s0 =	sadd.s32 s4, s0;
	[tilespmem:s29+$0x11360] =	vst v1;
	(pc) =	sbr.rel @p0 .LBB2_10-.Ltmp8, $4  }
0x21c: {  	[hbm4b:s0+s5] =	stream.linear.scatter [tilespmem:s23], [sflag:$0x8], $0x1900, $0x38;
	[tilespmem:$0x12C00] =	vst v63  }
0x21d: {  	s0 =	sshrl.u32 s31, $0x3  }
0x21e: {  	s0 =	sadd.s32 s1, s0  }
0x21f: {  	[tilespmem:s10], [sflag:$0x4] =	stream.linear.gather [hbm4b:s0+s5], $0x1900, $0x38;
	[tilespmem:$0x12C00] =	vst v63  }
0x220: {  	_ =	swait.ge [sflag:s11], $0x1900  }
0x221: {  	[sflag:s11] =	ssyncset.done $0x0  }
0x222: {  	[sflag:s11] =	ssyncadd.s32 $0xFFFFE700  }
0x223: {  	_ =	swait.ge [sflag:s24], $0x1900  }
0x224: {  	[sflag:s24] =	ssyncset.done $0x0  }
0x225: {  	s2 =	simm.s32 $0x0;
	[sflag:s24] =	ssyncadd.s32 $0xFFFFE700  }
0x226: {  	v0 =	vld [tilespmem:s2+$0x6470]  }
0x227: {  	v1 =	vld [tilespmem:s2+$0x70]  }
0x228: {  	v2 =	vld [tilespmem:s2+$0x6400]  }
0x229: {  	v3 =	vld [tilespmem:s2+$0x0]  }
0x22a: {  	v4 =	vld [tilespmem:s2+$0x6410]  }
0x22b: {  	v5 =	vld [tilespmem:s2+$0x10]  }
0x22c: {  	v6 =	vld [tilespmem:s2+$0x6420]  }
0x22d: {  	v7 =	vld [tilespmem:s2+$0x6430]  }
0x22e: {  	v0 =	vadd.f32 v1, v0;
	v1 =	vld [tilespmem:s2+$0x20]  }
0x22f: {  	v8 =	vld [tilespmem:s2+$0x30]  }
0x230: {  	v9 =	vld [tilespmem:s2+$0x40];
	v2 =	vadd.f32 v3, v2  }
0x231: {  	[tilespmem:s2+$0xC870] =	vst v0;
	v0 =	vadd.f32 v5, v4;
	v5 =	vld [tilespmem:s2+$0x6440]  }
0x232: {  	v3 =	vld [tilespmem:s2+$0x50];
	[tilespmem:s2+$0xC800] =	vst v2  }
0x233: {  	v2 =	vld [tilespmem:s2+$0x6450];
	[tilespmem:s2+$0xC810] =	vst v0;
	v0 =	vadd.f32 v1, v6  }
0x234: {  	v4 =	vld [tilespmem:s2+$0x60];
	v6 =	vadd.f32 v8, v7  }
0x235: {  	s29 =	simm.s32 $0x80;
	[tilespmem:s2+$0xC820] =	vst v0;
	v0 =	vld [tilespmem:s2+$0x6460]  }
0x236: {  	s0 =	simm.s32 $0x400;
	v5 =	vadd.f32 v9, v5;
	v1 =	vld [tilespmem:s29+$0x6470];
	[tilespmem:s2+$0xC830] =	vst v6  }
.LBB2_20:
0x237: {  	p0 =	sne.s32 s0, $0x6200;
	v6 =	vld [tilespmem:s29+$0x70]  }
0x238: {  	v7 =	vld [tilespmem:s29+$0x6400];
	[tilespmem:s2+$0xC840] =	vst v5;
	v2 =	vadd.f32 v3, v2  }
0x239: {  	v3 =	vld [tilespmem:s29+$0x0]  }
0x23a: {  	v5 =	vld [tilespmem:s29+$0x6410];
	[tilespmem:s2+$0xC850] =	vst v2;
	v0 =	vadd.f32 v4, v0  }
0x23b: {  	v2 =	vld [tilespmem:s29+$0x10]  }
0x23c: {  	v4 =	vld [tilespmem:s29+$0x6420];
	v1 =	vadd.f32 v6, v1;
	[tilespmem:s2+$0xC860] =	vst v0;
	s2 =	smov.u32 s29  }
0x23d: {  	v0 =	vld [tilespmem:s2+$0x20]  }
0x23e: {  	v3 =	vadd.f32 v3, v7;
	v6 =	vld [tilespmem:s2+$0x6430];
	[tilespmem:s2+$0xC870] =	vst v1  }
0x23f: {  	v1 =	vld [tilespmem:s2+$0x30]  }
0x240: {  	[tilespmem:s2+$0xC800] =	vst v3;
	v2 =	vadd.f32 v2, v5;
	v5 =	vld [tilespmem:s2+$0x6440]  }
0x241: {  	v7 =	vld [tilespmem:s2+$0x40]  }
.Ltmp9:
0x242: {  	[tilespmem:s2+$0xC810] =	vst v2;
	v0 =	vadd.f32 v0, v4;
	v2 =	vld [tilespmem:s2+$0x6450];
	(pc) =	sbr.rel @p0 .LBB2_20-.Ltmp9, $4  }
0x243: {  	v3 =	vld [tilespmem:s2+$0x50]  }
0x244: {  	[tilespmem:s2+$0xC820] =	vst v0;
	v6 =	vadd.f32 v1, v6;
	v0 =	vld [tilespmem:s2+$0x6460]  }
0x245: {  	s29 =	sshra.s32 s0, $0x2;
	v4 =	vld [tilespmem:s2+$0x60]  }
0x246: {  	s0 =	sadd.s32 $0x200, s0;
	v1 =	vld [tilespmem:s29+$0x6470];
	[tilespmem:s2+$0xC830] =	vst v6;
	v5 =	vadd.f32 v7, v5  }
0x247: {  	v6 =	vld [tilespmem:s29+$0x70]  }
0x248: {  	v7 =	vld [tilespmem:s29+$0x6400];
	[tilespmem:s2+$0xC840] =	vst v5;
	v2 =	vadd.f32 v3, v2  }
0x249: {  	v3 =	vld [tilespmem:s29+$0x0]  }
0x24a: {  	v5 =	vld [tilespmem:s29+$0x6410];
	[tilespmem:s2+$0xC850] =	vst v2;
	v0 =	vadd.f32 v4, v0  }
0x24b: {  	v2 =	vld [tilespmem:s29+$0x10]  }
0x24c: {  	v4 =	vld [tilespmem:s29+$0x6420];
	[tilespmem:s2+$0xC860] =	vst v0  }
0x24d: {  	v0 =	vadd.f32 v6, v1;
	v1 =	vld [tilespmem:s29+$0x20]  }
0x24e: {  	v6 =	vld [tilespmem:s29+$0x6430]  }
0x24f: {  	v3 =	vadd.f32 v3, v7;
	[tilespmem:s29+$0xC870] =	vst v0;
	v0 =	vld [tilespmem:s29+$0x30]  }
0x250: {  	v7 =	vld [tilespmem:s29+$0x60]  }
0x251: {  	[tilespmem:s29+$0xC800] =	vst v3;
	v2 =	vadd.f32 v2, v5;
	v3 =	vld [tilespmem:s29+$0x6440]  }
0x252: {  	v5 =	vld [tilespmem:s29+$0x40]  }
0x253: {  	[tilespmem:s29+$0xC810] =	vst v2;
	v1 =	vadd.f32 v1, v4;
	v2 =	vld [tilespmem:s29+$0x6450]  }
0x254: {  	v4 =	vld [tilespmem:s29+$0x50]  }
0x255: {  	[tilespmem:s29+$0xC820] =	vst v1;
	v1 =	vld [tilespmem:s29+$0x6460];
	_ =	sdelay $0x1  }
0x256: {  	v0 =	vadd.f32 v0, v6  }
0x257: {  	v3 =	vadd.f32 v5, v3  }
0x258: {  	[tilespmem:s29+$0xC830] =	vst v0;
	v0 =	vadd.f32 v4, v2  }
0x259: {  	[tilespmem:s29+$0xC840] =	vst v3;
	v1 =	vadd.f32 v7, v1  }
0x25a: {  	[tilespmem:s29+$0xC850] =	vst v0  }
0x25b: {  	s0 =	simm.s32 $0x0;
	s31 =	rddreg [dreg:$0x10];
	[tilespmem:s29+$0xC860] =	vst v1  }
0x25c: {  	[hbm4b:s31+s0] =	stream.linear.scatter [tilespmem:s14], [sflag:$0x5], $0x1900, $0x38;
	[tilespmem:$0x12C00] =	vst v63  }
0x25d: {  	_ =	swait.ge [sflag:s15], $0x1900  }
0x25e: {  	[sflag:s15] =	ssyncset.done $0x0  }
0x25f: {  	[sflag:s15] =	ssyncadd.s32 $0xFFFFE700  }
0x260: {  	_ =	swait.ge [sflag:s25], $0x1900  }
0x261: {  	[sflag:s25] =	ssyncset.done $0x0  }
0x262: {  	s2 =	simm.s32 $0x0;
	[sflag:s25] =	ssyncadd.s32 $0xFFFFE700  }
0x263: {  	v0 =	vld [tilespmem:s2+$0x7D70]  }
0x264: {  	v1 =	vld [tilespmem:s2+$0x1970]  }
0x265: {  	v2 =	vld [tilespmem:s2+$0x7D00]  }
0x266: {  	v3 =	vld [tilespmem:s2+$0x1900]  }
0x267: {  	v4 =	vld [tilespmem:s2+$0x7D10]  }
0x268: {  	v5 =	vld [tilespmem:s2+$0x1910]  }
0x269: {  	v6 =	vld [tilespmem:s2+$0x7D20]  }
0x26a: {  	v7 =	vld [tilespmem:s2+$0x7D30]  }
0x26b: {  	v0 =	vadd.f32 v1, v0;
	v1 =	vld [tilespmem:s2+$0x1920]  }
0x26c: {  	v8 =	vld [tilespmem:s2+$0x1930]  }
0x26d: {  	v9 =	vld [tilespmem:s2+$0x1940];
	v2 =	vadd.f32 v3, v2  }
0x26e: {  	[tilespmem:s2+$0xE170] =	vst v0;
	v0 =	vadd.f32 v5, v4;
	v5 =	vld [tilespmem:s2+$0x7D40]  }
0x26f: {  	v3 =	vld [tilespmem:s2+$0x1950];
	[tilespmem:s2+$0xE100] =	vst v2  }
0x270: {  	v2 =	vld [tilespmem:s2+$0x7D50];
	[tilespmem:s2+$0xE110] =	vst v0;
	v0 =	vadd.f32 v1, v6  }
0x271: {  	v4 =	vld [tilespmem:s2+$0x1960];
	v6 =	vadd.f32 v8, v7  }
0x272: {  	s29 =	simm.s32 $0x80;
	[tilespmem:s2+$0xE120] =	vst v0;
	v0 =	vld [tilespmem:s2+$0x7D60]  }
0x273: {  	s0 =	simm.s32 $0x400;
	v5 =	vadd.f32 v9, v5;
	v1 =	vld [tilespmem:s29+$0x7D70];
	[tilespmem:s2+$0xE130] =	vst v6  }
.LBB2_22:
0x274: {  	p0 =	sne.s32 s0, $0x6200;
	v6 =	vld [tilespmem:s29+$0x1970]  }
0x275: {  	v7 =	vld [tilespmem:s29+$0x7D00];
	[tilespmem:s2+$0xE140] =	vst v5;
	v2 =	vadd.f32 v3, v2  }
0x276: {  	v3 =	vld [tilespmem:s29+$0x1900]  }
0x277: {  	v5 =	vld [tilespmem:s29+$0x7D10];
	[tilespmem:s2+$0xE150] =	vst v2;
	v0 =	vadd.f32 v4, v0  }
0x278: {  	v2 =	vld [tilespmem:s29+$0x1910]  }
0x279: {  	v4 =	vld [tilespmem:s29+$0x7D20];
	v1 =	vadd.f32 v6, v1;
	[tilespmem:s2+$0xE160] =	vst v0;
	s2 =	smov.u32 s29  }
0x27a: {  	v0 =	vld [tilespmem:s2+$0x1920]  }
0x27b: {  	v3 =	vadd.f32 v3, v7;
	v6 =	vld [tilespmem:s2+$0x7D30];
	[tilespmem:s2+$0xE170] =	vst v1  }
0x27c: {  	v1 =	vld [tilespmem:s2+$0x1930]  }
0x27d: {  	[tilespmem:s2+$0xE100] =	vst v3;
	v2 =	vadd.f32 v2, v5;
	v5 =	vld [tilespmem:s2+$0x7D40]  }
0x27e: {  	v7 =	vld [tilespmem:s2+$0x1940]  }
.Ltmp10:
0x27f: {  	[tilespmem:s2+$0xE110] =	vst v2;
	v0 =	vadd.f32 v0, v4;
	v2 =	vld [tilespmem:s2+$0x7D50];
	(pc) =	sbr.rel @p0 .LBB2_22-.Ltmp10, $4  }
0x280: {  	v3 =	vld [tilespmem:s2+$0x1950]  }
0x281: {  	[tilespmem:s2+$0xE120] =	vst v0;
	v6 =	vadd.f32 v1, v6;
	v0 =	vld [tilespmem:s2+$0x7D60]  }
0x282: {  	s29 =	sshra.s32 s0, $0x2;
	v4 =	vld [tilespmem:s2+$0x1960]  }
0x283: {  	s0 =	sadd.s32 $0x200, s0;
	v1 =	vld [tilespmem:s29+$0x7D70];
	[tilespmem:s2+$0xE130] =	vst v6;
	v5 =	vadd.f32 v7, v5  }
0x284: {  	v6 =	vld [tilespmem:s29+$0x1970]  }
0x285: {  	v7 =	vld [tilespmem:s29+$0x7D00];
	[tilespmem:s2+$0xE140] =	vst v5;
	v2 =	vadd.f32 v3, v2  }
0x286: {  	v3 =	vld [tilespmem:s29+$0x1900]  }
0x287: {  	v5 =	vld [tilespmem:s29+$0x7D10];
	[tilespmem:s2+$0xE150] =	vst v2;
	v0 =	vadd.f32 v4, v0  }
0x288: {  	v2 =	vld [tilespmem:s29+$0x1910]  }
0x289: {  	v4 =	vld [tilespmem:s29+$0x7D20];
	[tilespmem:s2+$0xE160] =	vst v0  }
0x28a: {  	v0 =	vadd.f32 v6, v1;
	v1 =	vld [tilespmem:s29+$0x1920]  }
0x28b: {  	v6 =	vld [tilespmem:s29+$0x7D30]  }
0x28c: {  	v3 =	vadd.f32 v3, v7;
	[tilespmem:s29+$0xE170] =	vst v0;
	v0 =	vld [tilespmem:s29+$0x1930]  }
0x28d: {  	v7 =	vld [tilespmem:s29+$0x1960]  }
0x28e: {  	[tilespmem:s29+$0xE100] =	vst v3;
	v2 =	vadd.f32 v2, v5;
	v3 =	vld [tilespmem:s29+$0x7D40]  }
0x28f: {  	v5 =	vld [tilespmem:s29+$0x1940]  }
0x290: {  	[tilespmem:s29+$0xE110] =	vst v2;
	v1 =	vadd.f32 v1, v4;
	v2 =	vld [tilespmem:s29+$0x7D50]  }
0x291: {  	v4 =	vld [tilespmem:s29+$0x1950]  }
0x292: {  	[tilespmem:s29+$0xE120] =	vst v1;
	v1 =	vld [tilespmem:s29+$0x7D60];
	_ =	sdelay $0x1  }
0x293: {  	v0 =	vadd.f32 v0, v6  }
0x294: {  	v3 =	vadd.f32 v5, v3  }
0x295: {  	[tilespmem:s29+$0xE130] =	vst v0;
	v0 =	vadd.f32 v4, v2  }
0x296: {  	[tilespmem:s29+$0xE140] =	vst v3;
	v1 =	vadd.f32 v7, v1  }
0x297: {  	[tilespmem:s29+$0xE150] =	vst v0  }
0x298: {  	s0 =	simm.s32 $0x0;
	s31 =	rddreg [dreg:$0x11];
	[tilespmem:s29+$0xE160] =	vst v1  }
0x299: {  	[hbm4b:s31+s0] =	stream.linear.scatter [tilespmem:s18], [sflag:$0x6], $0x1900, $0x38;
	[tilespmem:$0x12C00] =	vst v63  }
0x29a: {  	_ =	swait.ge [sflag:s19], $0x1900  }
0x29b: {  	[sflag:s19] =	ssyncset.done $0x0  }
0x29c: {  	[sflag:s19] =	ssyncadd.s32 $0xFFFFE700  }
0x29d: {  	_ =	swait.ge [sflag:s26], $0x1900  }
0x29e: {  	[sflag:s26] =	ssyncset.done $0x0  }
0x29f: {  	s2 =	simm.s32 $0x0;
	[sflag:s26] =	ssyncadd.s32 $0xFFFFE700  }
0x2a0: {  	v0 =	vld [tilespmem:s2+$0x9670]  }
0x2a1: {  	v1 =	vld [tilespmem:s2+$0x3270]  }
0x2a2: {  	v2 =	vld [tilespmem:s2+$0x9600]  }
0x2a3: {  	v3 =	vld [tilespmem:s2+$0x3200]  }
0x2a4: {  	v4 =	vld [tilespmem:s2+$0x9610]  }
0x2a5: {  	v5 =	vld [tilespmem:s2+$0x3210]  }
0x2a6: {  	v6 =	vld [tilespmem:s2+$0x9620]  }
0x2a7: {  	v7 =	vld [tilespmem:s2+$0x9630]  }
0x2a8: {  	v0 =	vadd.f32 v1, v0;
	v1 =	vld [tilespmem:s2+$0x3220]  }
0x2a9: {  	v8 =	vld [tilespmem:s2+$0x3230]  }
0x2aa: {  	v9 =	vld [tilespmem:s2+$0x3240];
	v2 =	vadd.f32 v3, v2  }
0x2ab: {  	[tilespmem:s2+$0xFA70] =	vst v0;
	v0 =	vadd.f32 v5, v4;
	v5 =	vld [tilespmem:s2+$0x9640]  }
0x2ac: {  	v3 =	vld [tilespmem:s2+$0x3250];
	[tilespmem:s2+$0xFA00] =	vst v2  }
0x2ad: {  	v2 =	vld [tilespmem:s2+$0x9650];
	[tilespmem:s2+$0xFA10] =	vst v0;
	v0 =	vadd.f32 v1, v6  }
0x2ae: {  	v4 =	vld [tilespmem:s2+$0x3260];
	v6 =	vadd.f32 v8, v7  }
0x2af: {  	s29 =	simm.s32 $0x80;
	[tilespmem:s2+$0xFA20] =	vst v0;
	v0 =	vld [tilespmem:s2+$0x9660]  }
0x2b0: {  	s0 =	simm.s32 $0x400;
	v5 =	vadd.f32 v9, v5;
	v1 =	vld [tilespmem:s29+$0x9670];
	[tilespmem:s2+$0xFA30] =	vst v6  }
.LBB2_24:
0x2b1: {  	p0 =	sne.s32 s0, $0x6200;
	v6 =	vld [tilespmem:s29+$0x3270]  }
0x2b2: {  	v7 =	vld [tilespmem:s29+$0x9600];
	[tilespmem:s2+$0xFA40] =	vst v5;
	v2 =	vadd.f32 v3, v2  }
0x2b3: {  	v3 =	vld [tilespmem:s29+$0x3200]  }
0x2b4: {  	v5 =	vld [tilespmem:s29+$0x9610];
	[tilespmem:s2+$0xFA50] =	vst v2;
	v0 =	vadd.f32 v4, v0  }
0x2b5: {  	v2 =	vld [tilespmem:s29+$0x3210]  }
0x2b6: {  	v4 =	vld [tilespmem:s29+$0x9620];
	v1 =	vadd.f32 v6, v1;
	[tilespmem:s2+$0xFA60] =	vst v0;
	s2 =	smov.u32 s29  }
0x2b7: {  	v0 =	vld [tilespmem:s2+$0x3220]  }
0x2b8: {  	v3 =	vadd.f32 v3, v7;
	v6 =	vld [tilespmem:s2+$0x9630];
	[tilespmem:s2+$0xFA70] =	vst v1  }
0x2b9: {  	v1 =	vld [tilespmem:s2+$0x3230]  }
0x2ba: {  	[tilespmem:s2+$0xFA00] =	vst v3;
	v2 =	vadd.f32 v2, v5;
	v5 =	vld [tilespmem:s2+$0x9640]  }
0x2bb: {  	v7 =	vld [tilespmem:s2+$0x3240]  }
.Ltmp11:
0x2bc: {  	[tilespmem:s2+$0xFA10] =	vst v2;
	v0 =	vadd.f32 v0, v4;
	v2 =	vld [tilespmem:s2+$0x9650];
	(pc) =	sbr.rel @p0 .LBB2_24-.Ltmp11, $4  }
0x2bd: {  	v3 =	vld [tilespmem:s2+$0x3250]  }
0x2be: {  	[tilespmem:s2+$0xFA20] =	vst v0;
	v6 =	vadd.f32 v1, v6;
	v0 =	vld [tilespmem:s2+$0x9660]  }
0x2bf: {  	s29 =	sshra.s32 s0, $0x2;
	v4 =	vld [tilespmem:s2+$0x3260]  }
0x2c0: {  	s0 =	sadd.s32 $0x200, s0;
	v1 =	vld [tilespmem:s29+$0x9670];
	[tilespmem:s2+$0xFA30] =	vst v6;
	v5 =	vadd.f32 v7, v5  }
0x2c1: {  	v6 =	vld [tilespmem:s29+$0x3270]  }
0x2c2: {  	v7 =	vld [tilespmem:s29+$0x9600];
	[tilespmem:s2+$0xFA40] =	vst v5;
	v2 =	vadd.f32 v3, v2  }
0x2c3: {  	v3 =	vld [tilespmem:s29+$0x3200]  }
0x2c4: {  	v5 =	vld [tilespmem:s29+$0x9610];
	[tilespmem:s2+$0xFA50] =	vst v2;
	v0 =	vadd.f32 v4, v0  }
0x2c5: {  	v2 =	vld [tilespmem:s29+$0x3210]  }
0x2c6: {  	v4 =	vld [tilespmem:s29+$0x9620];
	[tilespmem:s2+$0xFA60] =	vst v0  }
0x2c7: {  	v0 =	vadd.f32 v6, v1;
	v1 =	vld [tilespmem:s29+$0x3220]  }
0x2c8: {  	v6 =	vld [tilespmem:s29+$0x9630]  }
0x2c9: {  	v3 =	vadd.f32 v3, v7;
	[tilespmem:s29+$0xFA70] =	vst v0;
	v0 =	vld [tilespmem:s29+$0x3230]  }
0x2ca: {  	v7 =	vld [tilespmem:s29+$0x3260]  }
0x2cb: {  	[tilespmem:s29+$0xFA00] =	vst v3;
	v2 =	vadd.f32 v2, v5;
	v3 =	vld [tilespmem:s29+$0x9640]  }
0x2cc: {  	v5 =	vld [tilespmem:s29+$0x3240]  }
0x2cd: {  	[tilespmem:s29+$0xFA10] =	vst v2;
	v1 =	vadd.f32 v1, v4;
	v2 =	vld [tilespmem:s29+$0x9650]  }
0x2ce: {  	v4 =	vld [tilespmem:s29+$0x3250]  }
0x2cf: {  	[tilespmem:s29+$0xFA20] =	vst v1;
	v1 =	vld [tilespmem:s29+$0x9660];
	_ =	sdelay $0x1  }
0x2d0: {  	v0 =	vadd.f32 v0, v6  }
0x2d1: {  	v3 =	vadd.f32 v5, v3  }
0x2d2: {  	[tilespmem:s29+$0xFA30] =	vst v0;
	v0 =	vadd.f32 v4, v2  }
0x2d3: {  	[tilespmem:s29+$0xFA40] =	vst v3;
	v1 =	vadd.f32 v7, v1  }
0x2d4: {  	[tilespmem:s29+$0xFA50] =	vst v0  }
0x2d5: {  	s0 =	simm.s32 $0x0;
	s31 =	rddreg [dreg:$0x12];
	[tilespmem:s29+$0xFA60] =	vst v1  }
0x2d6: {  	[hbm4b:s31+s0] =	stream.linear.scatter [tilespmem:s20], [sflag:$0x7], $0x1900, $0x38;
	[tilespmem:$0x12C00] =	vst v63  }
0x2d7: {  	_ =	swait.ge [sflag:s21], $0x1900  }
0x2d8: {  	[sflag:s21] =	ssyncset.done $0x0  }
0x2d9: {  	[sflag:s21] =	ssyncadd.s32 $0xFFFFE700  }
0x2da: {  	_ =	swait.ge [sflag:s28], $0x1900  }
0x2db: {  	[sflag:s28] =	ssyncset.done $0x0  }
0x2dc: {  	s2 =	simm.s32 $0x0;
	[sflag:s28] =	ssyncadd.s32 $0xFFFFE700  }
0x2dd: {  	v0 =	vld [tilespmem:s2+$0xAF70]  }
0x2de: {  	v1 =	vld [tilespmem:s2+$0x4B70]  }
0x2df: {  	v2 =	vld [tilespmem:s2+$0xAF00]  }
0x2e0: {  	v3 =	vld [tilespmem:s2+$0x4B00]  }
0x2e1: {  	v4 =	vld [tilespmem:s2+$0xAF10]  }
0x2e2: {  	v5 =	vld [tilespmem:s2+$0x4B10]  }
0x2e3: {  	v6 =	vld [tilespmem:s2+$0xAF20]  }
0x2e4: {  	v7 =	vld [tilespmem:s2+$0xAF30]  }
0x2e5: {  	v0 =	vadd.f32 v1, v0;
	v1 =	vld [tilespmem:s2+$0x4B20]  }
0x2e6: {  	v8 =	vld [tilespmem:s2+$0x4B30]  }
0x2e7: {  	v9 =	vld [tilespmem:s2+$0x4B40];
	v2 =	vadd.f32 v3, v2  }
0x2e8: {  	[tilespmem:s2+$0x11370] =	vst v0;
	v0 =	vadd.f32 v5, v4;
	v5 =	vld [tilespmem:s2+$0xAF40]  }
0x2e9: {  	v3 =	vld [tilespmem:s2+$0x4B50];
	[tilespmem:s2+$0x11300] =	vst v2  }
0x2ea: {  	v2 =	vld [tilespmem:s2+$0xAF50];
	[tilespmem:s2+$0x11310] =	vst v0;
	v0 =	vadd.f32 v1, v6  }
0x2eb: {  	v4 =	vld [tilespmem:s2+$0x4B60];
	v6 =	vadd.f32 v8, v7  }
0x2ec: {  	s29 =	simm.s32 $0x80;
	[tilespmem:s2+$0x11320] =	vst v0;
	v0 =	vld [tilespmem:s2+$0xAF60]  }
0x2ed: {  	s0 =	simm.s32 $0x400;
	v5 =	vadd.f32 v9, v5;
	v1 =	vld [tilespmem:s29+$0xAF70];
	[tilespmem:s2+$0x11330] =	vst v6  }
.LBB2_26:
0x2ee: {  	p0 =	sne.s32 s0, $0x6200;
	v6 =	vld [tilespmem:s29+$0x4B70]  }
0x2ef: {  	v7 =	vld [tilespmem:s29+$0xAF00];
	[tilespmem:s2+$0x11340] =	vst v5;
	v2 =	vadd.f32 v3, v2  }
0x2f0: {  	v3 =	vld [tilespmem:s29+$0x4B00]  }
0x2f1: {  	v5 =	vld [tilespmem:s29+$0xAF10];
	[tilespmem:s2+$0x11350] =	vst v2;
	v0 =	vadd.f32 v4, v0  }
0x2f2: {  	v2 =	vld [tilespmem:s29+$0x4B10]  }
0x2f3: {  	v4 =	vld [tilespmem:s29+$0xAF20];
	v1 =	vadd.f32 v6, v1;
	[tilespmem:s2+$0x11360] =	vst v0;
	s2 =	smov.u32 s29  }
0x2f4: {  	v0 =	vld [tilespmem:s2+$0x4B20]  }
0x2f5: {  	v3 =	vadd.f32 v3, v7;
	v6 =	vld [tilespmem:s2+$0xAF30];
	[tilespmem:s2+$0x11370] =	vst v1  }
0x2f6: {  	v1 =	vld [tilespmem:s2+$0x4B30]  }
0x2f7: {  	[tilespmem:s2+$0x11300] =	vst v3;
	v2 =	vadd.f32 v2, v5;
	v5 =	vld [tilespmem:s2+$0xAF40]  }
0x2f8: {  	v7 =	vld [tilespmem:s2+$0x4B40]  }
.Ltmp12:
0x2f9: {  	[tilespmem:s2+$0x11310] =	vst v2;
	v0 =	vadd.f32 v0, v4;
	v2 =	vld [tilespmem:s2+$0xAF50];
	(pc) =	sbr.rel @p0 .LBB2_26-.Ltmp12, $4  }
0x2fa: {  	v3 =	vld [tilespmem:s2+$0x4B50]  }
0x2fb: {  	[tilespmem:s2+$0x11320] =	vst v0;
	v6 =	vadd.f32 v1, v6;
	v0 =	vld [tilespmem:s2+$0xAF60]  }
0x2fc: {  	s29 =	sshra.s32 s0, $0x2;
	v4 =	vld [tilespmem:s2+$0x4B60]  }
0x2fd: {  	s0 =	sadd.s32 $0x200, s0;
	v1 =	vld [tilespmem:s29+$0xAF70];
	[tilespmem:s2+$0x11330] =	vst v6;
	v5 =	vadd.f32 v7, v5  }
0x2fe: {  	v6 =	vld [tilespmem:s29+$0x4B70]  }
0x2ff: {  	v7 =	vld [tilespmem:s29+$0xAF00];
	[tilespmem:s2+$0x11340] =	vst v5;
	v2 =	vadd.f32 v3, v2  }
0x300: {  	v51 =	vld [tilespmem:s29+$0x4B00]  }
0x301: {  	v5 =	vld [tilespmem:s29+$0xAF10];
	[tilespmem:s2+$0x11350] =	vst v2;
	v0 =	vadd.f32 v4, v0  }
0x302: {  	v2 =	vld [tilespmem:s29+$0x4B10]  }
0x303: {  	v52 =	vld [tilespmem:s29+$0xAF20];
	[tilespmem:s2+$0x11360] =	vst v0  }
0x304: {  	v54 =	vld [tilespmem:s29+$0x4B20]  }
0x305: {  	v55 =	vld [tilespmem:s29+$0xAF30]  }
0x306: {  	v56 =	vld [tilespmem:s29+$0x4B30]  }
0x307: {  	v57 =	vld [tilespmem:s29+$0xAF40]  }
0x308: {  	v58 =	vld [tilespmem:s29+$0x4B40]  }
0x309: {  	v59 =	vld [tilespmem:s29+$0xAF50]  }
0x30a: {  	v53 =	vadd.f32 v6, v1;
	v60 =	vld [tilespmem:s29+$0x4B50]  }
0x30b: {  	v61 =	vld [tilespmem:s29+$0xAF60];
	v3 =	vadd.f32 v51, v7  }
0x30c: {  	v62 =	vld [tilespmem:s29+$0x4B60];
	[tilespmem:s29+$0x11370] =	vst v53;
	v2 =	vadd.f32 v2, v5  }
0x30d: {  	[tilespmem:s29+$0x11300] =	vst v3;
	v1 =	vadd.f32 v54, v52  }
0x30e: {  	[tilespmem:s29+$0x11310] =	vst v2;
	v0 =	vadd.f32 v56, v55  }
0x30f: {  	v3 =	vadd.f32 v58, v57;
	[tilespmem:s29+$0x11320] =	vst v1  }
0x310: {  	v63 =	vadd.f32 v60, v59;
	[tilespmem:s29+$0x11330] =	vst v0  }
0x311: {  	[tilespmem:s29+$0x11340] =	vst v3;
	v1 =	vadd.f32 v62, v61  }
0x312: {  	[tilespmem:s29+$0x11350] =	vst v63  }
0x313: {  	s0 =	rddreg [dreg:$0x13];
	[tilespmem:s29+$0x11360] =	vst v1  }
0x314: {  	[hbm4b:s0+s5] =	stream.linear.scatter [tilespmem:s23], [sflag:$0x8], $0x1900, $0x38;
	[tilespmem:$0x12C00] =	vst v63  }
0x315: {  	_ =	swait.ge [sflag:s24], $0x1900  }
0x316: {  	[sflag:s24] =	ssyncset.done $0x0  }
0x317: {  	[sflag:s24] =	ssyncadd.s32 $0xFFFFE700  }
0x318: {  	_ =	swait.ge [sflag:s25], $0x1900  }
0x319: {  	[sflag:s25] =	ssyncset.done $0x0  }
0x31a: {  	[sflag:s25] =	ssyncadd.s32 $0xFFFFE700  }
0x31b: {  	_ =	swait.ge [sflag:s26], $0x1900  }
0x31c: {  	[sflag:s26] =	ssyncset.done $0x0  }
0x31d: {  	[sflag:s26] =	ssyncadd.s32 $0xFFFFE700  }
0x31e: {  	_ =	swait.ge [sflag:s28], $0x1900  }
0x31f: {  	s30 =	rddreg [dreg:$0x15]  }
0x320: {  	s31 =	rddreg [dreg:$0x14];
	s2 =	sadd.s32 $0x1, s30  }
0x321: {  	p0 =	sne.s32 s2, s31  }
.Ltmp13:
0x322: {  	_ = 	snop;
	(pc) =	sbr.rel @p0 .LBB2_1-.Ltmp13, $3  }
0x323: {  	_ =	sdelay $0x1  }
0x324: {  	[sflag:s28] =	ssyncset.done $0x0  }
0x325: {  	[sflag:s28] =	ssyncadd.s32 $0xFFFFE700  }
0x326: {  	_ =	sfence.sel $0x180000  }
0x327: {  	[bflag:$0x0] =	sbarrier.arrive $0xFFFF  }
0x328: {  	_ =	strace $0x90000047  }
0x329: {  	s0 =	stileid.u32;
	[bflag:$0x2] =	sbarrier.arrive $0xFFFF  }
0x32a: {  	p0 =	sne.s32 s0, $0x0;
	s0 =	rddreg [dreg:$0x3]  }
0x32b: {  	s0 =	sadd.s32 @!p0 $0x100000, s0  }
0x32c: {  	[sflag:s0] =	ssyncadd.tile.s32 @!p0 $0x1;
	_ =	shalt  }
.Lfunc_end2:
_tile_overlayer_lowered:
.L_overlay_start_2:
0x32d: {  	(tag) =	ssettag $0x2  }
0x32e: {  	s0 =	rddreg [dreg:$0x0];
	s2 =	stileid.u32  }
0x32f: {  	s1 =	rddreg [dreg:$0x1];
	p0 =	sne.s32 s2, $0x0  }
0x330: {  	s3 =	rddreg [dreg:$0x2];
	[bflag:$0x3] =	sbarrier.arrive $0xFFFF;
	s2 =	simm.s32 @!p0 $0x1C09  }
0x331: {  	[timem:s3], [sflag:s2] =	dma.local @!p0 [hbm:s0], s1  }
0x332: {  	s0 =	simm.s32 @!p0 $0x9  }
0x333: {  	_ =	swait.ge @!p0 [sflag:s0], s1  }
0x334: {  	s1 =	ssub.s32 @!p0 $0x0, s1;
	[sflag:s0] =	ssyncset.done @!p0 $0x0  }
0x335: {  	[sflag:s0] =	ssyncadd.s32 @!p0 s1  }
0x336: {  	[bflag:$0x3] =	sbarrier.arrive $0xFFFF  }
0x337: {  	_ =	shalt  }

</sc_bundles>
